<compile_context>
chip_gen: v7x
topology: tpu7x:2x2x1
jax: 0.10.2.dev20260603
libtpu: 0.0.44.dev20260713+nightly
codegen_flags: <defaults>
</compile_context>

<pallas_src>
import functools
import jax
import jax.numpy as jnp
from jax import lax
from jax.experimental import pallas as pl
from jax.experimental.pallas import tpu as pltpu
from jax.experimental.pallas import tpu_sc as plsc

NUM_USER = 2000
NUM_ITEM = 8000
NUM_NODES = NUM_USER + NUM_ITEM
N_EDGES = 320000
DIM_FEAT = 128
DIM = 64

ROWS = 2000


def _leaky(x):
    return jnp.where(x >= 0, x, 0.01 * x)


def _dense_a_body(feat_ref, pref_ref, wmlp_ref, bmlp_ref, conv_ref, wlin_ref,
                  blin_ref, id_ref, z_ref, xhat_ref):
    i = pl.program_id(0)
    t = jnp.tanh(
        lax.dot_general(feat_ref[...], wmlp_ref[...], (((1,), (1,)), ((), ())),
                        preferred_element_type=jnp.float32) + bmlp_ref[...])
    x = jnp.where(i == 0, pref_ref[...], t)
    ss = jnp.sum(x * x, axis=1, keepdims=True)
    x = x / jnp.maximum(jnp.sqrt(ss), 1e-12)
    xwb = jnp.dot(x, conv_ref[...], preferred_element_type=jnp.float32)
    z_ref[:, 0:DIM] = xwb
    z_ref[:, DIM:2 * DIM] = _leaky(xwb)
    xh = lax.dot_general(x, wlin_ref[...], (((1,), (1,)), ((), ())),
                         preferred_element_type=jnp.float32) + blin_ref[...]
    xhat_ref[...] = _leaky(xh) + id_ref[...]


def _dense_a(features, preference, W_mlp, b_mlp, conv1_w, W_lin1, b_lin1, id_emb):
    nb = NUM_NODES // ROWS
    full = lambda i: (0, 0)
    return pl.pallas_call(
        _dense_a_body,
        grid=(nb,),
        in_specs=[
            pl.BlockSpec((ROWS, DIM_FEAT), lambda i: (jnp.maximum(i - 1, 0), 0)),
            pl.BlockSpec((ROWS, DIM), full),
            pl.BlockSpec((DIM, DIM_FEAT), full),
            pl.BlockSpec((1, DIM), full),
            pl.BlockSpec((DIM, DIM), full),
            pl.BlockSpec((DIM, DIM), full),
            pl.BlockSpec((1, DIM), full),
            pl.BlockSpec((ROWS, DIM), lambda i: (i, 0)),
        ],
        out_specs=[
            pl.BlockSpec((ROWS, 2 * DIM), lambda i: (i, 0)),
            pl.BlockSpec((ROWS, DIM), lambda i: (i, 0)),
        ],
        out_shape=[
            jax.ShapeDtypeStruct((NUM_NODES, 2 * DIM), jnp.float32),
            jax.ShapeDtypeStruct((NUM_NODES, DIM), jnp.float32),
        ],
    )(features, preference, W_mlp, b_mlp.reshape(1, DIM), conv1_w, W_lin1,
      b_lin1.reshape(1, DIM), id_emb)



NW = 32
EPW = N_EDGES // NW
CH = 80
NCHUNK = EPW // CH
WIDTH = 2 * DIM
RPT = 1000
CPB = 25
NBLK = NCHUNK // CPB


def _sc_edge_body(z_hbm, srcx_hbm, dstx_hbm, zeros_hbm, out_hbm,
                  si_v, di_v, bs0, bd0, bs1, bd1, ss0, sd0, ss1, sd1, acc):
    c = lax.axis_index("c")
    s = lax.axis_index("s")
    wid = c * 16 + s

    @pl.when(s < 10)
    def _init():
        pltpu.sync_copy(zeros_hbm, acc.at[pl.ds(s * RPT, RPT)])
    plsc.subcore_barrier()

    iota = lax.iota(jnp.int32, 16)
    bufs = ((bs0, bd0, ss0, sd0), (bs1, bd1, ss1, sd1))

    def issue(j, p):
        bs, bd, sems, semd = bufs[p]
        pltpu.async_copy(z_hbm.at[si_v.at[j]], bs, sems)
        pltpu.async_copy(z_hbm.at[di_v.at[j]], bd, semd)

    def wait(p):
        bs, bd, sems, semd = bufs[p]
        pltpu.make_async_copy(z_hbm.at[pl.ds(0, CH)], bs, sems).wait()
        pltpu.make_async_copy(z_hbm.at[pl.ds(0, CH)], bd, semd).wait()

    def compute(j, p):
        bs, bd, _, _ = bufs[p]
        def group(g, gc):
            rows = iota + (g * 16)

            def dot16(tt, a):
                for dt in range(16):
                    ft = (iota + (tt * 16 + dt)) & (DIM - 1)
                    vi = plsc.load_gather(bd, [rows, ft])
                    vy = plsc.load_gather(bs, [rows, ft + DIM])
                    a = a + vi * vy
                return a

            acc_e = lax.fori_loop(0, DIM // 16, dot16, jnp.zeros((16,), jnp.float32))
            we = jnp.exp(acc_e)

            def scale16(tt, a):
                for dt in range(16):
                    ft = (iota + (tt * 16 + dt)) & (DIM - 1)
                    g1 = plsc.load_gather(bs, [rows, ft])
                    plsc.store_scatter(bs, [rows, ft], we * g1)
                return a

            lax.fori_loop(0, DIM // 16, scale16, 0)
            plsc.store_scatter(bs, [rows, jnp.full((16,), DIM, jnp.int32)], we)
            return gc
        lax.fori_loop(0, CH // 16, group, 0)
        pltpu.sync_copy(bs, acc.at[di_v.at[j]], add=True)

    def block(b, carry0):
        pltpu.sync_copy(srcx_hbm.at[wid, b], si_v)
        pltpu.sync_copy(dstx_hbm.at[wid, b], di_v)
        issue(0, 0)

        def pair(jj, carry):
            for b2 in range(2):
                j = jj * 2 + b2
                p = b2
                wait(p)
                issue(j + 1, 1 - p)
                compute(j, p)
            return carry

        lax.fori_loop(0, (CPB - 1) // 2, pair, 0)
        wait(0)
        compute(CPB - 1, 0)
        return carry0

    lax.fori_loop(0, NBLK, block, 0)
    plsc.subcore_barrier()

    @pl.when(s < 10)
    def _readout():
        off = c * NUM_NODES + s * RPT
        pltpu.sync_copy(acc.at[pl.ds(s * RPT, RPT)],
                        out_hbm.at[pl.ds(off, RPT)])


def _sc_edge(z, srcx, dstx, zeros128):
    mesh = plsc.VectorSubcoreMesh(core_axis_name="c", subcore_axis_name="s")
    f = pl.kernel(
        _sc_edge_body,
        mesh=mesh,
        out_type=jax.ShapeDtypeStruct((2 * NUM_NODES, WIDTH), jnp.float32),
        compiler_params=pltpu.CompilerParams(needs_layout_passes=False),
        scratch_types=[
            pltpu.VMEM((CPB, CH), jnp.int32),
            pltpu.VMEM((CPB, CH), jnp.int32),
            pltpu.VMEM((CH, WIDTH), jnp.float32),
            pltpu.VMEM((CH, WIDTH), jnp.float32),
            pltpu.VMEM((CH, WIDTH), jnp.float32),
            pltpu.VMEM((CH, WIDTH), jnp.float32),
            pltpu.SemaphoreType.DMA,
            pltpu.SemaphoreType.DMA,
            pltpu.SemaphoreType.DMA,
            pltpu.SemaphoreType.DMA,
            pltpu.VMEM_SHARED((NUM_NODES, WIDTH), jnp.float32),
        ],
    )
    return f(z, srcx, dstx, zeros128)


def _dense_c_body(p0_ref, p1_ref, xhat_ref, wg_ref, bg_ref, out_ref):
    num = p0_ref[:, 0:DIM] + p1_ref[:, 0:DIM]
    den = p0_ref[:, DIM:DIM + 1] + p1_ref[:, DIM:DIM + 1]
    h = _leaky(num / (den + 1e-16))
    o = lax.dot_general(h, wg_ref[...], (((1,), (1,)), ((), ())),
                        preferred_element_type=jnp.float32) + bg_ref[...]
    out_ref[...] = _leaky(o + xhat_ref[...])


def _dense_c(h_all, x_hat, W_g1, b_g1):
    nb = NUM_NODES // ROWS
    full = lambda i: (0, 0)
    return pl.pallas_call(
        _dense_c_body,
        grid=(nb,),
        in_specs=[
            pl.BlockSpec((ROWS, WIDTH), lambda i: (i, 0)),
            pl.BlockSpec((ROWS, WIDTH), lambda i: (i + nb, 0)),
            pl.BlockSpec((ROWS, DIM), lambda i: (i, 0)),
            pl.BlockSpec((DIM, DIM), full),
            pl.BlockSpec((1, DIM), full),
        ],
        out_specs=pl.BlockSpec((ROWS, DIM), lambda i: (i, 0)),
        out_shape=jax.ShapeDtypeStruct((NUM_NODES, DIM), jnp.float32),
    )(h_all, h_all, x_hat, W_g1, b_g1.reshape(1, DIM))


def kernel(features, edge_index, preference, W_mlp, b_mlp, conv1_w, W_lin1,
           b_lin1, W_g1, b_g1, id_emb):
    z, x_hat = _dense_a(features, preference, W_mlp, b_mlp, conv1_w, W_lin1,
                        b_lin1, id_emb)
    srcx = edge_index[0].reshape(NW, NBLK, CPB, CH)
    dstx = edge_index[1].reshape(NW, NBLK, CPB, CH)
    zeros128 = jnp.zeros((RPT, WIDTH), jnp.float32)
    h_all = _sc_edge(z, srcx, dstx, zeros128)
    return _dense_c(h_all, x_hat, W_g1, b_g1)

# --- scband reference (transcript-rebuilt; emitter-appended) ---
"""Pipeline reference for scband-gnn-32504312496880 (READ-ONLY COPY).

The authoritative reference and input builder live on the scoring server;
editing this copy changes nothing except your own understanding.
"""

import jax, jax.numpy as jnp
import numpy as np

NUM_USER = 2000
NUM_ITEM = 8000
NUM_NODES = NUM_USER + NUM_ITEM
N_EDGES = 320000
DIM_FEAT = 128
DIM_LATENT = 64
DIM_ID = 64

def _xavier(key, shape):
    fan_in, fan_out = shape[1], shape[0]
    std = (2.0 / (fan_in + fan_out)) ** 0.5
    return jax.random.normal(key, shape, dtype=jnp.float32) * std

def setup_inputs(seed: int = 0):
    key = jax.random.key(seed)
    ks = jax.random.split(key, 12)
    features = jax.random.normal(ks[0], (NUM_ITEM, DIM_FEAT), dtype=jnp.float32)
    edge_index = jax.random.randint(ks[1], (2, N_EDGES), 0, NUM_NODES, dtype=jnp.int32)
    preference = _xavier(ks[2], (NUM_USER, DIM_LATENT))
    W_mlp = _xavier(ks[3], (DIM_LATENT, DIM_FEAT))
    b_mlp = jnp.zeros((DIM_LATENT,), dtype=jnp.float32)
    conv1_w = _xavier(ks[4], (DIM_LATENT, DIM_LATENT))
    W_lin1 = _xavier(ks[5], (DIM_ID, DIM_LATENT))
    b_lin1 = jnp.zeros((DIM_ID,), dtype=jnp.float32)
    W_g1 = _xavier(ks[6], (DIM_ID, DIM_LATENT))
    b_g1 = jnp.zeros((DIM_ID,), dtype=jnp.float32)
    id_emb = jax.random.normal(ks[7], (NUM_NODES, DIM_ID), dtype=jnp.float32)
    return {"features": features, "edge_index": edge_index, "preference": preference,
            "W_mlp": W_mlp, "b_mlp": b_mlp, "conv1_w": conv1_w,
            "W_lin1": W_lin1, "b_lin1": b_lin1, "W_g1": W_g1, "b_g1": b_g1,
            "id_emb": id_emb}

def _graph_gat(x, edge_index, weight):
    # GAT-style message passing with aggr='add' (MGAT GraphGAT):
    # messages x_j transformed by weight, attention = segment-softmax over dst of
    # <x_i, leaky_relu(x_j)>, then scatter-add of alpha * x_j.
    xw = x @ weight
    src = edge_index[0]
    dst = edge_index[1]
    x_j = jnp.take(xw, src, axis=0)
    x_i = jnp.take(xw, dst, axis=0)
    e = jnp.sum(x_i * jax.nn.leaky_relu(x_j, 0.01), axis=-1)
    e_max = jax.ops.segment_max(e, dst, num_segments=NUM_NODES)
    e_max = jnp.where(jnp.isfinite(e_max), e_max, 0.0)
    ex = jnp.exp(e - jnp.take(e_max, dst, axis=0))
    denom = jax.ops.segment_sum(ex, dst, num_segments=NUM_NODES)
    alpha = ex / (jnp.take(denom, dst, axis=0) + 1e-16)
    out = jax.ops.segment_sum(alpha[:, None] * x_j, dst, num_segments=NUM_NODES)
    return out

def reference(features, edge_index, preference, W_mlp, b_mlp, conv1_w, W_lin1, b_lin1, W_g1, b_g1, id_emb):
    temp_features = jnp.tanh(features @ W_mlp.T + b_mlp)
    x = jnp.concatenate([preference, temp_features], axis=0)
    norm = jnp.linalg.norm(x, axis=1, keepdims=True)
    x = x / jnp.maximum(norm, 1e-12)
    h = jax.nn.leaky_relu(_graph_gat(x, edge_index, conv1_w), 0.01)
    x_hat = jax.nn.leaky_relu(x @ W_lin1.T + b_lin1, 0.01) + id_emb
    x_1 = jax.nn.leaky_relu(h @ W_g1.T + b_g1 + x_hat, 0.01)
    return x_1

if __name__ == "__main__":
    import jax
    _d = setup_inputs()
    print(jax.jit(kernel)(*tuple(_d.values())))

</pallas_src>

<mosaic_0001>
#map = affine_map<(d0, d1) -> (0, 0)>
#map1 = affine_map<(d0, d1) -> (0, 0, 0, 0)>
module attributes {stable_mosaic.version = 14 : i64} {
  func.func @_sc_edge_body(%arg0: i32, %arg1: i32, %arg2: memref<10000x128xf32, #tpu.memory_space<hbm>>, %arg3: memref<32x5x25x80xi32, #tpu.memory_space<hbm>>, %arg4: memref<32x5x25x80xi32, #tpu.memory_space<hbm>>, %arg5: memref<1000x128xf32, #tpu.memory_space<hbm>>, %arg6: memref<20000x128xf32, #tpu.memory_space<hbm>>, %arg7: memref<25x80xi32, #tpu.memory_space<vmem>>, %arg8: memref<25x80xi32, #tpu.memory_space<vmem>>, %arg9: memref<80x128xf32, #tpu.memory_space<vmem>>, %arg10: memref<80x128xf32, #tpu.memory_space<vmem>>, %arg11: memref<80x128xf32, #tpu.memory_space<vmem>>, %arg12: memref<80x128xf32, #tpu.memory_space<vmem>>, %arg13: memref<!tpu.dma_semaphore, #tpu.memory_space<semaphore_mem>>, %arg14: memref<!tpu.dma_semaphore, #tpu.memory_space<semaphore_mem>>, %arg15: memref<!tpu.dma_semaphore, #tpu.memory_space<semaphore_mem>>, %arg16: memref<!tpu.dma_semaphore, #tpu.memory_space<semaphore_mem>>, %arg17: memref<10000x128xf32, #tpu.memory_space<vmem_shared>>) attributes {dimension_semantics = [#tpu.dimension_semantics<core_parallel>, #tpu.dimension_semantics<subcore_parallel>], iteration_bounds = array<i64: 2, 16>, scalar_prefetch = 0 : i64, scratch_operands = 11 : i64, tpu.core_type = #tpu.core_type<sc_vector_subcore>, window_params = [{transform_indices = #map}, {transform_indices = #map1}, {transform_indices = #map1}, {transform_indices = #map}, {transform_indices = #map}]} {
    %mul3A = arith.constant 16 : i32
    %mul3A_0 = arith.muli %arg0, %mul3A : i32
    %add3A = arith.addi %mul3A_0, %arg1 : i32
    %lt3A = arith.constant 10 : i32
    %lt3A_1 = arith.cmpi slt, %arg1, %lt3A : i32
    %convert_element_type3A = arith.extui %lt3A_1 : i1 to i32
    %cond3A = arith.constant 0 : i32
    %cond3A_2 = arith.cmpi ne, %convert_element_type3A, %cond3A : i32
    scf.if %cond3A_2 {
      %mul3A_14 = arith.constant 1000 : i32
      %mul3A_15 = arith.muli %arg1, %mul3A_14 : i32
      "tpu.region"() ({
        %run_scoped3A = tpu.sem_alloc : memref<!tpu.dma_semaphore, #tpu.memory_space<semaphore_mem>>
        %dma_start3A = arith.constant 0 : i32
        %dma_start3A_16 = tpu.memref_slice %arg17[%mul3A_15, %dma_start3A] : memref<10000x128xf32, #tpu.memory_space<vmem_shared>> -> memref<1000x128xf32, #tpu.memory_space<vmem_shared>>
        tpu.enqueue_dma source(%arg5 : memref<1000x128xf32, #tpu.memory_space<hbm>>) target(%dma_start3A_16 : memref<1000x128xf32, #tpu.memory_space<vmem_shared>>) target_semaphore(%run_scoped3A : memref<!tpu.dma_semaphore, #tpu.memory_space<semaphore_mem>>)
        %dma_wait3A = arith.constant 0 : i32
        %dma_wait3A_17 = tpu.memref_slice %arg17[%mul3A_15, %dma_wait3A] : memref<10000x128xf32, #tpu.memory_space<vmem_shared>> -> memref<1000x128xf32, #tpu.memory_space<vmem_shared>>
        tpu.wait_dma2 semaphore(%run_scoped3A : memref<!tpu.dma_semaphore, #tpu.memory_space<semaphore_mem>>) src(%arg5 : memref<1000x128xf32, #tpu.memory_space<hbm>>) dst(%dma_wait3A_17 : memref<1000x128xf32, #tpu.memory_space<vmem_shared>>)
        tpu.yield
      }) : () -> ()
    } else {
    }
    %barrier3A = arith.constant 0 : index
    tpu.barrier barrier_id(%barrier3A)
    %iota3A = tpu.iota {dimensions = array<i32: 0>} : vector<16xi32>
    %scan3A = arith.constant 0 : i32
    %scan3A_3 = arith.constant 0 : i32
    %scan3A_4 = arith.constant 5 : i32
    %scan3A_5 = arith.addi %scan3A_3, %scan3A_4 : i32
    %scan3A_6 = arith.constant 1 : i32
    scf.for %scan3A_14 = %scan3A_3 to %scan3A_5 step %scan3A_6  : i32 {
      "tpu.region"() ({
        %run_scoped3A_51 = tpu.sem_alloc : memref<!tpu.dma_semaphore, #tpu.memory_space<semaphore_mem>>
        %dma_start3A_52 = arith.constant 0 : i32
        %dma_start3A_53 = arith.constant 0 : i32
        %dma_start3A_54 = tpu.memref_slice %arg3[%add3A, %scan3A_14, %dma_start3A_52, %dma_start3A_53] : memref<32x5x25x80xi32, #tpu.memory_space<hbm>> -> memref<1x1x25x80xi32, #tpu.memory_space<hbm>>
        %dma_start3A_55 = tpu.memref_squeeze %dma_start3A_54 : memref<1x1x25x80xi32, #tpu.memory_space<hbm>> -> memref<25x80xi32, #tpu.memory_space<hbm>>
        %dma_start3A_56 = arith.constant 0 : i32
        %dma_start3A_57 = arith.constant 0 : i32
        %dma_start3A_58 = tpu.memref_slice %arg3[%add3A, %scan3A_14, %dma_start3A_56, %dma_start3A_57] : memref<32x5x25x80xi32, #tpu.memory_space<hbm>> -> memref<1x1x25x80xi32, #tpu.memory_space<hbm>>
        %dma_start3A_59 = tpu.memref_squeeze %dma_start3A_58 : memref<1x1x25x80xi32, #tpu.memory_space<hbm>> -> memref<25x80xi32, #tpu.memory_space<hbm>>
        tpu.enqueue_dma source(%dma_start3A_59 : memref<25x80xi32, #tpu.memory_space<hbm>>) target(%arg7 : memref<25x80xi32, #tpu.memory_space<vmem>>) target_semaphore(%run_scoped3A_51 : memref<!tpu.dma_semaphore, #tpu.memory_space<semaphore_mem>>)
        %dma_wait3A_60 = arith.constant 0 : i32
        %dma_wait3A_61 = arith.constant 0 : i32
        %dma_wait3A_62 = tpu.memref_slice %arg3[%add3A, %scan3A_14, %dma_wait3A_60, %dma_wait3A_61] : memref<32x5x25x80xi32, #tpu.memory_space<hbm>> -> memref<1x1x25x80xi32, #tpu.memory_space<hbm>>
        %dma_wait3A_63 = tpu.memref_squeeze %dma_wait3A_62 : memref<1x1x25x80xi32, #tpu.memory_space<hbm>> -> memref<25x80xi32, #tpu.memory_space<hbm>>
        %dma_wait3A_64 = arith.constant 0 : i32
        %dma_wait3A_65 = arith.constant 0 : i32
        %dma_wait3A_66 = tpu.memref_slice %arg3[%add3A, %scan3A_14, %dma_wait3A_64, %dma_wait3A_65] : memref<32x5x25x80xi32, #tpu.memory_space<hbm>> -> memref<1x1x25x80xi32, #tpu.memory_space<hbm>>
        %dma_wait3A_67 = tpu.memref_squeeze %dma_wait3A_66 : memref<1x1x25x80xi32, #tpu.memory_space<hbm>> -> memref<25x80xi32, #tpu.memory_space<hbm>>
        tpu.wait_dma2 semaphore(%run_scoped3A_51 : memref<!tpu.dma_semaphore, #tpu.memory_space<semaphore_mem>>) src(%dma_wait3A_67 : memref<25x80xi32, #tpu.memory_space<hbm>>) dst(%arg7 : memref<25x80xi32, #tpu.memory_space<vmem>>)
        tpu.yield
      }) : () -> ()
      "tpu.region"() ({
        %run_scoped3A_51 = tpu.sem_alloc : memref<!tpu.dma_semaphore, #tpu.memory_space<semaphore_mem>>
        %dma_start3A_52 = arith.constant 0 : i32
        %dma_start3A_53 = arith.constant 0 : i32
        %dma_start3A_54 = tpu.memref_slice %arg4[%add3A, %scan3A_14, %dma_start3A_52, %dma_start3A_53] : memref<32x5x25x80xi32, #tpu.memory_space<hbm>> -> memref<1x1x25x80xi32, #tpu.memory_space<hbm>>
        %dma_start3A_55 = tpu.memref_squeeze %dma_start3A_54 : memref<1x1x25x80xi32, #tpu.memory_space<hbm>> -> memref<25x80xi32, #tpu.memory_space<hbm>>
        %dma_start3A_56 = arith.constant 0 : i32
        %dma_start3A_57 = arith.constant 0 : i32
        %dma_start3A_58 = tpu.memref_slice %arg4[%add3A, %scan3A_14, %dma_start3A_56, %dma_start3A_57] : memref<32x5x25x80xi32, #tpu.memory_space<hbm>> -> memref<1x1x25x80xi32, #tpu.memory_space<hbm>>
        %dma_start3A_59 = tpu.memref_squeeze %dma_start3A_58 : memref<1x1x25x80xi32, #tpu.memory_space<hbm>> -> memref<25x80xi32, #tpu.memory_space<hbm>>
        tpu.enqueue_dma source(%dma_start3A_59 : memref<25x80xi32, #tpu.memory_space<hbm>>) target(%arg8 : memref<25x80xi32, #tpu.memory_space<vmem>>) target_semaphore(%run_scoped3A_51 : memref<!tpu.dma_semaphore, #tpu.memory_space<semaphore_mem>>)
        %dma_wait3A_60 = arith.constant 0 : i32
        %dma_wait3A_61 = arith.constant 0 : i32
        %dma_wait3A_62 = tpu.memref_slice %arg4[%add3A, %scan3A_14, %dma_wait3A_60, %dma_wait3A_61] : memref<32x5x25x80xi32, #tpu.memory_space<hbm>> -> memref<1x1x25x80xi32, #tpu.memory_space<hbm>>
        %dma_wait3A_63 = tpu.memref_squeeze %dma_wait3A_62 : memref<1x1x25x80xi32, #tpu.memory_space<hbm>> -> memref<25x80xi32, #tpu.memory_space<hbm>>
        %dma_wait3A_64 = arith.constant 0 : i32
        %dma_wait3A_65 = arith.constant 0 : i32
        %dma_wait3A_66 = tpu.memref_slice %arg4[%add3A, %scan3A_14, %dma_wait3A_64, %dma_wait3A_65] : memref<32x5x25x80xi32, #tpu.memory_space<hbm>> -> memref<1x1x25x80xi32, #tpu.memory_space<hbm>>
        %dma_wait3A_67 = tpu.memref_squeeze %dma_wait3A_66 : memref<1x1x25x80xi32, #tpu.memory_space<hbm>> -> memref<25x80xi32, #tpu.memory_space<hbm>>
        tpu.wait_dma2 semaphore(%run_scoped3A_51 : memref<!tpu.dma_semaphore, #tpu.memory_space<semaphore_mem>>) src(%dma_wait3A_67 : memref<25x80xi32, #tpu.memory_space<hbm>>) dst(%arg8 : memref<25x80xi32, #tpu.memory_space<vmem>>)
        tpu.yield
      }) : () -> ()
      %dma_start3A = arith.constant 0 : i32
      %dma_start3A_15 = arith.constant 0 : i32
      %dma_start3A_16 = tpu.memref_slice %arg7[%dma_start3A, %dma_start3A_15] : memref<25x80xi32, #tpu.memory_space<vmem>> -> memref<1x80xi32, #tpu.memory_space<vmem>>
      %dma_start3A_17 = tpu.memref_squeeze %dma_start3A_16 : memref<1x80xi32, #tpu.memory_space<vmem>> -> memref<80xi32, #tpu.memory_space<vmem>>
      %dma_start3A_18 = arith.constant 0 : i32
      %dma_start3A_19 = arith.constant 0 : i32
      %dma_start3A_20 = tpu.memref_slice %arg2[%dma_start3A_18, %dma_start3A_19] : memref<10000x128xf32, #tpu.memory_space<hbm>> -> memref<10000x128xf32, #tpu.memory_space<hbm>>
      tpu.enqueue_indirect_dma source(%dma_start3A_20 : memref<10000x128xf32, #tpu.memory_space<hbm>>) target(%arg9 : memref<80x128xf32, #tpu.memory_space<vmem>>) offsets(%dma_start3A_17 : memref<80xi32, #tpu.memory_space<vmem>>) semaphore(%arg13 : memref<!tpu.dma_semaphore, #tpu.memory_space<semaphore_mem>>)
      %dma_start3A_21 = arith.constant 0 : i32
      %dma_start3A_22 = arith.constant 0 : i32
      %dma_start3A_23 = tpu.memref_slice %arg8[%dma_start3A_21, %dma_start3A_22] : memref<25x80xi32, #tpu.memory_space<vmem>> -> memref<1x80xi32, #tpu.memory_space<vmem>>
      %dma_start3A_24 = tpu.memref_squeeze %dma_start3A_23 : memref<1x80xi32, #tpu.memory_space<vmem>> -> memref<80xi32, #tpu.memory_space<vmem>>
      %dma_start3A_25 = arith.constant 0 : i32
      %dma_start3A_26 = arith.constant 0 : i32
      %dma_start3A_27 = tpu.memref_slice %arg2[%dma_start3A_25, %dma_start3A_26] : memref<10000x128xf32, #tpu.memory_space<hbm>> -> memref<10000x128xf32, #tpu.memory_space<hbm>>
      tpu.enqueue_indirect_dma source(%dma_start3A_27 : memref<10000x128xf32, #tpu.memory_space<hbm>>) target(%arg10 : memref<80x128xf32, #tpu.memory_space<vmem>>) offsets(%dma_start3A_24 : memref<80xi32, #tpu.memory_space<vmem>>) semaphore(%arg14 : memref<!tpu.dma_semaphore, #tpu.memory_space<semaphore_mem>>)
      %scan3A_28 = arith.constant 0 : i32
      %scan3A_29 = arith.constant 0 : i32
      %scan3A_30 = arith.constant 12 : i32
      %scan3A_31 = arith.addi %scan3A_29, %scan3A_30 : i32
      %scan3A_32 = arith.constant 1 : i32
      scf.for %scan3A_51 = %scan3A_29 to %scan3A_31 step %scan3A_32  : i32 {
        %mul3A_52 = arith.constant 2 : i32
        %mul3A_53 = arith.muli %scan3A_51, %mul3A_52 : i32
        %add3A_54 = arith.constant 0 : i32
        %add3A_55 = arith.addi %mul3A_53, %add3A_54 : i32
        %dma_wait3A_56 = arith.constant 0 : i32
        %dma_wait3A_57 = arith.constant 0 : i32
        %dma_wait3A_58 = tpu.memref_slice %arg2[%dma_wait3A_56, %dma_wait3A_57] : memref<10000x128xf32, #tpu.memory_space<hbm>> -> memref<80x128xf32, #tpu.memory_space<hbm>>
        %dma_wait3A_59 = arith.constant 0 : i32
        %dma_wait3A_60 = arith.constant 0 : i32
        %dma_wait3A_61 = tpu.memref_slice %arg2[%dma_wait3A_59, %dma_wait3A_60] : memref<10000x128xf32, #tpu.memory_space<hbm>> -> memref<80x128xf32, #tpu.memory_space<hbm>>
        tpu.wait_dma2 semaphore(%arg13 : memref<!tpu.dma_semaphore, #tpu.memory_space<semaphore_mem>>) src(%dma_wait3A_61 : memref<80x128xf32, #tpu.memory_space<hbm>>) dst(%arg9 : memref<80x128xf32, #tpu.memory_space<vmem>>)
        %dma_wait3A_62 = arith.constant 0 : i32
        %dma_wait3A_63 = arith.constant 0 : i32
        %dma_wait3A_64 = tpu.memref_slice %arg2[%dma_wait3A_62, %dma_wait3A_63] : memref<10000x128xf32, #tpu.memory_space<hbm>> -> memref<80x128xf32, #tpu.memory_space<hbm>>
        %dma_wait3A_65 = arith.constant 0 : i32
        %dma_wait3A_66 = arith.constant 0 : i32
        %dma_wait3A_67 = tpu.memref_slice %arg2[%dma_wait3A_65, %dma_wait3A_66] : memref<10000x128xf32, #tpu.memory_space<hbm>> -> memref<80x128xf32, #tpu.memory_space<hbm>>
        tpu.wait_dma2 semaphore(%arg14 : memref<!tpu.dma_semaphore, #tpu.memory_space<semaphore_mem>>) src(%dma_wait3A_67 : memref<80x128xf32, #tpu.memory_space<hbm>>) dst(%arg10 : memref<80x128xf32, #tpu.memory_space<vmem>>)
        %add3A_68 = arith.constant 1 : i32
        %add3A_69 = arith.addi %add3A_55, %add3A_68 : i32
        %dma_start3A_70 = arith.constant 0 : i32
        %dma_start3A_71 = tpu.memref_slice %arg7[%add3A_69, %dma_start3A_70] : memref<25x80xi32, #tpu.memory_space<vmem>> -> memref<1x80xi32, #tpu.memory_space<vmem>>
        %dma_start3A_72 = tpu.memref_squeeze %dma_start3A_71 : memref<1x80xi32, #tpu.memory_space<vmem>> -> memref<80xi32, #tpu.memory_space<vmem>>
        %dma_start3A_73 = arith.constant 0 : i32
        %dma_start3A_74 = arith.constant 0 : i32
        %dma_start3A_75 = tpu.memref_slice %arg2[%dma_start3A_73, %dma_start3A_74] : memref<10000x128xf32, #tpu.memory_space<hbm>> -> memref<10000x128xf32, #tpu.memory_space<hbm>>
        tpu.enqueue_indirect_dma source(%dma_start3A_75 : memref<10000x128xf32, #tpu.memory_space<hbm>>) target(%arg11 : memref<80x128xf32, #tpu.memory_space<vmem>>) offsets(%dma_start3A_72 : memref<80xi32, #tpu.memory_space<vmem>>) semaphore(%arg15 : memref<!tpu.dma_semaphore, #tpu.memory_space<semaphore_mem>>)
        %dma_start3A_76 = arith.constant 0 : i32
        %dma_start3A_77 = tpu.memref_slice %arg8[%add3A_69, %dma_start3A_76] : memref<25x80xi32, #tpu.memory_space<vmem>> -> memref<1x80xi32, #tpu.memory_space<vmem>>
        %dma_start3A_78 = tpu.memref_squeeze %dma_start3A_77 : memref<1x80xi32, #tpu.memory_space<vmem>> -> memref<80xi32, #tpu.memory_space<vmem>>
        %dma_start3A_79 = arith.constant 0 : i32
        %dma_start3A_80 = arith.constant 0 : i32
        %dma_start3A_81 = tpu.memref_slice %arg2[%dma_start3A_79, %dma_start3A_80] : memref<10000x128xf32, #tpu.memory_space<hbm>> -> memref<10000x128xf32, #tpu.memory_space<hbm>>
        tpu.enqueue_indirect_dma source(%dma_start3A_81 : memref<10000x128xf32, #tpu.memory_space<hbm>>) target(%arg12 : memref<80x128xf32, #tpu.memory_space<vmem>>) offsets(%dma_start3A_78 : memref<80xi32, #tpu.memory_space<vmem>>) semaphore(%arg16 : memref<!tpu.dma_semaphore, #tpu.memory_space<semaphore_mem>>)
        %scan3A_82 = arith.constant 0 : i32
        %scan3A_83 = arith.constant 0 : i32
        %scan3A_84 = arith.constant 5 : i32
        %scan3A_85 = arith.addi %scan3A_83, %scan3A_84 : i32
        %scan3A_86 = arith.constant 1 : i32
        scf.for %scan3A_124 = %scan3A_83 to %scan3A_85 step %scan3A_86  : i32 {
          %mul3A_125 = arith.constant 16 : i32
          %mul3A_126 = arith.muli %scan3A_124, %mul3A_125 : i32
          %add3A_127 = vector.broadcast %mul3A_126 : i32 to vector<16xi32>
          %add3A_128 = arith.addi %iota3A, %add3A_127 : vector<16xi32>
          %broadcast_in_dim3A = arith.constant 0.000000e+00 : f32
          %broadcast_in_dim3A_129 = vector.broadcast %broadcast_in_dim3A : f32 to vector<16xf32>
          %scan3A_130 = arith.constant 0 : i32
          %scan3A_131 = arith.constant 4 : i32
          %scan3A_132 = arith.addi %scan3A_130, %scan3A_131 : i32
          %scan3A_133 = arith.constant 1 : i32
          %scan3A_134 = scf.for %scan3A_144 = %scan3A_130 to %scan3A_132 step %scan3A_133 iter_args(%scan3A_145 = %broadcast_in_dim3A_129) -> (vector<16xf32>)  : i32 {
            %mul3A_146 = arith.constant 16 : i32
            %mul3A_147 = arith.muli %scan3A_144, %mul3A_146 : i32
            %add3A_148 = arith.constant 0 : i32
            %add3A_149 = arith.addi %mul3A_147, %add3A_148 : i32
            %add3A_150 = vector.broadcast %add3A_149 : i32 to vector<16xi32>
            %add3A_151 = arith.addi %iota3A, %add3A_150 : vector<16xi32>
            %and3A = arith.constant 63 : i32
            %and3A_152 = vector.broadcast %and3A : i32 to vector<16xi32>
            %and3A_153 = arith.andi %add3A_151, %and3A_152 : vector<16xi32>
            %gather3A = tpu.vector_load_idx %arg10[%add3A_128, %and3A_153] : memref<80x128xf32, #tpu.memory_space<vmem>>[vector<16xi32>, vector<16xi32>], vector<16xf32>,
            %add3A_154 = arith.constant 64 : i32
            %add3A_155 = vector.broadcast %add3A_154 : i32 to vector<16xi32>
            %add3A_156 = arith.addi %and3A_153, %add3A_155 : vector<16xi32>
            %gather3A_157 = tpu.vector_load_idx %arg9[%add3A_128, %add3A_156] : memref<80x128xf32, #tpu.memory_space<vmem>>[vector<16xi32>, vector<16xi32>], vector<16xf32>,
            %mul3A_158 = arith.mulf %gather3A, %gather3A_157 : vector<16xf32>
            %add3A_159 = arith.addf %scan3A_145, %mul3A_158 : vector<16xf32>
            %mul3A_160 = arith.constant 16 : i32
            %mul3A_161 = arith.muli %scan3A_144, %mul3A_160 : i32
            %add3A_162 = arith.constant 1 : i32
            %add3A_163 = arith.addi %mul3A_161, %add3A_162 : i32
            %add3A_164 = vector.broadcast %add3A_163 : i32 to vector<16xi32>
            %add3A_165 = arith.addi %iota3A, %add3A_164 : vector<16xi32>
            %and3A_166 = arith.constant 63 : i32
            %and3A_167 = vector.broadcast %and3A_166 : i32 to vector<16xi32>
            %and3A_168 = arith.andi %add3A_165, %and3A_167 : vector<16xi32>
            %gather3A_169 = tpu.vector_load_idx %arg10[%add3A_128, %and3A_168] : memref<80x128xf32, #tpu.memory_space<vmem>>[vector<16xi32>, vector<16xi32>], vector<16xf32>,
            %add3A_170 = arith.constant 64 : i32
            %add3A_171 = vector.broadcast %add3A_170 : i32 to vector<16xi32>
            %add3A_172 = arith.addi %and3A_168, %add3A_171 : vector<16xi32>
            %gather3A_173 = tpu.vector_load_idx %arg9[%add3A_128, %add3A_172] : memref<80x128xf32, #tpu.memory_space<vmem>>[vector<16xi32>, vector<16xi32>], vector<16xf32>,
            %mul3A_174 = arith.mulf %gather3A_169, %gather3A_173 : vector<16xf32>
            %add3A_175 = arith.addf %add3A_159, %mul3A_174 : vector<16xf32>
            %mul3A_176 = arith.constant 16 : i32
            %mul3A_177 = arith.muli %scan3A_144, %mul3A_176 : i32
            %add3A_178 = arith.constant 2 : i32
            %add3A_179 = arith.addi %mul3A_177, %add3A_178 : i32
            %add3A_180 = vector.broadcast %add3A_179 : i32 to vector<16xi32>
            %add3A_181 = arith.addi %iota3A, %add3A_180 : vector<16xi32>
            %and3A_182 = arith.constant 63 : i32
            %and3A_183 = vector.broadcast %and3A_182 : i32 to vector<16xi32>
            %and3A_184 = arith.andi %add3A_181, %and3A_183 : vector<16xi32>
            %gather3A_185 = tpu.vector_load_idx %arg10[%add3A_128, %and3A_184] : memref<80x128xf32, #tpu.memory_space<vmem>>[vector<16xi32>, vector<16xi32>], vector<16xf32>,
            %add3A_186 = arith.constant 64 : i32
            %add3A_187 = vector.broadcast %add3A_186 : i32 to vector<16xi32>
            %add3A_188 = arith.addi %and3A_184, %add3A_187 : vector<16xi32>
            %gather3A_189 = tpu.vector_load_idx %arg9[%add3A_128, %add3A_188] : memref<80x128xf32, #tpu.memory_space<vmem>>[vector<16xi32>, vector<16xi32>], vector<16xf32>,
            %mul3A_190 = arith.mulf %gather3A_185, %gather3A_189 : vector<16xf32>
            %add3A_191 = arith.addf %add3A_175, %mul3A_190 : vector<16xf32>
            %mul3A_192 = arith.constant 16 : i32
            %mul3A_193 = arith.muli %scan3A_144, %mul3A_192 : i32
            %add3A_194 = arith.constant 3 : i32
            %add3A_195 = arith.addi %mul3A_193, %add3A_194 : i32
            %add3A_196 = vector.broadcast %add3A_195 : i32 to vector<16xi32>
            %add3A_197 = arith.addi %iota3A, %add3A_196 : vector<16xi32>
            %and3A_198 = arith.constant 63 : i32
            %and3A_199 = vector.broadcast %and3A_198 : i32 to vector<16xi32>
            %and3A_200 = arith.andi %add3A_197, %and3A_199 : vector<16xi32>
            %gather3A_201 = tpu.vector_load_idx %arg10[%add3A_128, %and3A_200] : memref<80x128xf32, #tpu.memory_space<vmem>>[vector<16xi32>, vector<16xi32>], vector<16xf32>,
            %add3A_202 = arith.constant 64 : i32
            %add3A_203 = vector.broadcast %add3A_202 : i32 to vector<16xi32>
            %add3A_204 = arith.addi %and3A_200, %add3A_203 : vector<16xi32>
            %gather3A_205 = tpu.vector_load_idx %arg9[%add3A_128, %add3A_204] : memref<80x128xf32, #tpu.memory_space<vmem>>[vector<16xi32>, vector<16xi32>], vector<16xf32>,
            %mul3A_206 = arith.mulf %gather3A_201, %gather3A_205 : vector<16xf32>
            %add3A_207 = arith.addf %add3A_191, %mul3A_206 : vector<16xf32>
            %mul3A_208 = arith.constant 16 : i32
            %mul3A_209 = arith.muli %scan3A_144, %mul3A_208 : i32
            %add3A_210 = arith.constant 4 : i32
            %add3A_211 = arith.addi %mul3A_209, %add3A_210 : i32
            %add3A_212 = vector.broadcast %add3A_211 : i32 to vector<16xi32>
            %add3A_213 = arith.addi %iota3A, %add3A_212 : vector<16xi32>
            %and3A_214 = arith.constant 63 : i32
            %and3A_215 = vector.broadcast %and3A_214 : i32 to vector<16xi32>
            %and3A_216 = arith.andi %add3A_213, %and3A_215 : vector<16xi32>
            %gather3A_217 = tpu.vector_load_idx %arg10[%add3A_128, %and3A_216] : memref<80x128xf32, #tpu.memory_space<vmem>>[vector<16xi32>, vector<16xi32>], vector<16xf32>,
            %add3A_218 = arith.constant 64 : i32
            %add3A_219 = vector.broadcast %add3A_218 : i32 to vector<16xi32>
            %add3A_220 = arith.addi %and3A_216, %add3A_219 : vector<16xi32>
            %gather3A_221 = tpu.vector_load_idx %arg9[%add3A_128, %add3A_220] : memref<80x128xf32, #tpu.memory_space<vmem>>[vector<16xi32>, vector<16xi32>], vector<16xf32>,
            %mul3A_222 = arith.mulf %gather3A_217, %gather3A_221 : vector<16xf32>
            %add3A_223 = arith.addf %add3A_207, %mul3A_222 : vector<16xf32>
            %mul3A_224 = arith.constant 16 : i32
            %mul3A_225 = arith.muli %scan3A_144, %mul3A_224 : i32
            %add3A_226 = arith.constant 5 : i32
            %add3A_227 = arith.addi %mul3A_225, %add3A_226 : i32
            %add3A_228 = vector.broadcast %add3A_227 : i32 to vector<16xi32>
            %add3A_229 = arith.addi %iota3A, %add3A_228 : vector<16xi32>
            %and3A_230 = arith.constant 63 : i32
            %and3A_231 = vector.broadcast %and3A_230 : i32 to vector<16xi32>
            %and3A_232 = arith.andi %add3A_229, %and3A_231 : vector<16xi32>
            %gather3A_233 = tpu.vector_load_idx %arg10[%add3A_128, %and3A_232] : memref<80x128xf32, #tpu.memory_space<vmem>>[vector<16xi32>, vector<16xi32>], vector<16xf32>,
            %add3A_234 = arith.constant 64 : i32
            %add3A_235 = vector.broadcast %add3A_234 : i32 to vector<16xi32>
            %add3A_236 = arith.addi %and3A_232, %add3A_235 : vector<16xi32>
            %gather3A_237 = tpu.vector_load_idx %arg9[%add3A_128, %add3A_236] : memref<80x128xf32, #tpu.memory_space<vmem>>[vector<16xi32>, vector<16xi32>], vector<16xf32>,
            %mul3A_238 = arith.mulf %gather3A_233, %gather3A_237 : vector<16xf32>
            %add3A_239 = arith.addf %add3A_223, %mul3A_238 : vector<16xf32>
            %mul3A_240 = arith.constant 16 : i32
            %mul3A_241 = arith.muli %scan3A_144, %mul3A_240 : i32
            %add3A_242 = arith.constant 6 : i32
            %add3A_243 = arith.addi %mul3A_241, %add3A_242 : i32
            %add3A_244 = vector.broadcast %add3A_243 : i32 to vector<16xi32>
            %add3A_245 = arith.addi %iota3A, %add3A_244 : vector<16xi32>
            %and3A_246 = arith.constant 63 : i32
            %and3A_247 = vector.broadcast %and3A_246 : i32 to vector<16xi32>
            %and3A_248 = arith.andi %add3A_245, %and3A_247 : vector<16xi32>
            %gather3A_249 = tpu.vector_load_idx %arg10[%add3A_128, %and3A_248] : memref<80x128xf32, #tpu.memory_space<vmem>>[vector<16xi32>, vector<16xi32>], vector<16xf32>,
            %add3A_250 = arith.constant 64 : i32
            %add3A_251 = vector.broadcast %add3A_250 : i32 to vector<16xi32>
            %add3A_252 = arith.addi %and3A_248, %add3A_251 : vector<16xi32>
            %gather3A_253 = tpu.vector_load_idx %arg9[%add3A_128, %add3A_252] : memref<80x128xf32, #tpu.memory_space<vmem>>[vector<16xi32>, vector<16xi32>], vector<16xf32>,
            %mul3A_254 = arith.mulf %gather3A_249, %gather3A_253 : vector<16xf32>
            %add3A_255 = arith.addf %add3A_239, %mul3A_254 : vector<16xf32>
            %mul3A_256 = arith.constant 16 : i32
            %mul3A_257 = arith.muli %scan3A_144, %mul3A_256 : i32
            %add3A_258 = arith.constant 7 : i32
            %add3A_259 = arith.addi %mul3A_257, %add3A_258 : i32
            %add3A_260 = vector.broadcast %add3A_259 : i32 to vector<16xi32>
            %add3A_261 = arith.addi %iota3A, %add3A_260 : vector<16xi32>
            %and3A_262 = arith.constant 63 : i32
            %and3A_263 = vector.broadcast %and3A_262 : i32 to vector<16xi32>
            %and3A_264 = arith.andi %add3A_261, %and3A_263 : vector<16xi32>
            %gather3A_265 = tpu.vector_load_idx %arg10[%add3A_128, %and3A_264] : memref<80x128xf32, #tpu.memory_space<vmem>>[vector<16xi32>, vector<16xi32>], vector<16xf32>,
            %add3A_266 = arith.constant 64 : i32
            %add3A_267 = vector.broadcast %add3A_266 : i32 to vector<16xi32>
            %add3A_268 = arith.addi %and3A_264, %add3A_267 : vector<16xi32>
            %gather3A_269 = tpu.vector_load_idx %arg9[%add3A_128, %add3A_268] : memref<80x128xf32, #tpu.memory_space<vmem>>[vector<16xi32>, vector<16xi32>], vector<16xf32>,
            %mul3A_270 = arith.mulf %gather3A_265, %gather3A_269 : vector<16xf32>
            %add3A_271 = arith.addf %add3A_255, %mul3A_270 : vector<16xf32>
            %mul3A_272 = arith.constant 16 : i32
            %mul3A_273 = arith.muli %scan3A_144, %mul3A_272 : i32
            %add3A_274 = arith.constant 8 : i32
            %add3A_275 = arith.addi %mul3A_273, %add3A_274 : i32
            %add3A_276 = vector.broadcast %add3A_275 : i32 to vector<16xi32>
            %add3A_277 = arith.addi %iota3A, %add3A_276 : vector<16xi32>
            %and3A_278 = arith.constant 63 : i32
            %and3A_279 = vector.broadcast %and3A_278 : i32 to vector<16xi32>
            %and3A_280 = arith.andi %add3A_277, %and3A_279 : vector<16xi32>
            %gather3A_281 = tpu.vector_load_idx %arg10[%add3A_128, %and3A_280] : memref<80x128xf32, #tpu.memory_space<vmem>>[vector<16xi32>, vector<16xi32>], vector<16xf32>,
            %add3A_282 = arith.constant 64 : i32
            %add3A_283 = vector.broadcast %add3A_282 : i32 to vector<16xi32>
            %add3A_284 = arith.addi %and3A_280, %add3A_283 : vector<16xi32>
            %gather3A_285 = tpu.vector_load_idx %arg9[%add3A_128, %add3A_284] : memref<80x128xf32, #tpu.memory_space<vmem>>[vector<16xi32>, vector<16xi32>], vector<16xf32>,
            %mul3A_286 = arith.mulf %gather3A_281, %gather3A_285 : vector<16xf32>
            %add3A_287 = arith.addf %add3A_271, %mul3A_286 : vector<16xf32>
            %mul3A_288 = arith.constant 16 : i32
            %mul3A_289 = arith.muli %scan3A_144, %mul3A_288 : i32
            %add3A_290 = arith.constant 9 : i32
            %add3A_291 = arith.addi %mul3A_289, %add3A_290 : i32
            %add3A_292 = vector.broadcast %add3A_291 : i32 to vector<16xi32>
            %add3A_293 = arith.addi %iota3A, %add3A_292 : vector<16xi32>
            %and3A_294 = arith.constant 63 : i32
            %and3A_295 = vector.broadcast %and3A_294 : i32 to vector<16xi32>
            %and3A_296 = arith.andi %add3A_293, %and3A_295 : vector<16xi32>
            %gather3A_297 = tpu.vector_load_idx %arg10[%add3A_128, %and3A_296] : memref<80x128xf32, #tpu.memory_space<vmem>>[vector<16xi32>, vector<16xi32>], vector<16xf32>,
            %add3A_298 = arith.constant 64 : i32
            %add3A_299 = vector.broadcast %add3A_298 : i32 to vector<16xi32>
            %add3A_300 = arith.addi %and3A_296, %add3A_299 : vector<16xi32>
            %gather3A_301 = tpu.vector_load_idx %arg9[%add3A_128, %add3A_300] : memref<80x128xf32, #tpu.memory_space<vmem>>[vector<16xi32>, vector<16xi32>], vector<16xf32>,
            %mul3A_302 = arith.mulf %gather3A_297, %gather3A_301 : vector<16xf32>
            %add3A_303 = arith.addf %add3A_287, %mul3A_302 : vector<16xf32>
            %mul3A_304 = arith.constant 16 : i32
            %mul3A_305 = arith.muli %scan3A_144, %mul3A_304 : i32
            %add3A_306 = arith.constant 10 : i32
            %add3A_307 = arith.addi %mul3A_305, %add3A_306 : i32
            %add3A_308 = vector.broadcast %add3A_307 : i32 to vector<16xi32>
            %add3A_309 = arith.addi %iota3A, %add3A_308 : vector<16xi32>
            %and3A_310 = arith.constant 63 : i32
            %and3A_311 = vector.broadcast %and3A_310 : i32 to vector<16xi32>
            %and3A_312 = arith.andi %add3A_309, %and3A_311 : vector<16xi32>
            %gather3A_313 = tpu.vector_load_idx %arg10[%add3A_128, %and3A_312] : memref<80x128xf32, #tpu.memory_space<vmem>>[vector<16xi32>, vector<16xi32>], vector<16xf32>,
            %add3A_314 = arith.constant 64 : i32
            %add3A_315 = vector.broadcast %add3A_314 : i32 to vector<16xi32>
            %add3A_316 = arith.addi %and3A_312, %add3A_315 : vector<16xi32>
            %gather3A_317 = tpu.vector_load_idx %arg9[%add3A_128, %add3A_316] : memref<80x128xf32, #tpu.memory_space<vmem>>[vector<16xi32>, vector<16xi32>], vector<16xf32>,
            %mul3A_318 = arith.mulf %gather3A_313, %gather3A_317 : vector<16xf32>
            %add3A_319 = arith.addf %add3A_303, %mul3A_318 : vector<16xf32>
            %mul3A_320 = arith.constant 16 : i32
            %mul3A_321 = arith.muli %scan3A_144, %mul3A_320 : i32
            %add3A_322 = arith.constant 11 : i32
            %add3A_323 = arith.addi %mul3A_321, %add3A_322 : i32
            %add3A_324 = vector.broadcast %add3A_323 : i32 to vector<16xi32>
            %add3A_325 = arith.addi %iota3A, %add3A_324 : vector<16xi32>
            %and3A_326 = arith.constant 63 : i32
            %and3A_327 = vector.broadcast %and3A_326 : i32 to vector<16xi32>
            %and3A_328 = arith.andi %add3A_325, %and3A_327 : vector<16xi32>
            %gather3A_329 = tpu.vector_load_idx %arg10[%add3A_128, %and3A_328] : memref<80x128xf32, #tpu.memory_space<vmem>>[vector<16xi32>, vector<16xi32>], vector<16xf32>,
            %add3A_330 = arith.constant 64 : i32
            %add3A_331 = vector.broadcast %add3A_330 : i32 to vector<16xi32>
            %add3A_332 = arith.addi %and3A_328, %add3A_331 : vector<16xi32>
            %gather3A_333 = tpu.vector_load_idx %arg9[%add3A_128, %add3A_332] : memref<80x128xf32, #tpu.memory_space<vmem>>[vector<16xi32>, vector<16xi32>], vector<16xf32>,
            %mul3A_334 = arith.mulf %gather3A_329, %gather3A_333 : vector<16xf32>
            %add3A_335 = arith.addf %add3A_319, %mul3A_334 : vector<16xf32>
            %mul3A_336 = arith.constant 16 : i32
            %mul3A_337 = arith.muli %scan3A_144, %mul3A_336 : i32
            %add3A_338 = arith.constant 12 : i32
            %add3A_339 = arith.addi %mul3A_337, %add3A_338 : i32
            %add3A_340 = vector.broadcast %add3A_339 : i32 to vector<16xi32>
            %add3A_341 = arith.addi %iota3A, %add3A_340 : vector<16xi32>
            %and3A_342 = arith.constant 63 : i32
            %and3A_343 = vector.broadcast %and3A_342 : i32 to vector<16xi32>
            %and3A_344 = arith.andi %add3A_341, %and3A_343 : vector<16xi32>
            %gather3A_345 = tpu.vector_load_idx %arg10[%add3A_128, %and3A_344] : memref<80x128xf32, #tpu.memory_space<vmem>>[vector<16xi32>, vector<16xi32>], vector<16xf32>,
            %add3A_346 = arith.constant 64 : i32
            %add3A_347 = vector.broadcast %add3A_346 : i32 to vector<16xi32>
            %add3A_348 = arith.addi %and3A_344, %add3A_347 : vector<16xi32>
            %gather3A_349 = tpu.vector_load_idx %arg9[%add3A_128, %add3A_348] : memref<80x128xf32, #tpu.memory_space<vmem>>[vector<16xi32>, vector<16xi32>], vector<16xf32>,
            %mul3A_350 = arith.mulf %gather3A_345, %gather3A_349 : vector<16xf32>
            %add3A_351 = arith.addf %add3A_335, %mul3A_350 : vector<16xf32>
            %mul3A_352 = arith.constant 16 : i32
            %mul3A_353 = arith.muli %scan3A_144, %mul3A_352 : i32
            %add3A_354 = arith.constant 13 : i32
            %add3A_355 = arith.addi %mul3A_353, %add3A_354 : i32
            %add3A_356 = vector.broadcast %add3A_355 : i32 to vector<16xi32>
            %add3A_357 = arith.addi %iota3A, %add3A_356 : vector<16xi32>
            %and3A_358 = arith.constant 63 : i32
            %and3A_359 = vector.broadcast %and3A_358 : i32 to vector<16xi32>
            %and3A_360 = arith.andi %add3A_357, %and3A_359 : vector<16xi32>
            %gather3A_361 = tpu.vector_load_idx %arg10[%add3A_128, %and3A_360] : memref<80x128xf32, #tpu.memory_space<vmem>>[vector<16xi32>, vector<16xi32>], vector<16xf32>,
            %add3A_362 = arith.constant 64 : i32
            %add3A_363 = vector.broadcast %add3A_362 : i32 to vector<16xi32>
            %add3A_364 = arith.addi %and3A_360, %add3A_363 : vector<16xi32>
            %gather3A_365 = tpu.vector_load_idx %arg9[%add3A_128, %add3A_364] : memref<80x128xf32, #tpu.memory_space<vmem>>[vector<16xi32>, vector<16xi32>], vector<16xf32>,
            %mul3A_366 = arith.mulf %gather3A_361, %gather3A_365 : vector<16xf32>
            %add3A_367 = arith.addf %add3A_351, %mul3A_366 : vector<16xf32>
            %mul3A_368 = arith.constant 16 : i32
            %mul3A_369 = arith.muli %scan3A_144, %mul3A_368 : i32
            %add3A_370 = arith.constant 14 : i32
            %add3A_371 = arith.addi %mul3A_369, %add3A_370 : i32
            %add3A_372 = vector.broadcast %add3A_371 : i32 to vector<16xi32>
            %add3A_373 = arith.addi %iota3A, %add3A_372 : vector<16xi32>
            %and3A_374 = arith.constant 63 : i32
            %and3A_375 = vector.broadcast %and3A_374 : i32 to vector<16xi32>
            %and3A_376 = arith.andi %add3A_373, %and3A_375 : vector<16xi32>
            %gather3A_377 = tpu.vector_load_idx %arg10[%add3A_128, %and3A_376] : memref<80x128xf32, #tpu.memory_space<vmem>>[vector<16xi32>, vector<16xi32>], vector<16xf32>,
            %add3A_378 = arith.constant 64 : i32
            %add3A_379 = vector.broadcast %add3A_378 : i32 to vector<16xi32>
            %add3A_380 = arith.addi %and3A_376, %add3A_379 : vector<16xi32>
            %gather3A_381 = tpu.vector_load_idx %arg9[%add3A_128, %add3A_380] : memref<80x128xf32, #tpu.memory_space<vmem>>[vector<16xi32>, vector<16xi32>], vector<16xf32>,
            %mul3A_382 = arith.mulf %gather3A_377, %gather3A_381 : vector<16xf32>
            %add3A_383 = arith.addf %add3A_367, %mul3A_382 : vector<16xf32>
            %mul3A_384 = arith.constant 16 : i32
            %mul3A_385 = arith.muli %scan3A_144, %mul3A_384 : i32
            %add3A_386 = arith.constant 15 : i32
            %add3A_387 = arith.addi %mul3A_385, %add3A_386 : i32
            %add3A_388 = vector.broadcast %add3A_387 : i32 to vector<16xi32>
            %add3A_389 = arith.addi %iota3A, %add3A_388 : vector<16xi32>
            %and3A_390 = arith.constant 63 : i32
            %and3A_391 = vector.broadcast %and3A_390 : i32 to vector<16xi32>
            %and3A_392 = arith.andi %add3A_389, %and3A_391 : vector<16xi32>
            %gather3A_393 = tpu.vector_load_idx %arg10[%add3A_128, %and3A_392] : memref<80x128xf32, #tpu.memory_space<vmem>>[vector<16xi32>, vector<16xi32>], vector<16xf32>,
            %add3A_394 = arith.constant 64 : i32
            %add3A_395 = vector.broadcast %add3A_394 : i32 to vector<16xi32>
            %add3A_396 = arith.addi %and3A_392, %add3A_395 : vector<16xi32>
            %gather3A_397 = tpu.vector_load_idx %arg9[%add3A_128, %add3A_396] : memref<80x128xf32, #tpu.memory_space<vmem>>[vector<16xi32>, vector<16xi32>], vector<16xf32>,
            %mul3A_398 = arith.mulf %gather3A_393, %gather3A_397 : vector<16xf32>
            %add3A_399 = arith.addf %add3A_383, %mul3A_398 : vector<16xf32>
            scf.yield %add3A_399 : vector<16xf32>
          }
          %scan3A_135 = arith.constant 4 : i32
          %exp3A = math.exp %scan3A_134 : vector<16xf32>
          %scan3A_136 = arith.constant 0 : i32
          %scan3A_137 = arith.constant 0 : i32
          %scan3A_138 = arith.constant 4 : i32
          %scan3A_139 = arith.addi %scan3A_137, %scan3A_138 : i32
          %scan3A_140 = arith.constant 1 : i32
          scf.for %scan3A_144 = %scan3A_137 to %scan3A_139 step %scan3A_140  : i32 {
            %mul3A_145 = arith.constant 16 : i32
            %mul3A_146 = arith.muli %scan3A_144, %mul3A_145 : i32
            %add3A_147 = arith.constant 0 : i32
            %add3A_148 = arith.addi %mul3A_146, %add3A_147 : i32
            %add3A_149 = vector.broadcast %add3A_148 : i32 to vector<16xi32>
            %add3A_150 = arith.addi %iota3A, %add3A_149 : vector<16xi32>
            %and3A = arith.constant 63 : i32
            %and3A_151 = vector.broadcast %and3A : i32 to vector<16xi32>
            %and3A_152 = arith.andi %add3A_150, %and3A_151 : vector<16xi32>
            %gather3A = tpu.vector_load_idx %arg9[%add3A_128, %and3A_152] : memref<80x128xf32, #tpu.memory_space<vmem>>[vector<16xi32>, vector<16xi32>], vector<16xf32>,
            %mul3A_153 = arith.mulf %exp3A, %gather3A : vector<16xf32>
            tpu.vector_store_idx %arg9[%add3A_128, %and3A_152], %mul3A_153 : memref<80x128xf32, #tpu.memory_space<vmem>>[vector<16xi32>, vector<16xi32>], vector<16xf32>,
            %mul3A_154 = arith.constant 16 : i32
            %mul3A_155 = arith.muli %scan3A_144, %mul3A_154 : i32
            %add3A_156 = arith.constant 1 : i32
            %add3A_157 = arith.addi %mul3A_155, %add3A_156 : i32
            %add3A_158 = vector.broadcast %add3A_157 : i32 to vector<16xi32>
            %add3A_159 = arith.addi %iota3A, %add3A_158 : vector<16xi32>
            %and3A_160 = arith.constant 63 : i32
            %and3A_161 = vector.broadcast %and3A_160 : i32 to vector<16xi32>
            %and3A_162 = arith.andi %add3A_159, %and3A_161 : vector<16xi32>
            %gather3A_163 = tpu.vector_load_idx %arg9[%add3A_128, %and3A_162] : memref<80x128xf32, #tpu.memory_space<vmem>>[vector<16xi32>, vector<16xi32>], vector<16xf32>,
            %mul3A_164 = arith.mulf %exp3A, %gather3A_163 : vector<16xf32>
            tpu.vector_store_idx %arg9[%add3A_128, %and3A_162], %mul3A_164 : memref<80x128xf32, #tpu.memory_space<vmem>>[vector<16xi32>, vector<16xi32>], vector<16xf32>,
            %mul3A_165 = arith.constant 16 : i32
            %mul3A_166 = arith.muli %scan3A_144, %mul3A_165 : i32
            %add3A_167 = arith.constant 2 : i32
            %add3A_168 = arith.addi %mul3A_166, %add3A_167 : i32
            %add3A_169 = vector.broadcast %add3A_168 : i32 to vector<16xi32>
            %add3A_170 = arith.addi %iota3A, %add3A_169 : vector<16xi32>
            %and3A_171 = arith.constant 63 : i32
            %and3A_172 = vector.broadcast %and3A_171 : i32 to vector<16xi32>
            %and3A_173 = arith.andi %add3A_170, %and3A_172 : vector<16xi32>
            %gather3A_174 = tpu.vector_load_idx %arg9[%add3A_128, %and3A_173] : memref<80x128xf32, #tpu.memory_space<vmem>>[vector<16xi32>, vector<16xi32>], vector<16xf32>,
            %mul3A_175 = arith.mulf %exp3A, %gather3A_174 : vector<16xf32>
            tpu.vector_store_idx %arg9[%add3A_128, %and3A_173], %mul3A_175 : memref<80x128xf32, #tpu.memory_space<vmem>>[vector<16xi32>, vector<16xi32>], vector<16xf32>,
            %mul3A_176 = arith.constant 16 : i32
            %mul3A_177 = arith.muli %scan3A_144, %mul3A_176 : i32
            %add3A_178 = arith.constant 3 : i32
            %add3A_179 = arith.addi %mul3A_177, %add3A_178 : i32
            %add3A_180 = vector.broadcast %add3A_179 : i32 to vector<16xi32>
            %add3A_181 = arith.addi %iota3A, %add3A_180 : vector<16xi32>
            %and3A_182 = arith.constant 63 : i32
            %and3A_183 = vector.broadcast %and3A_182 : i32 to vector<16xi32>
            %and3A_184 = arith.andi %add3A_181, %and3A_183 : vector<16xi32>
            %gather3A_185 = tpu.vector_load_idx %arg9[%add3A_128, %and3A_184] : memref<80x128xf32, #tpu.memory_space<vmem>>[vector<16xi32>, vector<16xi32>], vector<16xf32>,
            %mul3A_186 = arith.mulf %exp3A, %gather3A_185 : vector<16xf32>
            tpu.vector_store_idx %arg9[%add3A_128, %and3A_184], %mul3A_186 : memref<80x128xf32, #tpu.memory_space<vmem>>[vector<16xi32>, vector<16xi32>], vector<16xf32>,
            %mul3A_187 = arith.constant 16 : i32
            %mul3A_188 = arith.muli %scan3A_144, %mul3A_187 : i32
            %add3A_189 = arith.constant 4 : i32
            %add3A_190 = arith.addi %mul3A_188, %add3A_189 : i32
            %add3A_191 = vector.broadcast %add3A_190 : i32 to vector<16xi32>
            %add3A_192 = arith.addi %iota3A, %add3A_191 : vector<16xi32>
            %and3A_193 = arith.constant 63 : i32
            %and3A_194 = vector.broadcast %and3A_193 : i32 to vector<16xi32>
            %and3A_195 = arith.andi %add3A_192, %and3A_194 : vector<16xi32>
            %gather3A_196 = tpu.vector_load_idx %arg9[%add3A_128, %and3A_195] : memref<80x128xf32, #tpu.memory_space<vmem>>[vector<16xi32>, vector<16xi32>], vector<16xf32>,
            %mul3A_197 = arith.mulf %exp3A, %gather3A_196 : vector<16xf32>
            tpu.vector_store_idx %arg9[%add3A_128, %and3A_195], %mul3A_197 : memref<80x128xf32, #tpu.memory_space<vmem>>[vector<16xi32>, vector<16xi32>], vector<16xf32>,
            %mul3A_198 = arith.constant 16 : i32
            %mul3A_199 = arith.muli %scan3A_144, %mul3A_198 : i32
            %add3A_200 = arith.constant 5 : i32
            %add3A_201 = arith.addi %mul3A_199, %add3A_200 : i32
            %add3A_202 = vector.broadcast %add3A_201 : i32 to vector<16xi32>
            %add3A_203 = arith.addi %iota3A, %add3A_202 : vector<16xi32>
            %and3A_204 = arith.constant 63 : i32
            %and3A_205 = vector.broadcast %and3A_204 : i32 to vector<16xi32>
            %and3A_206 = arith.andi %add3A_203, %and3A_205 : vector<16xi32>
            %gather3A_207 = tpu.vector_load_idx %arg9[%add3A_128, %and3A_206] : memref<80x128xf32, #tpu.memory_space<vmem>>[vector<16xi32>, vector<16xi32>], vector<16xf32>,
            %mul3A_208 = arith.mulf %exp3A, %gather3A_207 : vector<16xf32>
            tpu.vector_store_idx %arg9[%add3A_128, %and3A_206], %mul3A_208 : memref<80x128xf32, #tpu.memory_space<vmem>>[vector<16xi32>, vector<16xi32>], vector<16xf32>,
            %mul3A_209 = arith.constant 16 : i32
            %mul3A_210 = arith.muli %scan3A_144, %mul3A_209 : i32
            %add3A_211 = arith.constant 6 : i32
            %add3A_212 = arith.addi %mul3A_210, %add3A_211 : i32
            %add3A_213 = vector.broadcast %add3A_212 : i32 to vector<16xi32>
            %add3A_214 = arith.addi %iota3A, %add3A_213 : vector<16xi32>
            %and3A_215 = arith.constant 63 : i32
            %and3A_216 = vector.broadcast %and3A_215 : i32 to vector<16xi32>
            %and3A_217 = arith.andi %add3A_214, %and3A_216 : vector<16xi32>
            %gather3A_218 = tpu.vector_load_idx %arg9[%add3A_128, %and3A_217] : memref<80x128xf32, #tpu.memory_space<vmem>>[vector<16xi32>, vector<16xi32>], vector<16xf32>,
            %mul3A_219 = arith.mulf %exp3A, %gather3A_218 : vector<16xf32>
            tpu.vector_store_idx %arg9[%add3A_128, %and3A_217], %mul3A_219 : memref<80x128xf32, #tpu.memory_space<vmem>>[vector<16xi32>, vector<16xi32>], vector<16xf32>,
            %mul3A_220 = arith.constant 16 : i32
            %mul3A_221 = arith.muli %scan3A_144, %mul3A_220 : i32
            %add3A_222 = arith.constant 7 : i32
            %add3A_223 = arith.addi %mul3A_221, %add3A_222 : i32
            %add3A_224 = vector.broadcast %add3A_223 : i32 to vector<16xi32>
            %add3A_225 = arith.addi %iota3A, %add3A_224 : vector<16xi32>
            %and3A_226 = arith.constant 63 : i32
            %and3A_227 = vector.broadcast %and3A_226 : i32 to vector<16xi32>
            %and3A_228 = arith.andi %add3A_225, %and3A_227 : vector<16xi32>
            %gather3A_229 = tpu.vector_load_idx %arg9[%add3A_128, %and3A_228] : memref<80x128xf32, #tpu.memory_space<vmem>>[vector<16xi32>, vector<16xi32>], vector<16xf32>,
            %mul3A_230 = arith.mulf %exp3A, %gather3A_229 : vector<16xf32>
            tpu.vector_store_idx %arg9[%add3A_128, %and3A_228], %mul3A_230 : memref<80x128xf32, #tpu.memory_space<vmem>>[vector<16xi32>, vector<16xi32>], vector<16xf32>,
            %mul3A_231 = arith.constant 16 : i32
            %mul3A_232 = arith.muli %scan3A_144, %mul3A_231 : i32
            %add3A_233 = arith.constant 8 : i32
            %add3A_234 = arith.addi %mul3A_232, %add3A_233 : i32
            %add3A_235 = vector.broadcast %add3A_234 : i32 to vector<16xi32>
            %add3A_236 = arith.addi %iota3A, %add3A_235 : vector<16xi32>
            %and3A_237 = arith.constant 63 : i32
            %and3A_238 = vector.broadcast %and3A_237 : i32 to vector<16xi32>
            %and3A_239 = arith.andi %add3A_236, %and3A_238 : vector<16xi32>
            %gather3A_240 = tpu.vector_load_idx %arg9[%add3A_128, %and3A_239] : memref<80x128xf32, #tpu.memory_space<vmem>>[vector<16xi32>, vector<16xi32>], vector<16xf32>,
            %mul3A_241 = arith.mulf %exp3A, %gather3A_240 : vector<16xf32>
            tpu.vector_store_idx %arg9[%add3A_128, %and3A_239], %mul3A_241 : memref<80x128xf32, #tpu.memory_space<vmem>>[vector<16xi32>, vector<16xi32>], vector<16xf32>,
            %mul3A_242 = arith.constant 16 : i32
            %mul3A_243 = arith.muli %scan3A_144, %mul3A_242 : i32
            %add3A_244 = arith.constant 9 : i32
            %add3A_245 = arith.addi %mul3A_243, %add3A_244 : i32
            %add3A_246 = vector.broadcast %add3A_245 : i32 to vector<16xi32>
            %add3A_247 = arith.addi %iota3A, %add3A_246 : vector<16xi32>
            %and3A_248 = arith.constant 63 : i32
            %and3A_249 = vector.broadcast %and3A_248 : i32 to vector<16xi32>
            %and3A_250 = arith.andi %add3A_247, %and3A_249 : vector<16xi32>
            %gather3A_251 = tpu.vector_load_idx %arg9[%add3A_128, %and3A_250] : memref<80x128xf32, #tpu.memory_space<vmem>>[vector<16xi32>, vector<16xi32>], vector<16xf32>,
            %mul3A_252 = arith.mulf %exp3A, %gather3A_251 : vector<16xf32>
            tpu.vector_store_idx %arg9[%add3A_128, %and3A_250], %mul3A_252 : memref<80x128xf32, #tpu.memory_space<vmem>>[vector<16xi32>, vector<16xi32>], vector<16xf32>,
            %mul3A_253 = arith.constant 16 : i32
            %mul3A_254 = arith.muli %scan3A_144, %mul3A_253 : i32
            %add3A_255 = arith.constant 10 : i32
            %add3A_256 = arith.addi %mul3A_254, %add3A_255 : i32
            %add3A_257 = vector.broadcast %add3A_256 : i32 to vector<16xi32>
            %add3A_258 = arith.addi %iota3A, %add3A_257 : vector<16xi32>
            %and3A_259 = arith.constant 63 : i32
            %and3A_260 = vector.broadcast %and3A_259 : i32 to vector<16xi32>
            %and3A_261 = arith.andi %add3A_258, %and3A_260 : vector<16xi32>
            %gather3A_262 = tpu.vector_load_idx %arg9[%add3A_128, %and3A_261] : memref<80x128xf32, #tpu.memory_space<vmem>>[vector<16xi32>, vector<16xi32>], vector<16xf32>,
            %mul3A_263 = arith.mulf %exp3A, %gather3A_262 : vector<16xf32>
            tpu.vector_store_idx %arg9[%add3A_128, %and3A_261], %mul3A_263 : memref<80x128xf32, #tpu.memory_space<vmem>>[vector<16xi32>, vector<16xi32>], vector<16xf32>,
            %mul3A_264 = arith.constant 16 : i32
            %mul3A_265 = arith.muli %scan3A_144, %mul3A_264 : i32
            %add3A_266 = arith.constant 11 : i32
            %add3A_267 = arith.addi %mul3A_265, %add3A_266 : i32
            %add3A_268 = vector.broadcast %add3A_267 : i32 to vector<16xi32>
            %add3A_269 = arith.addi %iota3A, %add3A_268 : vector<16xi32>
            %and3A_270 = arith.constant 63 : i32
            %and3A_271 = vector.broadcast %and3A_270 : i32 to vector<16xi32>
            %and3A_272 = arith.andi %add3A_269, %and3A_271 : vector<16xi32>
            %gather3A_273 = tpu.vector_load_idx %arg9[%add3A_128, %and3A_272] : memref<80x128xf32, #tpu.memory_space<vmem>>[vector<16xi32>, vector<16xi32>], vector<16xf32>,
            %mul3A_274 = arith.mulf %exp3A, %gather3A_273 : vector<16xf32>
            tpu.vector_store_idx %arg9[%add3A_128, %and3A_272], %mul3A_274 : memref<80x128xf32, #tpu.memory_space<vmem>>[vector<16xi32>, vector<16xi32>], vector<16xf32>,
            %mul3A_275 = arith.constant 16 : i32
            %mul3A_276 = arith.muli %scan3A_144, %mul3A_275 : i32
            %add3A_277 = arith.constant 12 : i32
            %add3A_278 = arith.addi %mul3A_276, %add3A_277 : i32
            %add3A_279 = vector.broadcast %add3A_278 : i32 to vector<16xi32>
            %add3A_280 = arith.addi %iota3A, %add3A_279 : vector<16xi32>
            %and3A_281 = arith.constant 63 : i32
            %and3A_282 = vector.broadcast %and3A_281 : i32 to vector<16xi32>
            %and3A_283 = arith.andi %add3A_280, %and3A_282 : vector<16xi32>
            %gather3A_284 = tpu.vector_load_idx %arg9[%add3A_128, %and3A_283] : memref<80x128xf32, #tpu.memory_space<vmem>>[vector<16xi32>, vector<16xi32>], vector<16xf32>,
            %mul3A_285 = arith.mulf %exp3A, %gather3A_284 : vector<16xf32>
            tpu.vector_store_idx %arg9[%add3A_128, %and3A_283], %mul3A_285 : memref<80x128xf32, #tpu.memory_space<vmem>>[vector<16xi32>, vector<16xi32>], vector<16xf32>,
            %mul3A_286 = arith.constant 16 : i32
            %mul3A_287 = arith.muli %scan3A_144, %mul3A_286 : i32
            %add3A_288 = arith.constant 13 : i32
            %add3A_289 = arith.addi %mul3A_287, %add3A_288 : i32
            %add3A_290 = vector.broadcast %add3A_289 : i32 to vector<16xi32>
            %add3A_291 = arith.addi %iota3A, %add3A_290 : vector<16xi32>
            %and3A_292 = arith.constant 63 : i32
            %and3A_293 = vector.broadcast %and3A_292 : i32 to vector<16xi32>
            %and3A_294 = arith.andi %add3A_291, %and3A_293 : vector<16xi32>
            %gather3A_295 = tpu.vector_load_idx %arg9[%add3A_128, %and3A_294] : memref<80x128xf32, #tpu.memory_space<vmem>>[vector<16xi32>, vector<16xi32>], vector<16xf32>,
            %mul3A_296 = arith.mulf %exp3A, %gather3A_295 : vector<16xf32>
            tpu.vector_store_idx %arg9[%add3A_128, %and3A_294], %mul3A_296 : memref<80x128xf32, #tpu.memory_space<vmem>>[vector<16xi32>, vector<16xi32>], vector<16xf32>,
            %mul3A_297 = arith.constant 16 : i32
            %mul3A_298 = arith.muli %scan3A_144, %mul3A_297 : i32
            %add3A_299 = arith.constant 14 : i32
            %add3A_300 = arith.addi %mul3A_298, %add3A_299 : i32
            %add3A_301 = vector.broadcast %add3A_300 : i32 to vector<16xi32>
            %add3A_302 = arith.addi %iota3A, %add3A_301 : vector<16xi32>
            %and3A_303 = arith.constant 63 : i32
            %and3A_304 = vector.broadcast %and3A_303 : i32 to vector<16xi32>
            %and3A_305 = arith.andi %add3A_302, %and3A_304 : vector<16xi32>
            %gather3A_306 = tpu.vector_load_idx %arg9[%add3A_128, %and3A_305] : memref<80x128xf32, #tpu.memory_space<vmem>>[vector<16xi32>, vector<16xi32>], vector<16xf32>,
            %mul3A_307 = arith.mulf %exp3A, %gather3A_306 : vector<16xf32>
            tpu.vector_store_idx %arg9[%add3A_128, %and3A_305], %mul3A_307 : memref<80x128xf32, #tpu.memory_space<vmem>>[vector<16xi32>, vector<16xi32>], vector<16xf32>,
            %mul3A_308 = arith.constant 16 : i32
            %mul3A_309 = arith.muli %scan3A_144, %mul3A_308 : i32
            %add3A_310 = arith.constant 15 : i32
            %add3A_311 = arith.addi %mul3A_309, %add3A_310 : i32
            %add3A_312 = vector.broadcast %add3A_311 : i32 to vector<16xi32>
            %add3A_313 = arith.addi %iota3A, %add3A_312 : vector<16xi32>
            %and3A_314 = arith.constant 63 : i32
            %and3A_315 = vector.broadcast %and3A_314 : i32 to vector<16xi32>
            %and3A_316 = arith.andi %add3A_313, %and3A_315 : vector<16xi32>
            %gather3A_317 = tpu.vector_load_idx %arg9[%add3A_128, %and3A_316] : memref<80x128xf32, #tpu.memory_space<vmem>>[vector<16xi32>, vector<16xi32>], vector<16xf32>,
            %mul3A_318 = arith.mulf %exp3A, %gather3A_317 : vector<16xf32>
            tpu.vector_store_idx %arg9[%add3A_128, %and3A_316], %mul3A_318 : memref<80x128xf32, #tpu.memory_space<vmem>>[vector<16xi32>, vector<16xi32>], vector<16xf32>,
          }
          %scan3A_141 = arith.constant 4 : i32
          %broadcast_in_dim3A_142 = arith.constant 64 : i32
          %broadcast_in_dim3A_143 = vector.broadcast %broadcast_in_dim3A_142 : i32 to vector<16xi32>
          tpu.vector_store_idx %arg9[%add3A_128, %broadcast_in_dim3A_143], %exp3A : memref<80x128xf32, #tpu.memory_space<vmem>>[vector<16xi32>, vector<16xi32>], vector<16xf32>,
        }
        %scan3A_87 = arith.constant 5 : i32
        "tpu.region"() ({
          %run_scoped3A_124 = tpu.sem_alloc : memref<!tpu.dma_semaphore, #tpu.memory_space<semaphore_mem>>
          %dma_start3A_125 = arith.constant 0 : i32
          %dma_start3A_126 = tpu.memref_slice %arg8[%add3A_55, %dma_start3A_125] : memref<25x80xi32, #tpu.memory_space<vmem>> -> memref<1x80xi32, #tpu.memory_space<vmem>>
          %dma_start3A_127 = tpu.memref_squeeze %dma_start3A_126 : memref<1x80xi32, #tpu.memory_space<vmem>> -> memref<80xi32, #tpu.memory_space<vmem>>
          %dma_start3A_128 = arith.constant 0 : i32
          %dma_start3A_129 = arith.constant 0 : i32
          %dma_start3A_130 = tpu.memref_slice %arg17[%dma_start3A_128, %dma_start3A_129] : memref<10000x128xf32, #tpu.memory_space<vmem_shared>> -> memref<10000x128xf32, #tpu.memory_space<vmem_shared>>
          tpu.enqueue_indirect_dma source(%arg9 : memref<80x128xf32, #tpu.memory_space<vmem>>) target(%dma_start3A_130 : memref<10000x128xf32, #tpu.memory_space<vmem_shared>>) offsets(%dma_start3A_127 : memref<80xi32, #tpu.memory_space<vmem>>) semaphore(%run_scoped3A_124 : memref<!tpu.dma_semaphore, #tpu.memory_space<semaphore_mem>>) {add = true}
          %dma_wait3A_131 = arith.constant 0 : i32
          %dma_wait3A_132 = tpu.memref_slice %arg8[%add3A_55, %dma_wait3A_131] : memref<25x80xi32, #tpu.memory_space<vmem>> -> memref<1x80xi32, #tpu.memory_space<vmem>>
          %dma_wait3A_133 = tpu.memref_squeeze %dma_wait3A_132 : memref<1x80xi32, #tpu.memory_space<vmem>> -> memref<80xi32, #tpu.memory_space<vmem>>
          %dma_wait3A_134 = arith.constant 0 : i32
          %dma_wait3A_135 = arith.constant 0 : i32
          %dma_wait3A_136 = tpu.memref_slice %arg17[%dma_wait3A_134, %dma_wait3A_135] : memref<10000x128xf32, #tpu.memory_space<vmem_shared>> -> memref<10000x128xf32, #tpu.memory_space<vmem_shared>>
          tpu.wait_indirect_dma semaphore(%run_scoped3A_124 : memref<!tpu.dma_semaphore, #tpu.memory_space<semaphore_mem>>) src(%arg9 : memref<80x128xf32, #tpu.memory_space<vmem>>) dst(%dma_wait3A_136 : memref<10000x128xf32, #tpu.memory_space<vmem_shared>>)
          tpu.yield
        }) : () -> ()
        %mul3A_88 = arith.constant 2 : i32
        %mul3A_89 = arith.muli %scan3A_51, %mul3A_88 : i32
        %add3A_90 = arith.constant 1 : i32
        %add3A_91 = arith.addi %mul3A_89, %add3A_90 : i32
        %dma_wait3A_92 = arith.constant 0 : i32
        %dma_wait3A_93 = arith.constant 0 : i32
        %dma_wait3A_94 = tpu.memref_slice %arg2[%dma_wait3A_92, %dma_wait3A_93] : memref<10000x128xf32, #tpu.memory_space<hbm>> -> memref<80x128xf32, #tpu.memory_space<hbm>>
        %dma_wait3A_95 = arith.constant 0 : i32
        %dma_wait3A_96 = arith.constant 0 : i32
        %dma_wait3A_97 = tpu.memref_slice %arg2[%dma_wait3A_95, %dma_wait3A_96] : memref<10000x128xf32, #tpu.memory_space<hbm>> -> memref<80x128xf32, #tpu.memory_space<hbm>>
        tpu.wait_dma2 semaphore(%arg15 : memref<!tpu.dma_semaphore, #tpu.memory_space<semaphore_mem>>) src(%dma_wait3A_97 : memref<80x128xf32, #tpu.memory_space<hbm>>) dst(%arg11 : memref<80x128xf32, #tpu.memory_space<vmem>>)
        %dma_wait3A_98 = arith.constant 0 : i32
        %dma_wait3A_99 = arith.constant 0 : i32
        %dma_wait3A_100 = tpu.memref_slice %arg2[%dma_wait3A_98, %dma_wait3A_99] : memref<10000x128xf32, #tpu.memory_space<hbm>> -> memref<80x128xf32, #tpu.memory_space<hbm>>
        %dma_wait3A_101 = arith.constant 0 : i32
        %dma_wait3A_102 = arith.constant 0 : i32
        %dma_wait3A_103 = tpu.memref_slice %arg2[%dma_wait3A_101, %dma_wait3A_102] : memref<10000x128xf32, #tpu.memory_space<hbm>> -> memref<80x128xf32, #tpu.memory_space<hbm>>
        tpu.wait_dma2 semaphore(%arg16 : memref<!tpu.dma_semaphore, #tpu.memory_space<semaphore_mem>>) src(%dma_wait3A_103 : memref<80x128xf32, #tpu.memory_space<hbm>>) dst(%arg12 : memref<80x128xf32, #tpu.memory_space<vmem>>)
        %add3A_104 = arith.constant 1 : i32
        %add3A_105 = arith.addi %add3A_91, %add3A_104 : i32
        %dma_start3A_106 = arith.constant 0 : i32
        %dma_start3A_107 = tpu.memref_slice %arg7[%add3A_105, %dma_start3A_106] : memref<25x80xi32, #tpu.memory_space<vmem>> -> memref<1x80xi32, #tpu.memory_space<vmem>>
        %dma_start3A_108 = tpu.memref_squeeze %dma_start3A_107 : memref<1x80xi32, #tpu.memory_space<vmem>> -> memref<80xi32, #tpu.memory_space<vmem>>
        %dma_start3A_109 = arith.constant 0 : i32
        %dma_start3A_110 = arith.constant 0 : i32
        %dma_start3A_111 = tpu.memref_slice %arg2[%dma_start3A_109, %dma_start3A_110] : memref<10000x128xf32, #tpu.memory_space<hbm>> -> memref<10000x128xf32, #tpu.memory_space<hbm>>
        tpu.enqueue_indirect_dma source(%dma_start3A_111 : memref<10000x128xf32, #tpu.memory_space<hbm>>) target(%arg9 : memref<80x128xf32, #tpu.memory_space<vmem>>) offsets(%dma_start3A_108 : memref<80xi32, #tpu.memory_space<vmem>>) semaphore(%arg13 : memref<!tpu.dma_semaphore, #tpu.memory_space<semaphore_mem>>)
        %dma_start3A_112 = arith.constant 0 : i32
        %dma_start3A_113 = tpu.memref_slice %arg8[%add3A_105, %dma_start3A_112] : memref<25x80xi32, #tpu.memory_space<vmem>> -> memref<1x80xi32, #tpu.memory_space<vmem>>
        %dma_start3A_114 = tpu.memref_squeeze %dma_start3A_113 : memref<1x80xi32, #tpu.memory_space<vmem>> -> memref<80xi32, #tpu.memory_space<vmem>>
        %dma_start3A_115 = arith.constant 0 : i32
        %dma_start3A_116 = arith.constant 0 : i32
        %dma_start3A_117 = tpu.memref_slice %arg2[%dma_start3A_115, %dma_start3A_116] : memref<10000x128xf32, #tpu.memory_space<hbm>> -> memref<10000x128xf32, #tpu.memory_space<hbm>>
        tpu.enqueue_indirect_dma source(%dma_start3A_117 : memref<10000x128xf32, #tpu.memory_space<hbm>>) target(%arg10 : memref<80x128xf32, #tpu.memory_space<vmem>>) offsets(%dma_start3A_114 : memref<80xi32, #tpu.memory_space<vmem>>) semaphore(%arg14 : memref<!tpu.dma_semaphore, #tpu.memory_space<semaphore_mem>>)
        %scan3A_118 = arith.constant 0 : i32
        %scan3A_119 = arith.constant 0 : i32
        %scan3A_120 = arith.constant 5 : i32
        %scan3A_121 = arith.addi %scan3A_119, %scan3A_120 : i32
        %scan3A_122 = arith.constant 1 : i32
        scf.for %scan3A_124 = %scan3A_119 to %scan3A_121 step %scan3A_122  : i32 {
          %mul3A_125 = arith.constant 16 : i32
          %mul3A_126 = arith.muli %scan3A_124, %mul3A_125 : i32
          %add3A_127 = vector.broadcast %mul3A_126 : i32 to vector<16xi32>
          %add3A_128 = arith.addi %iota3A, %add3A_127 : vector<16xi32>
          %broadcast_in_dim3A = arith.constant 0.000000e+00 : f32
          %broadcast_in_dim3A_129 = vector.broadcast %broadcast_in_dim3A : f32 to vector<16xf32>
          %scan3A_130 = arith.constant 0 : i32
          %scan3A_131 = arith.constant 4 : i32
          %scan3A_132 = arith.addi %scan3A_130, %scan3A_131 : i32
          %scan3A_133 = arith.constant 1 : i32
          %scan3A_134 = scf.for %scan3A_144 = %scan3A_130 to %scan3A_132 step %scan3A_133 iter_args(%scan3A_145 = %broadcast_in_dim3A_129) -> (vector<16xf32>)  : i32 {
            %mul3A_146 = arith.constant 16 : i32
            %mul3A_147 = arith.muli %scan3A_144, %mul3A_146 : i32
            %add3A_148 = arith.constant 0 : i32
            %add3A_149 = arith.addi %mul3A_147, %add3A_148 : i32
            %add3A_150 = vector.broadcast %add3A_149 : i32 to vector<16xi32>
            %add3A_151 = arith.addi %iota3A, %add3A_150 : vector<16xi32>
            %and3A = arith.constant 63 : i32
            %and3A_152 = vector.broadcast %and3A : i32 to vector<16xi32>
            %and3A_153 = arith.andi %add3A_151, %and3A_152 : vector<16xi32>
            %gather3A = tpu.vector_load_idx %arg12[%add3A_128, %and3A_153] : memref<80x128xf32, #tpu.memory_space<vmem>>[vector<16xi32>, vector<16xi32>], vector<16xf32>,
            %add3A_154 = arith.constant 64 : i32
            %add3A_155 = vector.broadcast %add3A_154 : i32 to vector<16xi32>
            %add3A_156 = arith.addi %and3A_153, %add3A_155 : vector<16xi32>
            %gather3A_157 = tpu.vector_load_idx %arg11[%add3A_128, %add3A_156] : memref<80x128xf32, #tpu.memory_space<vmem>>[vector<16xi32>, vector<16xi32>], vector<16xf32>,
            %mul3A_158 = arith.mulf %gather3A, %gather3A_157 : vector<16xf32>
            %add3A_159 = arith.addf %scan3A_145, %mul3A_158 : vector<16xf32>
            %mul3A_160 = arith.constant 16 : i32
            %mul3A_161 = arith.muli %scan3A_144, %mul3A_160 : i32
            %add3A_162 = arith.constant 1 : i32
            %add3A_163 = arith.addi %mul3A_161, %add3A_162 : i32
            %add3A_164 = vector.broadcast %add3A_163 : i32 to vector<16xi32>
            %add3A_165 = arith.addi %iota3A, %add3A_164 : vector<16xi32>
            %and3A_166 = arith.constant 63 : i32
            %and3A_167 = vector.broadcast %and3A_166 : i32 to vector<16xi32>
            %and3A_168 = arith.andi %add3A_165, %and3A_167 : vector<16xi32>
            %gather3A_169 = tpu.vector_load_idx %arg12[%add3A_128, %and3A_168] : memref<80x128xf32, #tpu.memory_space<vmem>>[vector<16xi32>, vector<16xi32>], vector<16xf32>,
            %add3A_170 = arith.constant 64 : i32
            %add3A_171 = vector.broadcast %add3A_170 : i32 to vector<16xi32>
            %add3A_172 = arith.addi %and3A_168, %add3A_171 : vector<16xi32>
            %gather3A_173 = tpu.vector_load_idx %arg11[%add3A_128, %add3A_172] : memref<80x128xf32, #tpu.memory_space<vmem>>[vector<16xi32>, vector<16xi32>], vector<16xf32>,
            %mul3A_174 = arith.mulf %gather3A_169, %gather3A_173 : vector<16xf32>
            %add3A_175 = arith.addf %add3A_159, %mul3A_174 : vector<16xf32>
            %mul3A_176 = arith.constant 16 : i32
            %mul3A_177 = arith.muli %scan3A_144, %mul3A_176 : i32
            %add3A_178 = arith.constant 2 : i32
            %add3A_179 = arith.addi %mul3A_177, %add3A_178 : i32
            %add3A_180 = vector.broadcast %add3A_179 : i32 to vector<16xi32>
            %add3A_181 = arith.addi %iota3A, %add3A_180 : vector<16xi32>
            %and3A_182 = arith.constant 63 : i32
            %and3A_183 = vector.broadcast %and3A_182 : i32 to vector<16xi32>
            %and3A_184 = arith.andi %add3A_181, %and3A_183 : vector<16xi32>
            %gather3A_185 = tpu.vector_load_idx %arg12[%add3A_128, %and3A_184] : memref<80x128xf32, #tpu.memory_space<vmem>>[vector<16xi32>, vector<16xi32>], vector<16xf32>,
            %add3A_186 = arith.constant 64 : i32
            %add3A_187 = vector.broadcast %add3A_186 : i32 to vector<16xi32>
            %add3A_188 = arith.addi %and3A_184, %add3A_187 : vector<16xi32>
            %gather3A_189 = tpu.vector_load_idx %arg11[%add3A_128, %add3A_188] : memref<80x128xf32, #tpu.memory_space<vmem>>[vector<16xi32>, vector<16xi32>], vector<16xf32>,
            %mul3A_190 = arith.mulf %gather3A_185, %gather3A_189 : vector<16xf32>
            %add3A_191 = arith.addf %add3A_175, %mul3A_190 : vector<16xf32>
            %mul3A_192 = arith.constant 16 : i32
            %mul3A_193 = arith.muli %scan3A_144, %mul3A_192 : i32
            %add3A_194 = arith.constant 3 : i32
            %add3A_195 = arith.addi %mul3A_193, %add3A_194 : i32
            %add3A_196 = vector.broadcast %add3A_195 : i32 to vector<16xi32>
            %add3A_197 = arith.addi %iota3A, %add3A_196 : vector<16xi32>
            %and3A_198 = arith.constant 63 : i32
            %and3A_199 = vector.broadcast %and3A_198 : i32 to vector<16xi32>
            %and3A_200 = arith.andi %add3A_197, %and3A_199 : vector<16xi32>
            %gather3A_201 = tpu.vector_load_idx %arg12[%add3A_128, %and3A_200] : memref<80x128xf32, #tpu.memory_space<vmem>>[vector<16xi32>, vector<16xi32>], vector<16xf32>,
            %add3A_202 = arith.constant 64 : i32
            %add3A_203 = vector.broadcast %add3A_202 : i32 to vector<16xi32>
            %add3A_204 = arith.addi %and3A_200, %add3A_203 : vector<16xi32>
            %gather3A_205 = tpu.vector_load_idx %arg11[%add3A_128, %add3A_204] : memref<80x128xf32, #tpu.memory_space<vmem>>[vector<16xi32>, vector<16xi32>], vector<16xf32>,
            %mul3A_206 = arith.mulf %gather3A_201, %gather3A_205 : vector<16xf32>
            %add3A_207 = arith.addf %add3A_191, %mul3A_206 : vector<16xf32>
            %mul3A_208 = arith.constant 16 : i32
            %mul3A_209 = arith.muli %scan3A_144, %mul3A_208 : i32
            %add3A_210 = arith.constant 4 : i32
            %add3A_211 = arith.addi %mul3A_209, %add3A_210 : i32
            %add3A_212 = vector.broadcast %add3A_211 : i32 to vector<16xi32>
            %add3A_213 = arith.addi %iota3A, %add3A_212 : vector<16xi32>
            %and3A_214 = arith.constant 63 : i32
            %and3A_215 = vector.broadcast %and3A_214 : i32 to vector<16xi32>
            %and3A_216 = arith.andi %add3A_213, %and3A_215 : vector<16xi32>
            %gather3A_217 = tpu.vector_load_idx %arg12[%add3A_128, %and3A_216] : memref<80x128xf32, #tpu.memory_space<vmem>>[vector<16xi32>, vector<16xi32>], vector<16xf32>,
            %add3A_218 = arith.constant 64 : i32
            %add3A_219 = vector.broadcast %add3A_218 : i32 to vector<16xi32>
            %add3A_220 = arith.addi %and3A_216, %add3A_219 : vector<16xi32>
            %gather3A_221 = tpu.vector_load_idx %arg11[%add3A_128, %add3A_220] : memref<80x128xf32, #tpu.memory_space<vmem>>[vector<16xi32>, vector<16xi32>], vector<16xf32>,
            %mul3A_222 = arith.mulf %gather3A_217, %gather3A_221 : vector<16xf32>
            %add3A_223 = arith.addf %add3A_207, %mul3A_222 : vector<16xf32>
            %mul3A_224 = arith.constant 16 : i32
            %mul3A_225 = arith.muli %scan3A_144, %mul3A_224 : i32
            %add3A_226 = arith.constant 5 : i32
            %add3A_227 = arith.addi %mul3A_225, %add3A_226 : i32
            %add3A_228 = vector.broadcast %add3A_227 : i32 to vector<16xi32>
            %add3A_229 = arith.addi %iota3A, %add3A_228 : vector<16xi32>
            %and3A_230 = arith.constant 63 : i32
            %and3A_231 = vector.broadcast %and3A_230 : i32 to vector<16xi32>
            %and3A_232 = arith.andi %add3A_229, %and3A_231 : vector<16xi32>
            %gather3A_233 = tpu.vector_load_idx %arg12[%add3A_128, %and3A_232] : memref<80x128xf32, #tpu.memory_space<vmem>>[vector<16xi32>, vector<16xi32>], vector<16xf32>,
            %add3A_234 = arith.constant 64 : i32
            %add3A_235 = vector.broadcast %add3A_234 : i32 to vector<16xi32>
            %add3A_236 = arith.addi %and3A_232, %add3A_235 : vector<16xi32>
            %gather3A_237 = tpu.vector_load_idx %arg11[%add3A_128, %add3A_236] : memref<80x128xf32, #tpu.memory_space<vmem>>[vector<16xi32>, vector<16xi32>], vector<16xf32>,
            %mul3A_238 = arith.mulf %gather3A_233, %gather3A_237 : vector<16xf32>
            %add3A_239 = arith.addf %add3A_223, %mul3A_238 : vector<16xf32>
            %mul3A_240 = arith.constant 16 : i32
            %mul3A_241 = arith.muli %scan3A_144, %mul3A_240 : i32
            %add3A_242 = arith.constant 6 : i32
            %add3A_243 = arith.addi %mul3A_241, %add3A_242 : i32
            %add3A_244 = vector.broadcast %add3A_243 : i32 to vector<16xi32>
            %add3A_245 = arith.addi %iota3A, %add3A_244 : vector<16xi32>
            %and3A_246 = arith.constant 63 : i32
            %and3A_247 = vector.broadcast %and3A_246 : i32 to vector<16xi32>
            %and3A_248 = arith.andi %add3A_245, %and3A_247 : vector<16xi32>
            %gather3A_249 = tpu.vector_load_idx %arg12[%add3A_128, %and3A_248] : memref<80x128xf32, #tpu.memory_space<vmem>>[vector<16xi32>, vector<16xi32>], vector<16xf32>,
            %add3A_250 = arith.constant 64 : i32
            %add3A_251 = vector.broadcast %add3A_250 : i32 to vector<16xi32>
            %add3A_252 = arith.addi %and3A_248, %add3A_251 : vector<16xi32>
            %gather3A_253 = tpu.vector_load_idx %arg11[%add3A_128, %add3A_252] : memref<80x128xf32, #tpu.memory_space<vmem>>[vector<16xi32>, vector<16xi32>], vector<16xf32>,
            %mul3A_254 = arith.mulf %gather3A_249, %gather3A_253 : vector<16xf32>
            %add3A_255 = arith.addf %add3A_239, %mul3A_254 : vector<16xf32>
            %mul3A_256 = arith.constant 16 : i32
            %mul3A_257 = arith.muli %scan3A_144, %mul3A_256 : i32
            %add3A_258 = arith.constant 7 : i32
            %add3A_259 = arith.addi %mul3A_257, %add3A_258 : i32
            %add3A_260 = vector.broadcast %add3A_259 : i32 to vector<16xi32>
            %add3A_261 = arith.addi %iota3A, %add3A_260 : vector<16xi32>
            %and3A_262 = arith.constant 63 : i32
            %and3A_263 = vector.broadcast %and3A_262 : i32 to vector<16xi32>
            %and3A_264 = arith.andi %add3A_261, %and3A_263 : vector<16xi32>
            %gather3A_265 = tpu.vector_load_idx %arg12[%add3A_128, %and3A_264] : memref<80x128xf32, #tpu.memory_space<vmem>>[vector<16xi32>, vector<16xi32>], vector<16xf32>,
            %add3A_266 = arith.constant 64 : i32
            %add3A_267 = vector.broadcast %add3A_266 : i32 to vector<16xi32>
            %add3A_268 = arith.addi %and3A_264, %add3A_267 : vector<16xi32>
            %gather3A_269 = tpu.vector_load_idx %arg11[%add3A_128, %add3A_268] : memref<80x128xf32, #tpu.memory_space<vmem>>[vector<16xi32>, vector<16xi32>], vector<16xf32>,
            %mul3A_270 = arith.mulf %gather3A_265, %gather3A_269 : vector<16xf32>
            %add3A_271 = arith.addf %add3A_255, %mul3A_270 : vector<16xf32>
            %mul3A_272 = arith.constant 16 : i32
            %mul3A_273 = arith.muli %scan3A_144, %mul3A_272 : i32
            %add3A_274 = arith.constant 8 : i32
            %add3A_275 = arith.addi %mul3A_273, %add3A_274 : i32
            %add3A_276 = vector.broadcast %add3A_275 : i32 to vector<16xi32>
            %add3A_277 = arith.addi %iota3A, %add3A_276 : vector<16xi32>
            %and3A_278 = arith.constant 63 : i32
            %and3A_279 = vector.broadcast %and3A_278 : i32 to vector<16xi32>
            %and3A_280 = arith.andi %add3A_277, %and3A_279 : vector<16xi32>
            %gather3A_281 = tpu.vector_load_idx %arg12[%add3A_128, %and3A_280] : memref<80x128xf32, #tpu.memory_space<vmem>>[vector<16xi32>, vector<16xi32>], vector<16xf32>,
            %add3A_282 = arith.constant 64 : i32
            %add3A_283 = vector.broadcast %add3A_282 : i32 to vector<16xi32>
            %add3A_284 = arith.addi %and3A_280, %add3A_283 : vector<16xi32>
            %gather3A_285 = tpu.vector_load_idx %arg11[%add3A_128, %add3A_284] : memref<80x128xf32, #tpu.memory_space<vmem>>[vector<16xi32>, vector<16xi32>], vector<16xf32>,
            %mul3A_286 = arith.mulf %gather3A_281, %gather3A_285 : vector<16xf32>
            %add3A_287 = arith.addf %add3A_271, %mul3A_286 : vector<16xf32>
            %mul3A_288 = arith.constant 16 : i32
            %mul3A_289 = arith.muli %scan3A_144, %mul3A_288 : i32
            %add3A_290 = arith.constant 9 : i32
            %add3A_291 = arith.addi %mul3A_289, %add3A_290 : i32
            %add3A_292 = vector.broadcast %add3A_291 : i32 to vector<16xi32>
            %add3A_293 = arith.addi %iota3A, %add3A_292 : vector<16xi32>
            %and3A_294 = arith.constant 63 : i32
            %and3A_295 = vector.broadcast %and3A_294 : i32 to vector<16xi32>
            %and3A_296 = arith.andi %add3A_293, %and3A_295 : vector<16xi32>
            %gather3A_297 = tpu.vector_load_idx %arg12[%add3A_128, %and3A_296] : memref<80x128xf32, #tpu.memory_space<vmem>>[vector<16xi32>, vector<16xi32>], vector<16xf32>,
            %add3A_298 = arith.constant 64 : i32
            %add3A_299 = vector.broadcast %add3A_298 : i32 to vector<16xi32>
            %add3A_300 = arith.addi %and3A_296, %add3A_299 : vector<16xi32>
            %gather3A_301 = tpu.vector_load_idx %arg11[%add3A_128, %add3A_300] : memref<80x128xf32, #tpu.memory_space<vmem>>[vector<16xi32>, vector<16xi32>], vector<16xf32>,
            %mul3A_302 = arith.mulf %gather3A_297, %gather3A_301 : vector<16xf32>
            %add3A_303 = arith.addf %add3A_287, %mul3A_302 : vector<16xf32>
            %mul3A_304 = arith.constant 16 : i32
            %mul3A_305 = arith.muli %scan3A_144, %mul3A_304 : i32
            %add3A_306 = arith.constant 10 : i32
            %add3A_307 = arith.addi %mul3A_305, %add3A_306 : i32
            %add3A_308 = vector.broadcast %add3A_307 : i32 to vector<16xi32>
            %add3A_309 = arith.addi %iota3A, %add3A_308 : vector<16xi32>
            %and3A_310 = arith.constant 63 : i32
            %and3A_311 = vector.broadcast %and3A_310 : i32 to vector<16xi32>
            %and3A_312 = arith.andi %add3A_309, %and3A_311 : vector<16xi32>
            %gather3A_313 = tpu.vector_load_idx %arg12[%add3A_128, %and3A_312] : memref<80x128xf32, #tpu.memory_space<vmem>>[vector<16xi32>, vector<16xi32>], vector<16xf32>,
            %add3A_314 = arith.constant 64 : i32
            %add3A_315 = vector.broadcast %add3A_314 : i32 to vector<16xi32>
            %add3A_316 = arith.addi %and3A_312, %add3A_315 : vector<16xi32>
            %gather3A_317 = tpu.vector_load_idx %arg11[%add3A_128, %add3A_316] : memref<80x128xf32, #tpu.memory_space<vmem>>[vector<16xi32>, vector<16xi32>], vector<16xf32>,
            %mul3A_318 = arith.mulf %gather3A_313, %gather3A_317 : vector<16xf32>
            %add3A_319 = arith.addf %add3A_303, %mul3A_318 : vector<16xf32>
            %mul3A_320 = arith.constant 16 : i32
            %mul3A_321 = arith.muli %scan3A_144, %mul3A_320 : i32
            %add3A_322 = arith.constant 11 : i32
            %add3A_323 = arith.addi %mul3A_321, %add3A_322 : i32
            %add3A_324 = vector.broadcast %add3A_323 : i32 to vector<16xi32>
            %add3A_325 = arith.addi %iota3A, %add3A_324 : vector<16xi32>
            %and3A_326 = arith.constant 63 : i32
            %and3A_327 = vector.broadcast %and3A_326 : i32 to vector<16xi32>
            %and3A_328 = arith.andi %add3A_325, %and3A_327 : vector<16xi32>
            %gather3A_329 = tpu.vector_load_idx %arg12[%add3A_128, %and3A_328] : memref<80x128xf32, #tpu.memory_space<vmem>>[vector<16xi32>, vector<16xi32>], vector<16xf32>,
            %add3A_330 = arith.constant 64 : i32
            %add3A_331 = vector.broadcast %add3A_330 : i32 to vector<16xi32>
            %add3A_332 = arith.addi %and3A_328, %add3A_331 : vector<16xi32>
            %gather3A_333 = tpu.vector_load_idx %arg11[%add3A_128, %add3A_332] : memref<80x128xf32, #tpu.memory_space<vmem>>[vector<16xi32>, vector<16xi32>], vector<16xf32>,
            %mul3A_334 = arith.mulf %gather3A_329, %gather3A_333 : vector<16xf32>
            %add3A_335 = arith.addf %add3A_319, %mul3A_334 : vector<16xf32>
            %mul3A_336 = arith.constant 16 : i32
            %mul3A_337 = arith.muli %scan3A_144, %mul3A_336 : i32
            %add3A_338 = arith.constant 12 : i32
            %add3A_339 = arith.addi %mul3A_337, %add3A_338 : i32
            %add3A_340 = vector.broadcast %add3A_339 : i32 to vector<16xi32>
            %add3A_341 = arith.addi %iota3A, %add3A_340 : vector<16xi32>
            %and3A_342 = arith.constant 63 : i32
            %and3A_343 = vector.broadcast %and3A_342 : i32 to vector<16xi32>
            %and3A_344 = arith.andi %add3A_341, %and3A_343 : vector<16xi32>
            %gather3A_345 = tpu.vector_load_idx %arg12[%add3A_128, %and3A_344] : memref<80x128xf32, #tpu.memory_space<vmem>>[vector<16xi32>, vector<16xi32>], vector<16xf32>,
            %add3A_346 = arith.constant 64 : i32
            %add3A_347 = vector.broadcast %add3A_346 : i32 to vector<16xi32>
            %add3A_348 = arith.addi %and3A_344, %add3A_347 : vector<16xi32>
            %gather3A_349 = tpu.vector_load_idx %arg11[%add3A_128, %add3A_348] : memref<80x128xf32, #tpu.memory_space<vmem>>[vector<16xi32>, vector<16xi32>], vector<16xf32>,
            %mul3A_350 = arith.mulf %gather3A_345, %gather3A_349 : vector<16xf32>
            %add3A_351 = arith.addf %add3A_335, %mul3A_350 : vector<16xf32>
            %mul3A_352 = arith.constant 16 : i32
            %mul3A_353 = arith.muli %scan3A_144, %mul3A_352 : i32
            %add3A_354 = arith.constant 13 : i32
            %add3A_355 = arith.addi %mul3A_353, %add3A_354 : i32
            %add3A_356 = vector.broadcast %add3A_355 : i32 to vector<16xi32>
            %add3A_357 = arith.addi %iota3A, %add3A_356 : vector<16xi32>
            %and3A_358 = arith.constant 63 : i32
            %and3A_359 = vector.broadcast %and3A_358 : i32 to vector<16xi32>
            %and3A_360 = arith.andi %add3A_357, %and3A_359 : vector<16xi32>
            %gather3A_361 = tpu.vector_load_idx %arg12[%add3A_128, %and3A_360] : memref<80x128xf32, #tpu.memory_space<vmem>>[vector<16xi32>, vector<16xi32>], vector<16xf32>,
            %add3A_362 = arith.constant 64 : i32
            %add3A_363 = vector.broadcast %add3A_362 : i32 to vector<16xi32>
            %add3A_364 = arith.addi %and3A_360, %add3A_363 : vector<16xi32>
            %gather3A_365 = tpu.vector_load_idx %arg11[%add3A_128, %add3A_364] : memref<80x128xf32, #tpu.memory_space<vmem>>[vector<16xi32>, vector<16xi32>], vector<16xf32>,
            %mul3A_366 = arith.mulf %gather3A_361, %gather3A_365 : vector<16xf32>
            %add3A_367 = arith.addf %add3A_351, %mul3A_366 : vector<16xf32>
            %mul3A_368 = arith.constant 16 : i32
            %mul3A_369 = arith.muli %scan3A_144, %mul3A_368 : i32
            %add3A_370 = arith.constant 14 : i32
            %add3A_371 = arith.addi %mul3A_369, %add3A_370 : i32
            %add3A_372 = vector.broadcast %add3A_371 : i32 to vector<16xi32>
            %add3A_373 = arith.addi %iota3A, %add3A_372 : vector<16xi32>
            %and3A_374 = arith.constant 63 : i32
            %and3A_375 = vector.broadcast %and3A_374 : i32 to vector<16xi32>
            %and3A_376 = arith.andi %add3A_373, %and3A_375 : vector<16xi32>
            %gather3A_377 = tpu.vector_load_idx %arg12[%add3A_128, %and3A_376] : memref<80x128xf32, #tpu.memory_space<vmem>>[vector<16xi32>, vector<16xi32>], vector<16xf32>,
            %add3A_378 = arith.constant 64 : i32
            %add3A_379 = vector.broadcast %add3A_378 : i32 to vector<16xi32>
            %add3A_380 = arith.addi %and3A_376, %add3A_379 : vector<16xi32>
            %gather3A_381 = tpu.vector_load_idx %arg11[%add3A_128, %add3A_380] : memref<80x128xf32, #tpu.memory_space<vmem>>[vector<16xi32>, vector<16xi32>], vector<16xf32>,
            %mul3A_382 = arith.mulf %gather3A_377, %gather3A_381 : vector<16xf32>
            %add3A_383 = arith.addf %add3A_367, %mul3A_382 : vector<16xf32>
            %mul3A_384 = arith.constant 16 : i32
            %mul3A_385 = arith.muli %scan3A_144, %mul3A_384 : i32
            %add3A_386 = arith.constant 15 : i32
            %add3A_387 = arith.addi %mul3A_385, %add3A_386 : i32
            %add3A_388 = vector.broadcast %add3A_387 : i32 to vector<16xi32>
            %add3A_389 = arith.addi %iota3A, %add3A_388 : vector<16xi32>
            %and3A_390 = arith.constant 63 : i32
            %and3A_391 = vector.broadcast %and3A_390 : i32 to vector<16xi32>
            %and3A_392 = arith.andi %add3A_389, %and3A_391 : vector<16xi32>
            %gather3A_393 = tpu.vector_load_idx %arg12[%add3A_128, %and3A_392] : memref<80x128xf32, #tpu.memory_space<vmem>>[vector<16xi32>, vector<16xi32>], vector<16xf32>,
            %add3A_394 = arith.constant 64 : i32
            %add3A_395 = vector.broadcast %add3A_394 : i32 to vector<16xi32>
            %add3A_396 = arith.addi %and3A_392, %add3A_395 : vector<16xi32>
            %gather3A_397 = tpu.vector_load_idx %arg11[%add3A_128, %add3A_396] : memref<80x128xf32, #tpu.memory_space<vmem>>[vector<16xi32>, vector<16xi32>], vector<16xf32>,
            %mul3A_398 = arith.mulf %gather3A_393, %gather3A_397 : vector<16xf32>
            %add3A_399 = arith.addf %add3A_383, %mul3A_398 : vector<16xf32>
            scf.yield %add3A_399 : vector<16xf32>
          }
          %scan3A_135 = arith.constant 4 : i32
          %exp3A = math.exp %scan3A_134 : vector<16xf32>
          %scan3A_136 = arith.constant 0 : i32
          %scan3A_137 = arith.constant 0 : i32
          %scan3A_138 = arith.constant 4 : i32
          %scan3A_139 = arith.addi %scan3A_137, %scan3A_138 : i32
          %scan3A_140 = arith.constant 1 : i32
          scf.for %scan3A_144 = %scan3A_137 to %scan3A_139 step %scan3A_140  : i32 {
            %mul3A_145 = arith.constant 16 : i32
            %mul3A_146 = arith.muli %scan3A_144, %mul3A_145 : i32
            %add3A_147 = arith.constant 0 : i32
            %add3A_148 = arith.addi %mul3A_146, %add3A_147 : i32
            %add3A_149 = vector.broadcast %add3A_148 : i32 to vector<16xi32>
            %add3A_150 = arith.addi %iota3A, %add3A_149 : vector<16xi32>
            %and3A = arith.constant 63 : i32
            %and3A_151 = vector.broadcast %and3A : i32 to vector<16xi32>
            %and3A_152 = arith.andi %add3A_150, %and3A_151 : vector<16xi32>
            %gather3A = tpu.vector_load_idx %arg11[%add3A_128, %and3A_152] : memref<80x128xf32, #tpu.memory_space<vmem>>[vector<16xi32>, vector<16xi32>], vector<16xf32>,
            %mul3A_153 = arith.mulf %exp3A, %gather3A : vector<16xf32>
            tpu.vector_store_idx %arg11[%add3A_128, %and3A_152], %mul3A_153 : memref<80x128xf32, #tpu.memory_space<vmem>>[vector<16xi32>, vector<16xi32>], vector<16xf32>,
            %mul3A_154 = arith.constant 16 : i32
            %mul3A_155 = arith.muli %scan3A_144, %mul3A_154 : i32
            %add3A_156 = arith.constant 1 : i32
            %add3A_157 = arith.addi %mul3A_155, %add3A_156 : i32
            %add3A_158 = vector.broadcast %add3A_157 : i32 to vector<16xi32>
            %add3A_159 = arith.addi %iota3A, %add3A_158 : vector<16xi32>
            %and3A_160 = arith.constant 63 : i32
            %and3A_161 = vector.broadcast %and3A_160 : i32 to vector<16xi32>
            %and3A_162 = arith.andi %add3A_159, %and3A_161 : vector<16xi32>
            %gather3A_163 = tpu.vector_load_idx %arg11[%add3A_128, %and3A_162] : memref<80x128xf32, #tpu.memory_space<vmem>>[vector<16xi32>, vector<16xi32>], vector<16xf32>,
            %mul3A_164 = arith.mulf %exp3A, %gather3A_163 : vector<16xf32>
            tpu.vector_store_idx %arg11[%add3A_128, %and3A_162], %mul3A_164 : memref<80x128xf32, #tpu.memory_space<vmem>>[vector<16xi32>, vector<16xi32>], vector<16xf32>,
            %mul3A_165 = arith.constant 16 : i32
            %mul3A_166 = arith.muli %scan3A_144, %mul3A_165 : i32
            %add3A_167 = arith.constant 2 : i32
            %add3A_168 = arith.addi %mul3A_166, %add3A_167 : i32
            %add3A_169 = vector.broadcast %add3A_168 : i32 to vector<16xi32>
            %add3A_170 = arith.addi %iota3A, %add3A_169 : vector<16xi32>
            %and3A_171 = arith.constant 63 : i32
            %and3A_172 = vector.broadcast %and3A_171 : i32 to vector<16xi32>
            %and3A_173 = arith.andi %add3A_170, %and3A_172 : vector<16xi32>
            %gather3A_174 = tpu.vector_load_idx %arg11[%add3A_128, %and3A_173] : memref<80x128xf32, #tpu.memory_space<vmem>>[vector<16xi32>, vector<16xi32>], vector<16xf32>,
            %mul3A_175 = arith.mulf %exp3A, %gather3A_174 : vector<16xf32>
            tpu.vector_store_idx %arg11[%add3A_128, %and3A_173], %mul3A_175 : memref<80x128xf32, #tpu.memory_space<vmem>>[vector<16xi32>, vector<16xi32>], vector<16xf32>,
            %mul3A_176 = arith.constant 16 : i32
            %mul3A_177 = arith.muli %scan3A_144, %mul3A_176 : i32
            %add3A_178 = arith.constant 3 : i32
            %add3A_179 = arith.addi %mul3A_177, %add3A_178 : i32
            %add3A_180 = vector.broadcast %add3A_179 : i32 to vector<16xi32>
            %add3A_181 = arith.addi %iota3A, %add3A_180 : vector<16xi32>
            %and3A_182 = arith.constant 63 : i32
            %and3A_183 = vector.broadcast %and3A_182 : i32 to vector<16xi32>
            %and3A_184 = arith.andi %add3A_181, %and3A_183 : vector<16xi32>
            %gather3A_185 = tpu.vector_load_idx %arg11[%add3A_128, %and3A_184] : memref<80x128xf32, #tpu.memory_space<vmem>>[vector<16xi32>, vector<16xi32>], vector<16xf32>,
            %mul3A_186 = arith.mulf %exp3A, %gather3A_185 : vector<16xf32>
            tpu.vector_store_idx %arg11[%add3A_128, %and3A_184], %mul3A_186 : memref<80x128xf32, #tpu.memory_space<vmem>>[vector<16xi32>, vector<16xi32>], vector<16xf32>,
            %mul3A_187 = arith.constant 16 : i32
            %mul3A_188 = arith.muli %scan3A_144, %mul3A_187 : i32
            %add3A_189 = arith.constant 4 : i32
            %add3A_190 = arith.addi %mul3A_188, %add3A_189 : i32
            %add3A_191 = vector.broadcast %add3A_190 : i32 to vector<16xi32>
            %add3A_192 = arith.addi %iota3A, %add3A_191 : vector<16xi32>
            %and3A_193 = arith.constant 63 : i32
            %and3A_194 = vector.broadcast %and3A_193 : i32 to vector<16xi32>
            %and3A_195 = arith.andi %add3A_192, %and3A_194 : vector<16xi32>
            %gather3A_196 = tpu.vector_load_idx %arg11[%add3A_128, %and3A_195] : memref<80x128xf32, #tpu.memory_space<vmem>>[vector<16xi32>, vector<16xi32>], vector<16xf32>,
            %mul3A_197 = arith.mulf %exp3A, %gather3A_196 : vector<16xf32>
            tpu.vector_store_idx %arg11[%add3A_128, %and3A_195], %mul3A_197 : memref<80x128xf32, #tpu.memory_space<vmem>>[vector<16xi32>, vector<16xi32>], vector<16xf32>,
            %mul3A_198 = arith.constant 16 : i32
            %mul3A_199 = arith.muli %scan3A_144, %mul3A_198 : i32
            %add3A_200 = arith.constant 5 : i32
            %add3A_201 = arith.addi %mul3A_199, %add3A_200 : i32
            %add3A_202 = vector.broadcast %add3A_201 : i32 to vector<16xi32>
            %add3A_203 = arith.addi %iota3A, %add3A_202 : vector<16xi32>
            %and3A_204 = arith.constant 63 : i32
            %and3A_205 = vector.broadcast %and3A_204 : i32 to vector<16xi32>
            %and3A_206 = arith.andi %add3A_203, %and3A_205 : vector<16xi32>
            %gather3A_207 = tpu.vector_load_idx %arg11[%add3A_128, %and3A_206] : memref<80x128xf32, #tpu.memory_space<vmem>>[vector<16xi32>, vector<16xi32>], vector<16xf32>,
            %mul3A_208 = arith.mulf %exp3A, %gather3A_207 : vector<16xf32>
            tpu.vector_store_idx %arg11[%add3A_128, %and3A_206], %mul3A_208 : memref<80x128xf32, #tpu.memory_space<vmem>>[vector<16xi32>, vector<16xi32>], vector<16xf32>,
            %mul3A_209 = arith.constant 16 : i32
            %mul3A_210 = arith.muli %scan3A_144, %mul3A_209 : i32
            %add3A_211 = arith.constant 6 : i32
            %add3A_212 = arith.addi %mul3A_210, %add3A_211 : i32
            %add3A_213 = vector.broadcast %add3A_212 : i32 to vector<16xi32>
            %add3A_214 = arith.addi %iota3A, %add3A_213 : vector<16xi32>
            %and3A_215 = arith.constant 63 : i32
            %and3A_216 = vector.broadcast %and3A_215 : i32 to vector<16xi32>
            %and3A_217 = arith.andi %add3A_214, %and3A_216 : vector<16xi32>
            %gather3A_218 = tpu.vector_load_idx %arg11[%add3A_128, %and3A_217] : memref<80x128xf32, #tpu.memory_space<vmem>>[vector<16xi32>, vector<16xi32>], vector<16xf32>,
            %mul3A_219 = arith.mulf %exp3A, %gather3A_218 : vector<16xf32>
            tpu.vector_store_idx %arg11[%add3A_128, %and3A_217], %mul3A_219 : memref<80x128xf32, #tpu.memory_space<vmem>>[vector<16xi32>, vector<16xi32>], vector<16xf32>,
            %mul3A_220 = arith.constant 16 : i32
            %mul3A_221 = arith.muli %scan3A_144, %mul3A_220 : i32
            %add3A_222 = arith.constant 7 : i32
            %add3A_223 = arith.addi %mul3A_221, %add3A_222 : i32
            %add3A_224 = vector.broadcast %add3A_223 : i32 to vector<16xi32>
            %add3A_225 = arith.addi %iota3A, %add3A_224 : vector<16xi32>
            %and3A_226 = arith.constant 63 : i32
            %and3A_227 = vector.broadcast %and3A_226 : i32 to vector<16xi32>
            %and3A_228 = arith.andi %add3A_225, %and3A_227 : vector<16xi32>
            %gather3A_229 = tpu.vector_load_idx %arg11[%add3A_128, %and3A_228] : memref<80x128xf32, #tpu.memory_space<vmem>>[vector<16xi32>, vector<16xi32>], vector<16xf32>,
            %mul3A_230 = arith.mulf %exp3A, %gather3A_229 : vector<16xf32>
            tpu.vector_store_idx %arg11[%add3A_128, %and3A_228], %mul3A_230 : memref<80x128xf32, #tpu.memory_space<vmem>>[vector<16xi32>, vector<16xi32>], vector<16xf32>,
            %mul3A_231 = arith.constant 16 : i32
            %mul3A_232 = arith.muli %scan3A_144, %mul3A_231 : i32
            %add3A_233 = arith.constant 8 : i32
            %add3A_234 = arith.addi %mul3A_232, %add3A_233 : i32
            %add3A_235 = vector.broadcast %add3A_234 : i32 to vector<16xi32>
            %add3A_236 = arith.addi %iota3A, %add3A_235 : vector<16xi32>
            %and3A_237 = arith.constant 63 : i32
            %and3A_238 = vector.broadcast %and3A_237 : i32 to vector<16xi32>
            %and3A_239 = arith.andi %add3A_236, %and3A_238 : vector<16xi32>
            %gather3A_240 = tpu.vector_load_idx %arg11[%add3A_128, %and3A_239] : memref<80x128xf32, #tpu.memory_space<vmem>>[vector<16xi32>, vector<16xi32>], vector<16xf32>,
            %mul3A_241 = arith.mulf %exp3A, %gather3A_240 : vector<16xf32>
            tpu.vector_store_idx %arg11[%add3A_128, %and3A_239], %mul3A_241 : memref<80x128xf32, #tpu.memory_space<vmem>>[vector<16xi32>, vector<16xi32>], vector<16xf32>,
            %mul3A_242 = arith.constant 16 : i32
            %mul3A_243 = arith.muli %scan3A_144, %mul3A_242 : i32
            %add3A_244 = arith.constant 9 : i32
            %add3A_245 = arith.addi %mul3A_243, %add3A_244 : i32
            %add3A_246 = vector.broadcast %add3A_245 : i32 to vector<16xi32>
            %add3A_247 = arith.addi %iota3A, %add3A_246 : vector<16xi32>
            %and3A_248 = arith.constant 63 : i32
            %and3A_249 = vector.broadcast %and3A_248 : i32 to vector<16xi32>
            %and3A_250 = arith.andi %add3A_247, %and3A_249 : vector<16xi32>
            %gather3A_251 = tpu.vector_load_idx %arg11[%add3A_128, %and3A_250] : memref<80x128xf32, #tpu.memory_space<vmem>>[vector<16xi32>, vector<16xi32>], vector<16xf32>,
            %mul3A_252 = arith.mulf %exp3A, %gather3A_251 : vector<16xf32>
            tpu.vector_store_idx %arg11[%add3A_128, %and3A_250], %mul3A_252 : memref<80x128xf32, #tpu.memory_space<vmem>>[vector<16xi32>, vector<16xi32>], vector<16xf32>,
            %mul3A_253 = arith.constant 16 : i32
            %mul3A_254 = arith.muli %scan3A_144, %mul3A_253 : i32
            %add3A_255 = arith.constant 10 : i32
            %add3A_256 = arith.addi %mul3A_254, %add3A_255 : i32
            %add3A_257 = vector.broadcast %add3A_256 : i32 to vector<16xi32>
            %add3A_258 = arith.addi %iota3A, %add3A_257 : vector<16xi32>
            %and3A_259 = arith.constant 63 : i32
            %and3A_260 = vector.broadcast %and3A_259 : i32 to vector<16xi32>
            %and3A_261 = arith.andi %add3A_258, %and3A_260 : vector<16xi32>
            %gather3A_262 = tpu.vector_load_idx %arg11[%add3A_128, %and3A_261] : memref<80x128xf32, #tpu.memory_space<vmem>>[vector<16xi32>, vector<16xi32>], vector<16xf32>,
            %mul3A_263 = arith.mulf %exp3A, %gather3A_262 : vector<16xf32>
            tpu.vector_store_idx %arg11[%add3A_128, %and3A_261], %mul3A_263 : memref<80x128xf32, #tpu.memory_space<vmem>>[vector<16xi32>, vector<16xi32>], vector<16xf32>,
            %mul3A_264 = arith.constant 16 : i32
            %mul3A_265 = arith.muli %scan3A_144, %mul3A_264 : i32
            %add3A_266 = arith.constant 11 : i32
            %add3A_267 = arith.addi %mul3A_265, %add3A_266 : i32
            %add3A_268 = vector.broadcast %add3A_267 : i32 to vector<16xi32>
            %add3A_269 = arith.addi %iota3A, %add3A_268 : vector<16xi32>
            %and3A_270 = arith.constant 63 : i32
            %and3A_271 = vector.broadcast %and3A_270 : i32 to vector<16xi32>
            %and3A_272 = arith.andi %add3A_269, %and3A_271 : vector<16xi32>
            %gather3A_273 = tpu.vector_load_idx %arg11[%add3A_128, %and3A_272] : memref<80x128xf32, #tpu.memory_space<vmem>>[vector<16xi32>, vector<16xi32>], vector<16xf32>,
            %mul3A_274 = arith.mulf %exp3A, %gather3A_273 : vector<16xf32>
            tpu.vector_store_idx %arg11[%add3A_128, %and3A_272], %mul3A_274 : memref<80x128xf32, #tpu.memory_space<vmem>>[vector<16xi32>, vector<16xi32>], vector<16xf32>,
            %mul3A_275 = arith.constant 16 : i32
            %mul3A_276 = arith.muli %scan3A_144, %mul3A_275 : i32
            %add3A_277 = arith.constant 12 : i32
            %add3A_278 = arith.addi %mul3A_276, %add3A_277 : i32
            %add3A_279 = vector.broadcast %add3A_278 : i32 to vector<16xi32>
            %add3A_280 = arith.addi %iota3A, %add3A_279 : vector<16xi32>
            %and3A_281 = arith.constant 63 : i32
            %and3A_282 = vector.broadcast %and3A_281 : i32 to vector<16xi32>
            %and3A_283 = arith.andi %add3A_280, %and3A_282 : vector<16xi32>
            %gather3A_284 = tpu.vector_load_idx %arg11[%add3A_128, %and3A_283] : memref<80x128xf32, #tpu.memory_space<vmem>>[vector<16xi32>, vector<16xi32>], vector<16xf32>,
            %mul3A_285 = arith.mulf %exp3A, %gather3A_284 : vector<16xf32>
            tpu.vector_store_idx %arg11[%add3A_128, %and3A_283], %mul3A_285 : memref<80x128xf32, #tpu.memory_space<vmem>>[vector<16xi32>, vector<16xi32>], vector<16xf32>,
            %mul3A_286 = arith.constant 16 : i32
            %mul3A_287 = arith.muli %scan3A_144, %mul3A_286 : i32
            %add3A_288 = arith.constant 13 : i32
            %add3A_289 = arith.addi %mul3A_287, %add3A_288 : i32
            %add3A_290 = vector.broadcast %add3A_289 : i32 to vector<16xi32>
            %add3A_291 = arith.addi %iota3A, %add3A_290 : vector<16xi32>
            %and3A_292 = arith.constant 63 : i32
            %and3A_293 = vector.broadcast %and3A_292 : i32 to vector<16xi32>
            %and3A_294 = arith.andi %add3A_291, %and3A_293 : vector<16xi32>
            %gather3A_295 = tpu.vector_load_idx %arg11[%add3A_128, %and3A_294] : memref<80x128xf32, #tpu.memory_space<vmem>>[vector<16xi32>, vector<16xi32>], vector<16xf32>,
            %mul3A_296 = arith.mulf %exp3A, %gather3A_295 : vector<16xf32>
            tpu.vector_store_idx %arg11[%add3A_128, %and3A_294], %mul3A_296 : memref<80x128xf32, #tpu.memory_space<vmem>>[vector<16xi32>, vector<16xi32>], vector<16xf32>,
            %mul3A_297 = arith.constant 16 : i32
            %mul3A_298 = arith.muli %scan3A_144, %mul3A_297 : i32
            %add3A_299 = arith.constant 14 : i32
            %add3A_300 = arith.addi %mul3A_298, %add3A_299 : i32
            %add3A_301 = vector.broadcast %add3A_300 : i32 to vector<16xi32>
            %add3A_302 = arith.addi %iota3A, %add3A_301 : vector<16xi32>
            %and3A_303 = arith.constant 63 : i32
            %and3A_304 = vector.broadcast %and3A_303 : i32 to vector<16xi32>
            %and3A_305 = arith.andi %add3A_302, %and3A_304 : vector<16xi32>
            %gather3A_306 = tpu.vector_load_idx %arg11[%add3A_128, %and3A_305] : memref<80x128xf32, #tpu.memory_space<vmem>>[vector<16xi32>, vector<16xi32>], vector<16xf32>,
            %mul3A_307 = arith.mulf %exp3A, %gather3A_306 : vector<16xf32>
            tpu.vector_store_idx %arg11[%add3A_128, %and3A_305], %mul3A_307 : memref<80x128xf32, #tpu.memory_space<vmem>>[vector<16xi32>, vector<16xi32>], vector<16xf32>,
            %mul3A_308 = arith.constant 16 : i32
            %mul3A_309 = arith.muli %scan3A_144, %mul3A_308 : i32
            %add3A_310 = arith.constant 15 : i32
            %add3A_311 = arith.addi %mul3A_309, %add3A_310 : i32
            %add3A_312 = vector.broadcast %add3A_311 : i32 to vector<16xi32>
            %add3A_313 = arith.addi %iota3A, %add3A_312 : vector<16xi32>
            %and3A_314 = arith.constant 63 : i32
            %and3A_315 = vector.broadcast %and3A_314 : i32 to vector<16xi32>
            %and3A_316 = arith.andi %add3A_313, %and3A_315 : vector<16xi32>
            %gather3A_317 = tpu.vector_load_idx %arg11[%add3A_128, %and3A_316] : memref<80x128xf32, #tpu.memory_space<vmem>>[vector<16xi32>, vector<16xi32>], vector<16xf32>,
            %mul3A_318 = arith.mulf %exp3A, %gather3A_317 : vector<16xf32>
            tpu.vector_store_idx %arg11[%add3A_128, %and3A_316], %mul3A_318 : memref<80x128xf32, #tpu.memory_space<vmem>>[vector<16xi32>, vector<16xi32>], vector<16xf32>,
          }
          %scan3A_141 = arith.constant 4 : i32
          %broadcast_in_dim3A_142 = arith.constant 64 : i32
          %broadcast_in_dim3A_143 = vector.broadcast %broadcast_in_dim3A_142 : i32 to vector<16xi32>
          tpu.vector_store_idx %arg11[%add3A_128, %broadcast_in_dim3A_143], %exp3A : memref<80x128xf32, #tpu.memory_space<vmem>>[vector<16xi32>, vector<16xi32>], vector<16xf32>,
        }
        %scan3A_123 = arith.constant 5 : i32
        "tpu.region"() ({
          %run_scoped3A_124 = tpu.sem_alloc : memref<!tpu.dma_semaphore, #tpu.memory_space<semaphore_mem>>
          %dma_start3A_125 = arith.constant 0 : i32
          %dma_start3A_126 = tpu.memref_slice %arg8[%add3A_91, %dma_start3A_125] : memref<25x80xi32, #tpu.memory_space<vmem>> -> memref<1x80xi32, #tpu.memory_space<vmem>>
          %dma_start3A_127 = tpu.memref_squeeze %dma_start3A_126 : memref<1x80xi32, #tpu.memory_space<vmem>> -> memref<80xi32, #tpu.memory_space<vmem>>
          %dma_start3A_128 = arith.constant 0 : i32
          %dma_start3A_129 = arith.constant 0 : i32
          %dma_start3A_130 = tpu.memref_slice %arg17[%dma_start3A_128, %dma_start3A_129] : memref<10000x128xf32, #tpu.memory_space<vmem_shared>> -> memref<10000x128xf32, #tpu.memory_space<vmem_shared>>
          tpu.enqueue_indirect_dma source(%arg11 : memref<80x128xf32, #tpu.memory_space<vmem>>) target(%dma_start3A_130 : memref<10000x128xf32, #tpu.memory_space<vmem_shared>>) offsets(%dma_start3A_127 : memref<80xi32, #tpu.memory_space<vmem>>) semaphore(%run_scoped3A_124 : memref<!tpu.dma_semaphore, #tpu.memory_space<semaphore_mem>>) {add = true}
          %dma_wait3A_131 = arith.constant 0 : i32
          %dma_wait3A_132 = tpu.memref_slice %arg8[%add3A_91, %dma_wait3A_131] : memref<25x80xi32, #tpu.memory_space<vmem>> -> memref<1x80xi32, #tpu.memory_space<vmem>>
          %dma_wait3A_133 = tpu.memref_squeeze %dma_wait3A_132 : memref<1x80xi32, #tpu.memory_space<vmem>> -> memref<80xi32, #tpu.memory_space<vmem>>
          %dma_wait3A_134 = arith.constant 0 : i32
          %dma_wait3A_135 = arith.constant 0 : i32
          %dma_wait3A_136 = tpu.memref_slice %arg17[%dma_wait3A_134, %dma_wait3A_135] : memref<10000x128xf32, #tpu.memory_space<vmem_shared>> -> memref<10000x128xf32, #tpu.memory_space<vmem_shared>>
          tpu.wait_indirect_dma semaphore(%run_scoped3A_124 : memref<!tpu.dma_semaphore, #tpu.memory_space<semaphore_mem>>) src(%arg11 : memref<80x128xf32, #tpu.memory_space<vmem>>) dst(%dma_wait3A_136 : memref<10000x128xf32, #tpu.memory_space<vmem_shared>>)
          tpu.yield
        }) : () -> ()
      }
      %scan3A_33 = arith.constant 12 : i32
      %dma_wait3A = arith.constant 0 : i32
      %dma_wait3A_34 = arith.constant 0 : i32
      %dma_wait3A_35 = tpu.memref_slice %arg2[%dma_wait3A, %dma_wait3A_34] : memref<10000x128xf32, #tpu.memory_space<hbm>> -> memref<80x128xf32, #tpu.memory_space<hbm>>
      %dma_wait3A_36 = arith.constant 0 : i32
      %dma_wait3A_37 = arith.constant 0 : i32
      %dma_wait3A_38 = tpu.memref_slice %arg2[%dma_wait3A_36, %dma_wait3A_37] : memref<10000x128xf32, #tpu.memory_space<hbm>> -> memref<80x128xf32, #tpu.memory_space<hbm>>
      tpu.wait_dma2 semaphore(%arg13 : memref<!tpu.dma_semaphore, #tpu.memory_space<semaphore_mem>>) src(%dma_wait3A_38 : memref<80x128xf32, #tpu.memory_space<hbm>>) dst(%arg9 : memref<80x128xf32, #tpu.memory_space<vmem>>)
      %dma_wait3A_39 = arith.constant 0 : i32
      %dma_wait3A_40 = arith.constant 0 : i32
      %dma_wait3A_41 = tpu.memref_slice %arg2[%dma_wait3A_39, %dma_wait3A_40] : memref<10000x128xf32, #tpu.memory_space<hbm>> -> memref<80x128xf32, #tpu.memory_space<hbm>>
      %dma_wait3A_42 = arith.constant 0 : i32
      %dma_wait3A_43 = arith.constant 0 : i32
      %dma_wait3A_44 = tpu.memref_slice %arg2[%dma_wait3A_42, %dma_wait3A_43] : memref<10000x128xf32, #tpu.memory_space<hbm>> -> memref<80x128xf32, #tpu.memory_space<hbm>>
      tpu.wait_dma2 semaphore(%arg14 : memref<!tpu.dma_semaphore, #tpu.memory_space<semaphore_mem>>) src(%dma_wait3A_44 : memref<80x128xf32, #tpu.memory_space<hbm>>) dst(%arg10 : memref<80x128xf32, #tpu.memory_space<vmem>>)
      %scan3A_45 = arith.constant 0 : i32
      %scan3A_46 = arith.constant 0 : i32
      %scan3A_47 = arith.constant 5 : i32
      %scan3A_48 = arith.addi %scan3A_46, %scan3A_47 : i32
      %scan3A_49 = arith.constant 1 : i32
      scf.for %scan3A_51 = %scan3A_46 to %scan3A_48 step %scan3A_49  : i32 {
        %mul3A_52 = arith.constant 16 : i32
        %mul3A_53 = arith.muli %scan3A_51, %mul3A_52 : i32
        %add3A_54 = vector.broadcast %mul3A_53 : i32 to vector<16xi32>
        %add3A_55 = arith.addi %iota3A, %add3A_54 : vector<16xi32>
        %broadcast_in_dim3A = arith.constant 0.000000e+00 : f32
        %broadcast_in_dim3A_56 = vector.broadcast %broadcast_in_dim3A : f32 to vector<16xf32>
        %scan3A_57 = arith.constant 0 : i32
        %scan3A_58 = arith.constant 4 : i32
        %scan3A_59 = arith.addi %scan3A_57, %scan3A_58 : i32
        %scan3A_60 = arith.constant 1 : i32
        %scan3A_61 = scf.for %scan3A_71 = %scan3A_57 to %scan3A_59 step %scan3A_60 iter_args(%scan3A_72 = %broadcast_in_dim3A_56) -> (vector<16xf32>)  : i32 {
          %mul3A_73 = arith.constant 16 : i32
          %mul3A_74 = arith.muli %scan3A_71, %mul3A_73 : i32
          %add3A_75 = arith.constant 0 : i32
          %add3A_76 = arith.addi %mul3A_74, %add3A_75 : i32
          %add3A_77 = vector.broadcast %add3A_76 : i32 to vector<16xi32>
          %add3A_78 = arith.addi %iota3A, %add3A_77 : vector<16xi32>
          %and3A = arith.constant 63 : i32
          %and3A_79 = vector.broadcast %and3A : i32 to vector<16xi32>
          %and3A_80 = arith.andi %add3A_78, %and3A_79 : vector<16xi32>
          %gather3A = tpu.vector_load_idx %arg10[%add3A_55, %and3A_80] : memref<80x128xf32, #tpu.memory_space<vmem>>[vector<16xi32>, vector<16xi32>], vector<16xf32>,
          %add3A_81 = arith.constant 64 : i32
          %add3A_82 = vector.broadcast %add3A_81 : i32 to vector<16xi32>
          %add3A_83 = arith.addi %and3A_80, %add3A_82 : vector<16xi32>
          %gather3A_84 = tpu.vector_load_idx %arg9[%add3A_55, %add3A_83] : memref<80x128xf32, #tpu.memory_space<vmem>>[vector<16xi32>, vector<16xi32>], vector<16xf32>,
          %mul3A_85 = arith.mulf %gather3A, %gather3A_84 : vector<16xf32>
          %add3A_86 = arith.addf %scan3A_72, %mul3A_85 : vector<16xf32>
          %mul3A_87 = arith.constant 16 : i32
          %mul3A_88 = arith.muli %scan3A_71, %mul3A_87 : i32
          %add3A_89 = arith.constant 1 : i32
          %add3A_90 = arith.addi %mul3A_88, %add3A_89 : i32
          %add3A_91 = vector.broadcast %add3A_90 : i32 to vector<16xi32>
          %add3A_92 = arith.addi %iota3A, %add3A_91 : vector<16xi32>
          %and3A_93 = arith.constant 63 : i32
          %and3A_94 = vector.broadcast %and3A_93 : i32 to vector<16xi32>
          %and3A_95 = arith.andi %add3A_92, %and3A_94 : vector<16xi32>
          %gather3A_96 = tpu.vector_load_idx %arg10[%add3A_55, %and3A_95] : memref<80x128xf32, #tpu.memory_space<vmem>>[vector<16xi32>, vector<16xi32>], vector<16xf32>,
          %add3A_97 = arith.constant 64 : i32
          %add3A_98 = vector.broadcast %add3A_97 : i32 to vector<16xi32>
          %add3A_99 = arith.addi %and3A_95, %add3A_98 : vector<16xi32>
          %gather3A_100 = tpu.vector_load_idx %arg9[%add3A_55, %add3A_99] : memref<80x128xf32, #tpu.memory_space<vmem>>[vector<16xi32>, vector<16xi32>], vector<16xf32>,
          %mul3A_101 = arith.mulf %gather3A_96, %gather3A_100 : vector<16xf32>
          %add3A_102 = arith.addf %add3A_86, %mul3A_101 : vector<16xf32>
          %mul3A_103 = arith.constant 16 : i32
          %mul3A_104 = arith.muli %scan3A_71, %mul3A_103 : i32
          %add3A_105 = arith.constant 2 : i32
          %add3A_106 = arith.addi %mul3A_104, %add3A_105 : i32
          %add3A_107 = vector.broadcast %add3A_106 : i32 to vector<16xi32>
          %add3A_108 = arith.addi %iota3A, %add3A_107 : vector<16xi32>
          %and3A_109 = arith.constant 63 : i32
          %and3A_110 = vector.broadcast %and3A_109 : i32 to vector<16xi32>
          %and3A_111 = arith.andi %add3A_108, %and3A_110 : vector<16xi32>
          %gather3A_112 = tpu.vector_load_idx %arg10[%add3A_55, %and3A_111] : memref<80x128xf32, #tpu.memory_space<vmem>>[vector<16xi32>, vector<16xi32>], vector<16xf32>,
          %add3A_113 = arith.constant 64 : i32
          %add3A_114 = vector.broadcast %add3A_113 : i32 to vector<16xi32>
          %add3A_115 = arith.addi %and3A_111, %add3A_114 : vector<16xi32>
          %gather3A_116 = tpu.vector_load_idx %arg9[%add3A_55, %add3A_115] : memref<80x128xf32, #tpu.memory_space<vmem>>[vector<16xi32>, vector<16xi32>], vector<16xf32>,
          %mul3A_117 = arith.mulf %gather3A_112, %gather3A_116 : vector<16xf32>
          %add3A_118 = arith.addf %add3A_102, %mul3A_117 : vector<16xf32>
          %mul3A_119 = arith.constant 16 : i32
          %mul3A_120 = arith.muli %scan3A_71, %mul3A_119 : i32
          %add3A_121 = arith.constant 3 : i32
          %add3A_122 = arith.addi %mul3A_120, %add3A_121 : i32
          %add3A_123 = vector.broadcast %add3A_122 : i32 to vector<16xi32>
          %add3A_124 = arith.addi %iota3A, %add3A_123 : vector<16xi32>
          %and3A_125 = arith.constant 63 : i32
          %and3A_126 = vector.broadcast %and3A_125 : i32 to vector<16xi32>
          %and3A_127 = arith.andi %add3A_124, %and3A_126 : vector<16xi32>
          %gather3A_128 = tpu.vector_load_idx %arg10[%add3A_55, %and3A_127] : memref<80x128xf32, #tpu.memory_space<vmem>>[vector<16xi32>, vector<16xi32>], vector<16xf32>,
          %add3A_129 = arith.constant 64 : i32
          %add3A_130 = vector.broadcast %add3A_129 : i32 to vector<16xi32>
          %add3A_131 = arith.addi %and3A_127, %add3A_130 : vector<16xi32>
          %gather3A_132 = tpu.vector_load_idx %arg9[%add3A_55, %add3A_131] : memref<80x128xf32, #tpu.memory_space<vmem>>[vector<16xi32>, vector<16xi32>], vector<16xf32>,
          %mul3A_133 = arith.mulf %gather3A_128, %gather3A_132 : vector<16xf32>
          %add3A_134 = arith.addf %add3A_118, %mul3A_133 : vector<16xf32>
          %mul3A_135 = arith.constant 16 : i32
          %mul3A_136 = arith.muli %scan3A_71, %mul3A_135 : i32
          %add3A_137 = arith.constant 4 : i32
          %add3A_138 = arith.addi %mul3A_136, %add3A_137 : i32
          %add3A_139 = vector.broadcast %add3A_138 : i32 to vector<16xi32>
          %add3A_140 = arith.addi %iota3A, %add3A_139 : vector<16xi32>
          %and3A_141 = arith.constant 63 : i32
          %and3A_142 = vector.broadcast %and3A_141 : i32 to vector<16xi32>
          %and3A_143 = arith.andi %add3A_140, %and3A_142 : vector<16xi32>
          %gather3A_144 = tpu.vector_load_idx %arg10[%add3A_55, %and3A_143] : memref<80x128xf32, #tpu.memory_space<vmem>>[vector<16xi32>, vector<16xi32>], vector<16xf32>,
          %add3A_145 = arith.constant 64 : i32
          %add3A_146 = vector.broadcast %add3A_145 : i32 to vector<16xi32>
          %add3A_147 = arith.addi %and3A_143, %add3A_146 : vector<16xi32>
          %gather3A_148 = tpu.vector_load_idx %arg9[%add3A_55, %add3A_147] : memref<80x128xf32, #tpu.memory_space<vmem>>[vector<16xi32>, vector<16xi32>], vector<16xf32>,
          %mul3A_149 = arith.mulf %gather3A_144, %gather3A_148 : vector<16xf32>
          %add3A_150 = arith.addf %add3A_134, %mul3A_149 : vector<16xf32>
          %mul3A_151 = arith.constant 16 : i32
          %mul3A_152 = arith.muli %scan3A_71, %mul3A_151 : i32
          %add3A_153 = arith.constant 5 : i32
          %add3A_154 = arith.addi %mul3A_152, %add3A_153 : i32
          %add3A_155 = vector.broadcast %add3A_154 : i32 to vector<16xi32>
          %add3A_156 = arith.addi %iota3A, %add3A_155 : vector<16xi32>
          %and3A_157 = arith.constant 63 : i32
          %and3A_158 = vector.broadcast %and3A_157 : i32 to vector<16xi32>
          %and3A_159 = arith.andi %add3A_156, %and3A_158 : vector<16xi32>
          %gather3A_160 = tpu.vector_load_idx %arg10[%add3A_55, %and3A_159] : memref<80x128xf32, #tpu.memory_space<vmem>>[vector<16xi32>, vector<16xi32>], vector<16xf32>,
          %add3A_161 = arith.constant 64 : i32
          %add3A_162 = vector.broadcast %add3A_161 : i32 to vector<16xi32>
          %add3A_163 = arith.addi %and3A_159, %add3A_162 : vector<16xi32>
          %gather3A_164 = tpu.vector_load_idx %arg9[%add3A_55, %add3A_163] : memref<80x128xf32, #tpu.memory_space<vmem>>[vector<16xi32>, vector<16xi32>], vector<16xf32>,
          %mul3A_165 = arith.mulf %gather3A_160, %gather3A_164 : vector<16xf32>
          %add3A_166 = arith.addf %add3A_150, %mul3A_165 : vector<16xf32>
          %mul3A_167 = arith.constant 16 : i32
          %mul3A_168 = arith.muli %scan3A_71, %mul3A_167 : i32
          %add3A_169 = arith.constant 6 : i32
          %add3A_170 = arith.addi %mul3A_168, %add3A_169 : i32
          %add3A_171 = vector.broadcast %add3A_170 : i32 to vector<16xi32>
          %add3A_172 = arith.addi %iota3A, %add3A_171 : vector<16xi32>
          %and3A_173 = arith.constant 63 : i32
          %and3A_174 = vector.broadcast %and3A_173 : i32 to vector<16xi32>
          %and3A_175 = arith.andi %add3A_172, %and3A_174 : vector<16xi32>
          %gather3A_176 = tpu.vector_load_idx %arg10[%add3A_55, %and3A_175] : memref<80x128xf32, #tpu.memory_space<vmem>>[vector<16xi32>, vector<16xi32>], vector<16xf32>,
          %add3A_177 = arith.constant 64 : i32
          %add3A_178 = vector.broadcast %add3A_177 : i32 to vector<16xi32>
          %add3A_179 = arith.addi %and3A_175, %add3A_178 : vector<16xi32>
          %gather3A_180 = tpu.vector_load_idx %arg9[%add3A_55, %add3A_179] : memref<80x128xf32, #tpu.memory_space<vmem>>[vector<16xi32>, vector<16xi32>], vector<16xf32>,
          %mul3A_181 = arith.mulf %gather3A_176, %gather3A_180 : vector<16xf32>
          %add3A_182 = arith.addf %add3A_166, %mul3A_181 : vector<16xf32>
          %mul3A_183 = arith.constant 16 : i32
          %mul3A_184 = arith.muli %scan3A_71, %mul3A_183 : i32
          %add3A_185 = arith.constant 7 : i32
          %add3A_186 = arith.addi %mul3A_184, %add3A_185 : i32
          %add3A_187 = vector.broadcast %add3A_186 : i32 to vector<16xi32>
          %add3A_188 = arith.addi %iota3A, %add3A_187 : vector<16xi32>
          %and3A_189 = arith.constant 63 : i32
          %and3A_190 = vector.broadcast %and3A_189 : i32 to vector<16xi32>
          %and3A_191 = arith.andi %add3A_188, %and3A_190 : vector<16xi32>
          %gather3A_192 = tpu.vector_load_idx %arg10[%add3A_55, %and3A_191] : memref<80x128xf32, #tpu.memory_space<vmem>>[vector<16xi32>, vector<16xi32>], vector<16xf32>,
          %add3A_193 = arith.constant 64 : i32
          %add3A_194 = vector.broadcast %add3A_193 : i32 to vector<16xi32>
          %add3A_195 = arith.addi %and3A_191, %add3A_194 : vector<16xi32>
          %gather3A_196 = tpu.vector_load_idx %arg9[%add3A_55, %add3A_195] : memref<80x128xf32, #tpu.memory_space<vmem>>[vector<16xi32>, vector<16xi32>], vector<16xf32>,
          %mul3A_197 = arith.mulf %gather3A_192, %gather3A_196 : vector<16xf32>
          %add3A_198 = arith.addf %add3A_182, %mul3A_197 : vector<16xf32>
          %mul3A_199 = arith.constant 16 : i32
          %mul3A_200 = arith.muli %scan3A_71, %mul3A_199 : i32
          %add3A_201 = arith.constant 8 : i32
          %add3A_202 = arith.addi %mul3A_200, %add3A_201 : i32
          %add3A_203 = vector.broadcast %add3A_202 : i32 to vector<16xi32>
          %add3A_204 = arith.addi %iota3A, %add3A_203 : vector<16xi32>
          %and3A_205 = arith.constant 63 : i32
          %and3A_206 = vector.broadcast %and3A_205 : i32 to vector<16xi32>
          %and3A_207 = arith.andi %add3A_204, %and3A_206 : vector<16xi32>
          %gather3A_208 = tpu.vector_load_idx %arg10[%add3A_55, %and3A_207] : memref<80x128xf32, #tpu.memory_space<vmem>>[vector<16xi32>, vector<16xi32>], vector<16xf32>,
          %add3A_209 = arith.constant 64 : i32
          %add3A_210 = vector.broadcast %add3A_209 : i32 to vector<16xi32>
          %add3A_211 = arith.addi %and3A_207, %add3A_210 : vector<16xi32>
          %gather3A_212 = tpu.vector_load_idx %arg9[%add3A_55, %add3A_211] : memref<80x128xf32, #tpu.memory_space<vmem>>[vector<16xi32>, vector<16xi32>], vector<16xf32>,
          %mul3A_213 = arith.mulf %gather3A_208, %gather3A_212 : vector<16xf32>
          %add3A_214 = arith.addf %add3A_198, %mul3A_213 : vector<16xf32>
          %mul3A_215 = arith.constant 16 : i32
          %mul3A_216 = arith.muli %scan3A_71, %mul3A_215 : i32
          %add3A_217 = arith.constant 9 : i32
          %add3A_218 = arith.addi %mul3A_216, %add3A_217 : i32
          %add3A_219 = vector.broadcast %add3A_218 : i32 to vector<16xi32>
          %add3A_220 = arith.addi %iota3A, %add3A_219 : vector<16xi32>
          %and3A_221 = arith.constant 63 : i32
          %and3A_222 = vector.broadcast %and3A_221 : i32 to vector<16xi32>
          %and3A_223 = arith.andi %add3A_220, %and3A_222 : vector<16xi32>
          %gather3A_224 = tpu.vector_load_idx %arg10[%add3A_55, %and3A_223] : memref<80x128xf32, #tpu.memory_space<vmem>>[vector<16xi32>, vector<16xi32>], vector<16xf32>,
          %add3A_225 = arith.constant 64 : i32
          %add3A_226 = vector.broadcast %add3A_225 : i32 to vector<16xi32>
          %add3A_227 = arith.addi %and3A_223, %add3A_226 : vector<16xi32>
          %gather3A_228 = tpu.vector_load_idx %arg9[%add3A_55, %add3A_227] : memref<80x128xf32, #tpu.memory_space<vmem>>[vector<16xi32>, vector<16xi32>], vector<16xf32>,
          %mul3A_229 = arith.mulf %gather3A_224, %gather3A_228 : vector<16xf32>
          %add3A_230 = arith.addf %add3A_214, %mul3A_229 : vector<16xf32>
          %mul3A_231 = arith.constant 16 : i32
          %mul3A_232 = arith.muli %scan3A_71, %mul3A_231 : i32
          %add3A_233 = arith.constant 10 : i32
          %add3A_234 = arith.addi %mul3A_232, %add3A_233 : i32
          %add3A_235 = vector.broadcast %add3A_234 : i32 to vector<16xi32>
          %add3A_236 = arith.addi %iota3A, %add3A_235 : vector<16xi32>
          %and3A_237 = arith.constant 63 : i32
          %and3A_238 = vector.broadcast %and3A_237 : i32 to vector<16xi32>
          %and3A_239 = arith.andi %add3A_236, %and3A_238 : vector<16xi32>
          %gather3A_240 = tpu.vector_load_idx %arg10[%add3A_55, %and3A_239] : memref<80x128xf32, #tpu.memory_space<vmem>>[vector<16xi32>, vector<16xi32>], vector<16xf32>,
          %add3A_241 = arith.constant 64 : i32
          %add3A_242 = vector.broadcast %add3A_241 : i32 to vector<16xi32>
          %add3A_243 = arith.addi %and3A_239, %add3A_242 : vector<16xi32>
          %gather3A_244 = tpu.vector_load_idx %arg9[%add3A_55, %add3A_243] : memref<80x128xf32, #tpu.memory_space<vmem>>[vector<16xi32>, vector<16xi32>], vector<16xf32>,
          %mul3A_245 = arith.mulf %gather3A_240, %gather3A_244 : vector<16xf32>
          %add3A_246 = arith.addf %add3A_230, %mul3A_245 : vector<16xf32>
          %mul3A_247 = arith.constant 16 : i32
          %mul3A_248 = arith.muli %scan3A_71, %mul3A_247 : i32
          %add3A_249 = arith.constant 11 : i32
          %add3A_250 = arith.addi %mul3A_248, %add3A_249 : i32
          %add3A_251 = vector.broadcast %add3A_250 : i32 to vector<16xi32>
          %add3A_252 = arith.addi %iota3A, %add3A_251 : vector<16xi32>
          %and3A_253 = arith.constant 63 : i32
          %and3A_254 = vector.broadcast %and3A_253 : i32 to vector<16xi32>
          %and3A_255 = arith.andi %add3A_252, %and3A_254 : vector<16xi32>
          %gather3A_256 = tpu.vector_load_idx %arg10[%add3A_55, %and3A_255] : memref<80x128xf32, #tpu.memory_space<vmem>>[vector<16xi32>, vector<16xi32>], vector<16xf32>,
          %add3A_257 = arith.constant 64 : i32
          %add3A_258 = vector.broadcast %add3A_257 : i32 to vector<16xi32>
          %add3A_259 = arith.addi %and3A_255, %add3A_258 : vector<16xi32>
          %gather3A_260 = tpu.vector_load_idx %arg9[%add3A_55, %add3A_259] : memref<80x128xf32, #tpu.memory_space<vmem>>[vector<16xi32>, vector<16xi32>], vector<16xf32>,
          %mul3A_261 = arith.mulf %gather3A_256, %gather3A_260 : vector<16xf32>
          %add3A_262 = arith.addf %add3A_246, %mul3A_261 : vector<16xf32>
          %mul3A_263 = arith.constant 16 : i32
          %mul3A_264 = arith.muli %scan3A_71, %mul3A_263 : i32
          %add3A_265 = arith.constant 12 : i32
          %add3A_266 = arith.addi %mul3A_264, %add3A_265 : i32
          %add3A_267 = vector.broadcast %add3A_266 : i32 to vector<16xi32>
          %add3A_268 = arith.addi %iota3A, %add3A_267 : vector<16xi32>
          %and3A_269 = arith.constant 63 : i32
          %and3A_270 = vector.broadcast %and3A_269 : i32 to vector<16xi32>
          %and3A_271 = arith.andi %add3A_268, %and3A_270 : vector<16xi32>
          %gather3A_272 = tpu.vector_load_idx %arg10[%add3A_55, %and3A_271] : memref<80x128xf32, #tpu.memory_space<vmem>>[vector<16xi32>, vector<16xi32>], vector<16xf32>,
          %add3A_273 = arith.constant 64 : i32
          %add3A_274 = vector.broadcast %add3A_273 : i32 to vector<16xi32>
          %add3A_275 = arith.addi %and3A_271, %add3A_274 : vector<16xi32>
          %gather3A_276 = tpu.vector_load_idx %arg9[%add3A_55, %add3A_275] : memref<80x128xf32, #tpu.memory_space<vmem>>[vector<16xi32>, vector<16xi32>], vector<16xf32>,
          %mul3A_277 = arith.mulf %gather3A_272, %gather3A_276 : vector<16xf32>
          %add3A_278 = arith.addf %add3A_262, %mul3A_277 : vector<16xf32>
          %mul3A_279 = arith.constant 16 : i32
          %mul3A_280 = arith.muli %scan3A_71, %mul3A_279 : i32
          %add3A_281 = arith.constant 13 : i32
          %add3A_282 = arith.addi %mul3A_280, %add3A_281 : i32
          %add3A_283 = vector.broadcast %add3A_282 : i32 to vector<16xi32>
          %add3A_284 = arith.addi %iota3A, %add3A_283 : vector<16xi32>
          %and3A_285 = arith.constant 63 : i32
          %and3A_286 = vector.broadcast %and3A_285 : i32 to vector<16xi32>
          %and3A_287 = arith.andi %add3A_284, %and3A_286 : vector<16xi32>
          %gather3A_288 = tpu.vector_load_idx %arg10[%add3A_55, %and3A_287] : memref<80x128xf32, #tpu.memory_space<vmem>>[vector<16xi32>, vector<16xi32>], vector<16xf32>,
          %add3A_289 = arith.constant 64 : i32
          %add3A_290 = vector.broadcast %add3A_289 : i32 to vector<16xi32>
          %add3A_291 = arith.addi %and3A_287, %add3A_290 : vector<16xi32>
          %gather3A_292 = tpu.vector_load_idx %arg9[%add3A_55, %add3A_291] : memref<80x128xf32, #tpu.memory_space<vmem>>[vector<16xi32>, vector<16xi32>], vector<16xf32>,
          %mul3A_293 = arith.mulf %gather3A_288, %gather3A_292 : vector<16xf32>
          %add3A_294 = arith.addf %add3A_278, %mul3A_293 : vector<16xf32>
          %mul3A_295 = arith.constant 16 : i32
          %mul3A_296 = arith.muli %scan3A_71, %mul3A_295 : i32
          %add3A_297 = arith.constant 14 : i32
          %add3A_298 = arith.addi %mul3A_296, %add3A_297 : i32
          %add3A_299 = vector.broadcast %add3A_298 : i32 to vector<16xi32>
          %add3A_300 = arith.addi %iota3A, %add3A_299 : vector<16xi32>
          %and3A_301 = arith.constant 63 : i32
          %and3A_302 = vector.broadcast %and3A_301 : i32 to vector<16xi32>
          %and3A_303 = arith.andi %add3A_300, %and3A_302 : vector<16xi32>
          %gather3A_304 = tpu.vector_load_idx %arg10[%add3A_55, %and3A_303] : memref<80x128xf32, #tpu.memory_space<vmem>>[vector<16xi32>, vector<16xi32>], vector<16xf32>,
          %add3A_305 = arith.constant 64 : i32
          %add3A_306 = vector.broadcast %add3A_305 : i32 to vector<16xi32>
          %add3A_307 = arith.addi %and3A_303, %add3A_306 : vector<16xi32>
          %gather3A_308 = tpu.vector_load_idx %arg9[%add3A_55, %add3A_307] : memref<80x128xf32, #tpu.memory_space<vmem>>[vector<16xi32>, vector<16xi32>], vector<16xf32>,
          %mul3A_309 = arith.mulf %gather3A_304, %gather3A_308 : vector<16xf32>
          %add3A_310 = arith.addf %add3A_294, %mul3A_309 : vector<16xf32>
          %mul3A_311 = arith.constant 16 : i32
          %mul3A_312 = arith.muli %scan3A_71, %mul3A_311 : i32
          %add3A_313 = arith.constant 15 : i32
          %add3A_314 = arith.addi %mul3A_312, %add3A_313 : i32
          %add3A_315 = vector.broadcast %add3A_314 : i32 to vector<16xi32>
          %add3A_316 = arith.addi %iota3A, %add3A_315 : vector<16xi32>
          %and3A_317 = arith.constant 63 : i32
          %and3A_318 = vector.broadcast %and3A_317 : i32 to vector<16xi32>
          %and3A_319 = arith.andi %add3A_316, %and3A_318 : vector<16xi32>
          %gather3A_320 = tpu.vector_load_idx %arg10[%add3A_55, %and3A_319] : memref<80x128xf32, #tpu.memory_space<vmem>>[vector<16xi32>, vector<16xi32>], vector<16xf32>,
          %add3A_321 = arith.constant 64 : i32
          %add3A_322 = vector.broadcast %add3A_321 : i32 to vector<16xi32>
          %add3A_323 = arith.addi %and3A_319, %add3A_322 : vector<16xi32>
          %gather3A_324 = tpu.vector_load_idx %arg9[%add3A_55, %add3A_323] : memref<80x128xf32, #tpu.memory_space<vmem>>[vector<16xi32>, vector<16xi32>], vector<16xf32>,
          %mul3A_325 = arith.mulf %gather3A_320, %gather3A_324 : vector<16xf32>
          %add3A_326 = arith.addf %add3A_310, %mul3A_325 : vector<16xf32>
          scf.yield %add3A_326 : vector<16xf32>
        }
        %scan3A_62 = arith.constant 4 : i32
        %exp3A = math.exp %scan3A_61 : vector<16xf32>
        %scan3A_63 = arith.constant 0 : i32
        %scan3A_64 = arith.constant 0 : i32
        %scan3A_65 = arith.constant 4 : i32
        %scan3A_66 = arith.addi %scan3A_64, %scan3A_65 : i32
        %scan3A_67 = arith.constant 1 : i32
        scf.for %scan3A_71 = %scan3A_64 to %scan3A_66 step %scan3A_67  : i32 {
          %mul3A_72 = arith.constant 16 : i32
          %mul3A_73 = arith.muli %scan3A_71, %mul3A_72 : i32
          %add3A_74 = arith.constant 0 : i32
          %add3A_75 = arith.addi %mul3A_73, %add3A_74 : i32
          %add3A_76 = vector.broadcast %add3A_75 : i32 to vector<16xi32>
          %add3A_77 = arith.addi %iota3A, %add3A_76 : vector<16xi32>
          %and3A = arith.constant 63 : i32
          %and3A_78 = vector.broadcast %and3A : i32 to vector<16xi32>
          %and3A_79 = arith.andi %add3A_77, %and3A_78 : vector<16xi32>
          %gather3A = tpu.vector_load_idx %arg9[%add3A_55, %and3A_79] : memref<80x128xf32, #tpu.memory_space<vmem>>[vector<16xi32>, vector<16xi32>], vector<16xf32>,
          %mul3A_80 = arith.mulf %exp3A, %gather3A : vector<16xf32>
          tpu.vector_store_idx %arg9[%add3A_55, %and3A_79], %mul3A_80 : memref<80x128xf32, #tpu.memory_space<vmem>>[vector<16xi32>, vector<16xi32>], vector<16xf32>,
          %mul3A_81 = arith.constant 16 : i32
          %mul3A_82 = arith.muli %scan3A_71, %mul3A_81 : i32
          %add3A_83 = arith.constant 1 : i32
          %add3A_84 = arith.addi %mul3A_82, %add3A_83 : i32
          %add3A_85 = vector.broadcast %add3A_84 : i32 to vector<16xi32>
          %add3A_86 = arith.addi %iota3A, %add3A_85 : vector<16xi32>
          %and3A_87 = arith.constant 63 : i32
          %and3A_88 = vector.broadcast %and3A_87 : i32 to vector<16xi32>
          %and3A_89 = arith.andi %add3A_86, %and3A_88 : vector<16xi32>
          %gather3A_90 = tpu.vector_load_idx %arg9[%add3A_55, %and3A_89] : memref<80x128xf32, #tpu.memory_space<vmem>>[vector<16xi32>, vector<16xi32>], vector<16xf32>,
          %mul3A_91 = arith.mulf %exp3A, %gather3A_90 : vector<16xf32>
          tpu.vector_store_idx %arg9[%add3A_55, %and3A_89], %mul3A_91 : memref<80x128xf32, #tpu.memory_space<vmem>>[vector<16xi32>, vector<16xi32>], vector<16xf32>,
          %mul3A_92 = arith.constant 16 : i32
          %mul3A_93 = arith.muli %scan3A_71, %mul3A_92 : i32
          %add3A_94 = arith.constant 2 : i32
          %add3A_95 = arith.addi %mul3A_93, %add3A_94 : i32
          %add3A_96 = vector.broadcast %add3A_95 : i32 to vector<16xi32>
          %add3A_97 = arith.addi %iota3A, %add3A_96 : vector<16xi32>
          %and3A_98 = arith.constant 63 : i32
          %and3A_99 = vector.broadcast %and3A_98 : i32 to vector<16xi32>
          %and3A_100 = arith.andi %add3A_97, %and3A_99 : vector<16xi32>
          %gather3A_101 = tpu.vector_load_idx %arg9[%add3A_55, %and3A_100] : memref<80x128xf32, #tpu.memory_space<vmem>>[vector<16xi32>, vector<16xi32>], vector<16xf32>,
          %mul3A_102 = arith.mulf %exp3A, %gather3A_101 : vector<16xf32>
          tpu.vector_store_idx %arg9[%add3A_55, %and3A_100], %mul3A_102 : memref<80x128xf32, #tpu.memory_space<vmem>>[vector<16xi32>, vector<16xi32>], vector<16xf32>,
          %mul3A_103 = arith.constant 16 : i32
          %mul3A_104 = arith.muli %scan3A_71, %mul3A_103 : i32
          %add3A_105 = arith.constant 3 : i32
          %add3A_106 = arith.addi %mul3A_104, %add3A_105 : i32
          %add3A_107 = vector.broadcast %add3A_106 : i32 to vector<16xi32>
          %add3A_108 = arith.addi %iota3A, %add3A_107 : vector<16xi32>
          %and3A_109 = arith.constant 63 : i32
          %and3A_110 = vector.broadcast %and3A_109 : i32 to vector<16xi32>
          %and3A_111 = arith.andi %add3A_108, %and3A_110 : vector<16xi32>
          %gather3A_112 = tpu.vector_load_idx %arg9[%add3A_55, %and3A_111] : memref<80x128xf32, #tpu.memory_space<vmem>>[vector<16xi32>, vector<16xi32>], vector<16xf32>,
          %mul3A_113 = arith.mulf %exp3A, %gather3A_112 : vector<16xf32>
          tpu.vector_store_idx %arg9[%add3A_55, %and3A_111], %mul3A_113 : memref<80x128xf32, #tpu.memory_space<vmem>>[vector<16xi32>, vector<16xi32>], vector<16xf32>,
          %mul3A_114 = arith.constant 16 : i32
          %mul3A_115 = arith.muli %scan3A_71, %mul3A_114 : i32
          %add3A_116 = arith.constant 4 : i32
          %add3A_117 = arith.addi %mul3A_115, %add3A_116 : i32
          %add3A_118 = vector.broadcast %add3A_117 : i32 to vector<16xi32>
          %add3A_119 = arith.addi %iota3A, %add3A_118 : vector<16xi32>
          %and3A_120 = arith.constant 63 : i32
          %and3A_121 = vector.broadcast %and3A_120 : i32 to vector<16xi32>
          %and3A_122 = arith.andi %add3A_119, %and3A_121 : vector<16xi32>
          %gather3A_123 = tpu.vector_load_idx %arg9[%add3A_55, %and3A_122] : memref<80x128xf32, #tpu.memory_space<vmem>>[vector<16xi32>, vector<16xi32>], vector<16xf32>,
          %mul3A_124 = arith.mulf %exp3A, %gather3A_123 : vector<16xf32>
          tpu.vector_store_idx %arg9[%add3A_55, %and3A_122], %mul3A_124 : memref<80x128xf32, #tpu.memory_space<vmem>>[vector<16xi32>, vector<16xi32>], vector<16xf32>,
          %mul3A_125 = arith.constant 16 : i32
          %mul3A_126 = arith.muli %scan3A_71, %mul3A_125 : i32
          %add3A_127 = arith.constant 5 : i32
          %add3A_128 = arith.addi %mul3A_126, %add3A_127 : i32
          %add3A_129 = vector.broadcast %add3A_128 : i32 to vector<16xi32>
          %add3A_130 = arith.addi %iota3A, %add3A_129 : vector<16xi32>
          %and3A_131 = arith.constant 63 : i32
          %and3A_132 = vector.broadcast %and3A_131 : i32 to vector<16xi32>
          %and3A_133 = arith.andi %add3A_130, %and3A_132 : vector<16xi32>
          %gather3A_134 = tpu.vector_load_idx %arg9[%add3A_55, %and3A_133] : memref<80x128xf32, #tpu.memory_space<vmem>>[vector<16xi32>, vector<16xi32>], vector<16xf32>,
          %mul3A_135 = arith.mulf %exp3A, %gather3A_134 : vector<16xf32>
          tpu.vector_store_idx %arg9[%add3A_55, %and3A_133], %mul3A_135 : memref<80x128xf32, #tpu.memory_space<vmem>>[vector<16xi32>, vector<16xi32>], vector<16xf32>,
          %mul3A_136 = arith.constant 16 : i32
          %mul3A_137 = arith.muli %scan3A_71, %mul3A_136 : i32
          %add3A_138 = arith.constant 6 : i32
          %add3A_139 = arith.addi %mul3A_137, %add3A_138 : i32
          %add3A_140 = vector.broadcast %add3A_139 : i32 to vector<16xi32>
          %add3A_141 = arith.addi %iota3A, %add3A_140 : vector<16xi32>
          %and3A_142 = arith.constant 63 : i32
          %and3A_143 = vector.broadcast %and3A_142 : i32 to vector<16xi32>
          %and3A_144 = arith.andi %add3A_141, %and3A_143 : vector<16xi32>
          %gather3A_145 = tpu.vector_load_idx %arg9[%add3A_55, %and3A_144] : memref<80x128xf32, #tpu.memory_space<vmem>>[vector<16xi32>, vector<16xi32>], vector<16xf32>,
          %mul3A_146 = arith.mulf %exp3A, %gather3A_145 : vector<16xf32>
          tpu.vector_store_idx %arg9[%add3A_55, %and3A_144], %mul3A_146 : memref<80x128xf32, #tpu.memory_space<vmem>>[vector<16xi32>, vector<16xi32>], vector<16xf32>,
          %mul3A_147 = arith.constant 16 : i32
          %mul3A_148 = arith.muli %scan3A_71, %mul3A_147 : i32
          %add3A_149 = arith.constant 7 : i32
          %add3A_150 = arith.addi %mul3A_148, %add3A_149 : i32
          %add3A_151 = vector.broadcast %add3A_150 : i32 to vector<16xi32>
          %add3A_152 = arith.addi %iota3A, %add3A_151 : vector<16xi32>
          %and3A_153 = arith.constant 63 : i32
          %and3A_154 = vector.broadcast %and3A_153 : i32 to vector<16xi32>
          %and3A_155 = arith.andi %add3A_152, %and3A_154 : vector<16xi32>
          %gather3A_156 = tpu.vector_load_idx %arg9[%add3A_55, %and3A_155] : memref<80x128xf32, #tpu.memory_space<vmem>>[vector<16xi32>, vector<16xi32>], vector<16xf32>,
          %mul3A_157 = arith.mulf %exp3A, %gather3A_156 : vector<16xf32>
          tpu.vector_store_idx %arg9[%add3A_55, %and3A_155], %mul3A_157 : memref<80x128xf32, #tpu.memory_space<vmem>>[vector<16xi32>, vector<16xi32>], vector<16xf32>,
          %mul3A_158 = arith.constant 16 : i32
          %mul3A_159 = arith.muli %scan3A_71, %mul3A_158 : i32
          %add3A_160 = arith.constant 8 : i32
          %add3A_161 = arith.addi %mul3A_159, %add3A_160 : i32
          %add3A_162 = vector.broadcast %add3A_161 : i32 to vector<16xi32>
          %add3A_163 = arith.addi %iota3A, %add3A_162 : vector<16xi32>
          %and3A_164 = arith.constant 63 : i32
          %and3A_165 = vector.broadcast %and3A_164 : i32 to vector<16xi32>
          %and3A_166 = arith.andi %add3A_163, %and3A_165 : vector<16xi32>
          %gather3A_167 = tpu.vector_load_idx %arg9[%add3A_55, %and3A_166] : memref<80x128xf32, #tpu.memory_space<vmem>>[vector<16xi32>, vector<16xi32>], vector<16xf32>,
          %mul3A_168 = arith.mulf %exp3A, %gather3A_167 : vector<16xf32>
          tpu.vector_store_idx %arg9[%add3A_55, %and3A_166], %mul3A_168 : memref<80x128xf32, #tpu.memory_space<vmem>>[vector<16xi32>, vector<16xi32>], vector<16xf32>,
          %mul3A_169 = arith.constant 16 : i32
          %mul3A_170 = arith.muli %scan3A_71, %mul3A_169 : i32
          %add3A_171 = arith.constant 9 : i32
          %add3A_172 = arith.addi %mul3A_170, %add3A_171 : i32
          %add3A_173 = vector.broadcast %add3A_172 : i32 to vector<16xi32>
          %add3A_174 = arith.addi %iota3A, %add3A_173 : vector<16xi32>
          %and3A_175 = arith.constant 63 : i32
          %and3A_176 = vector.broadcast %and3A_175 : i32 to vector<16xi32>
          %and3A_177 = arith.andi %add3A_174, %and3A_176 : vector<16xi32>
          %gather3A_178 = tpu.vector_load_idx %arg9[%add3A_55, %and3A_177] : memref<80x128xf32, #tpu.memory_space<vmem>>[vector<16xi32>, vector<16xi32>], vector<16xf32>,
          %mul3A_179 = arith.mulf %exp3A, %gather3A_178 : vector<16xf32>
          tpu.vector_store_idx %arg9[%add3A_55, %and3A_177], %mul3A_179 : memref<80x128xf32, #tpu.memory_space<vmem>>[vector<16xi32>, vector<16xi32>], vector<16xf32>,
          %mul3A_180 = arith.constant 16 : i32
          %mul3A_181 = arith.muli %scan3A_71, %mul3A_180 : i32
          %add3A_182 = arith.constant 10 : i32
          %add3A_183 = arith.addi %mul3A_181, %add3A_182 : i32
          %add3A_184 = vector.broadcast %add3A_183 : i32 to vector<16xi32>
          %add3A_185 = arith.addi %iota3A, %add3A_184 : vector<16xi32>
          %and3A_186 = arith.constant 63 : i32
          %and3A_187 = vector.broadcast %and3A_186 : i32 to vector<16xi32>
          %and3A_188 = arith.andi %add3A_185, %and3A_187 : vector<16xi32>
          %gather3A_189 = tpu.vector_load_idx %arg9[%add3A_55, %and3A_188] : memref<80x128xf32, #tpu.memory_space<vmem>>[vector<16xi32>, vector<16xi32>], vector<16xf32>,
          %mul3A_190 = arith.mulf %exp3A, %gather3A_189 : vector<16xf32>
          tpu.vector_store_idx %arg9[%add3A_55, %and3A_188], %mul3A_190 : memref<80x128xf32, #tpu.memory_space<vmem>>[vector<16xi32>, vector<16xi32>], vector<16xf32>,
          %mul3A_191 = arith.constant 16 : i32
          %mul3A_192 = arith.muli %scan3A_71, %mul3A_191 : i32
          %add3A_193 = arith.constant 11 : i32
          %add3A_194 = arith.addi %mul3A_192, %add3A_193 : i32
          %add3A_195 = vector.broadcast %add3A_194 : i32 to vector<16xi32>
          %add3A_196 = arith.addi %iota3A, %add3A_195 : vector<16xi32>
          %and3A_197 = arith.constant 63 : i32
          %and3A_198 = vector.broadcast %and3A_197 : i32 to vector<16xi32>
          %and3A_199 = arith.andi %add3A_196, %and3A_198 : vector<16xi32>
          %gather3A_200 = tpu.vector_load_idx %arg9[%add3A_55, %and3A_199] : memref<80x128xf32, #tpu.memory_space<vmem>>[vector<16xi32>, vector<16xi32>], vector<16xf32>,
          %mul3A_201 = arith.mulf %exp3A, %gather3A_200 : vector<16xf32>
          tpu.vector_store_idx %arg9[%add3A_55, %and3A_199], %mul3A_201 : memref<80x128xf32, #tpu.memory_space<vmem>>[vector<16xi32>, vector<16xi32>], vector<16xf32>,
          %mul3A_202 = arith.constant 16 : i32
          %mul3A_203 = arith.muli %scan3A_71, %mul3A_202 : i32
          %add3A_204 = arith.constant 12 : i32
          %add3A_205 = arith.addi %mul3A_203, %add3A_204 : i32
          %add3A_206 = vector.broadcast %add3A_205 : i32 to vector<16xi32>
          %add3A_207 = arith.addi %iota3A, %add3A_206 : vector<16xi32>
          %and3A_208 = arith.constant 63 : i32
          %and3A_209 = vector.broadcast %and3A_208 : i32 to vector<16xi32>
          %and3A_210 = arith.andi %add3A_207, %and3A_209 : vector<16xi32>
          %gather3A_211 = tpu.vector_load_idx %arg9[%add3A_55, %and3A_210] : memref<80x128xf32, #tpu.memory_space<vmem>>[vector<16xi32>, vector<16xi32>], vector<16xf32>,
          %mul3A_212 = arith.mulf %exp3A, %gather3A_211 : vector<16xf32>
          tpu.vector_store_idx %arg9[%add3A_55, %and3A_210], %mul3A_212 : memref<80x128xf32, #tpu.memory_space<vmem>>[vector<16xi32>, vector<16xi32>], vector<16xf32>,
          %mul3A_213 = arith.constant 16 : i32
          %mul3A_214 = arith.muli %scan3A_71, %mul3A_213 : i32
          %add3A_215 = arith.constant 13 : i32
          %add3A_216 = arith.addi %mul3A_214, %add3A_215 : i32
          %add3A_217 = vector.broadcast %add3A_216 : i32 to vector<16xi32>
          %add3A_218 = arith.addi %iota3A, %add3A_217 : vector<16xi32>
          %and3A_219 = arith.constant 63 : i32
          %and3A_220 = vector.broadcast %and3A_219 : i32 to vector<16xi32>
          %and3A_221 = arith.andi %add3A_218, %and3A_220 : vector<16xi32>
          %gather3A_222 = tpu.vector_load_idx %arg9[%add3A_55, %and3A_221] : memref<80x128xf32, #tpu.memory_space<vmem>>[vector<16xi32>, vector<16xi32>], vector<16xf32>,
          %mul3A_223 = arith.mulf %exp3A, %gather3A_222 : vector<16xf32>
          tpu.vector_store_idx %arg9[%add3A_55, %and3A_221], %mul3A_223 : memref<80x128xf32, #tpu.memory_space<vmem>>[vector<16xi32>, vector<16xi32>], vector<16xf32>,
          %mul3A_224 = arith.constant 16 : i32
          %mul3A_225 = arith.muli %scan3A_71, %mul3A_224 : i32
          %add3A_226 = arith.constant 14 : i32
          %add3A_227 = arith.addi %mul3A_225, %add3A_226 : i32
          %add3A_228 = vector.broadcast %add3A_227 : i32 to vector<16xi32>
          %add3A_229 = arith.addi %iota3A, %add3A_228 : vector<16xi32>
          %and3A_230 = arith.constant 63 : i32
          %and3A_231 = vector.broadcast %and3A_230 : i32 to vector<16xi32>
          %and3A_232 = arith.andi %add3A_229, %and3A_231 : vector<16xi32>
          %gather3A_233 = tpu.vector_load_idx %arg9[%add3A_55, %and3A_232] : memref<80x128xf32, #tpu.memory_space<vmem>>[vector<16xi32>, vector<16xi32>], vector<16xf32>,
          %mul3A_234 = arith.mulf %exp3A, %gather3A_233 : vector<16xf32>
          tpu.vector_store_idx %arg9[%add3A_55, %and3A_232], %mul3A_234 : memref<80x128xf32, #tpu.memory_space<vmem>>[vector<16xi32>, vector<16xi32>], vector<16xf32>,
          %mul3A_235 = arith.constant 16 : i32
          %mul3A_236 = arith.muli %scan3A_71, %mul3A_235 : i32
          %add3A_237 = arith.constant 15 : i32
          %add3A_238 = arith.addi %mul3A_236, %add3A_237 : i32
          %add3A_239 = vector.broadcast %add3A_238 : i32 to vector<16xi32>
          %add3A_240 = arith.addi %iota3A, %add3A_239 : vector<16xi32>
          %and3A_241 = arith.constant 63 : i32
          %and3A_242 = vector.broadcast %and3A_241 : i32 to vector<16xi32>
          %and3A_243 = arith.andi %add3A_240, %and3A_242 : vector<16xi32>
          %gather3A_244 = tpu.vector_load_idx %arg9[%add3A_55, %and3A_243] : memref<80x128xf32, #tpu.memory_space<vmem>>[vector<16xi32>, vector<16xi32>], vector<16xf32>,
          %mul3A_245 = arith.mulf %exp3A, %gather3A_244 : vector<16xf32>
          tpu.vector_store_idx %arg9[%add3A_55, %and3A_243], %mul3A_245 : memref<80x128xf32, #tpu.memory_space<vmem>>[vector<16xi32>, vector<16xi32>], vector<16xf32>,
        }
        %scan3A_68 = arith.constant 4 : i32
        %broadcast_in_dim3A_69 = arith.constant 64 : i32
        %broadcast_in_dim3A_70 = vector.broadcast %broadcast_in_dim3A_69 : i32 to vector<16xi32>
        tpu.vector_store_idx %arg9[%add3A_55, %broadcast_in_dim3A_70], %exp3A : memref<80x128xf32, #tpu.memory_space<vmem>>[vector<16xi32>, vector<16xi32>], vector<16xf32>,
      }
      %scan3A_50 = arith.constant 5 : i32
      %run_scoped3A = arith.constant 24 : i32
      "tpu.region"() ({
        %run_scoped3A_51 = tpu.sem_alloc : memref<!tpu.dma_semaphore, #tpu.memory_space<semaphore_mem>>
        %dma_start3A_52 = arith.constant 0 : i32
        %dma_start3A_53 = tpu.memref_slice %arg8[%run_scoped3A, %dma_start3A_52] : memref<25x80xi32, #tpu.memory_space<vmem>> -> memref<1x80xi32, #tpu.memory_space<vmem>>
        %dma_start3A_54 = tpu.memref_squeeze %dma_start3A_53 : memref<1x80xi32, #tpu.memory_space<vmem>> -> memref<80xi32, #tpu.memory_space<vmem>>
        %dma_start3A_55 = arith.constant 0 : i32
        %dma_start3A_56 = arith.constant 0 : i32
        %dma_start3A_57 = tpu.memref_slice %arg17[%dma_start3A_55, %dma_start3A_56] : memref<10000x128xf32, #tpu.memory_space<vmem_shared>> -> memref<10000x128xf32, #tpu.memory_space<vmem_shared>>
        tpu.enqueue_indirect_dma source(%arg9 : memref<80x128xf32, #tpu.memory_space<vmem>>) target(%dma_start3A_57 : memref<10000x128xf32, #tpu.memory_space<vmem_shared>>) offsets(%dma_start3A_54 : memref<80xi32, #tpu.memory_space<vmem>>) semaphore(%run_scoped3A_51 : memref<!tpu.dma_semaphore, #tpu.memory_space<semaphore_mem>>) {add = true}
        %dma_wait3A_58 = arith.constant 0 : i32
        %dma_wait3A_59 = tpu.memref_slice %arg8[%run_scoped3A, %dma_wait3A_58] : memref<25x80xi32, #tpu.memory_space<vmem>> -> memref<1x80xi32, #tpu.memory_space<vmem>>
        %dma_wait3A_60 = tpu.memref_squeeze %dma_wait3A_59 : memref<1x80xi32, #tpu.memory_space<vmem>> -> memref<80xi32, #tpu.memory_space<vmem>>
        %dma_wait3A_61 = arith.constant 0 : i32
        %dma_wait3A_62 = arith.constant 0 : i32
        %dma_wait3A_63 = tpu.memref_slice %arg17[%dma_wait3A_61, %dma_wait3A_62] : memref<10000x128xf32, #tpu.memory_space<vmem_shared>> -> memref<10000x128xf32, #tpu.memory_space<vmem_shared>>
        tpu.wait_indirect_dma semaphore(%run_scoped3A_51 : memref<!tpu.dma_semaphore, #tpu.memory_space<semaphore_mem>>) src(%arg9 : memref<80x128xf32, #tpu.memory_space<vmem>>) dst(%dma_wait3A_63 : memref<10000x128xf32, #tpu.memory_space<vmem_shared>>)
        tpu.yield
      }) : () -> ()
    }
    %scan3A_7 = arith.constant 5 : i32
    %barrier3A_8 = arith.constant 0 : index
    tpu.barrier barrier_id(%barrier3A_8)
    %lt3A_9 = arith.constant 10 : i32
    %lt3A_10 = arith.cmpi slt, %arg1, %lt3A_9 : i32
    %convert_element_type3A_11 = arith.extui %lt3A_10 : i1 to i32
    %cond3A_12 = arith.constant 0 : i32
    %cond3A_13 = arith.cmpi ne, %convert_element_type3A_11, %cond3A_12 : i32
    scf.if %cond3A_13 {
      %mul3A_14 = arith.constant 10000 : i32
      %mul3A_15 = arith.muli %arg0, %mul3A_14 : i32
      %mul3A_16 = arith.constant 1000 : i32
      %mul3A_17 = arith.muli %arg1, %mul3A_16 : i32
      %add3A_18 = arith.addi %mul3A_15, %mul3A_17 : i32
      %mul3A_19 = arith.constant 1000 : i32
      %mul3A_20 = arith.muli %arg1, %mul3A_19 : i32
      "tpu.region"() ({
        %run_scoped3A = tpu.sem_alloc : memref<!tpu.dma_semaphore, #tpu.memory_space<semaphore_mem>>
        %dma_start3A = arith.constant 0 : i32
        %dma_start3A_21 = tpu.memref_slice %arg6[%add3A_18, %dma_start3A] : memref<20000x128xf32, #tpu.memory_space<hbm>> -> memref<1000x128xf32, #tpu.memory_space<hbm>>
        %dma_start3A_22 = arith.constant 0 : i32
        %dma_start3A_23 = tpu.memref_slice %arg17[%mul3A_20, %dma_start3A_22] : memref<10000x128xf32, #tpu.memory_space<vmem_shared>> -> memref<1000x128xf32, #tpu.memory_space<vmem_shared>>
        tpu.enqueue_dma source(%dma_start3A_23 : memref<1000x128xf32, #tpu.memory_space<vmem_shared>>) target(%dma_start3A_21 : memref<1000x128xf32, #tpu.memory_space<hbm>>) target_semaphore(%run_scoped3A : memref<!tpu.dma_semaphore, #tpu.memory_space<semaphore_mem>>)
        %dma_wait3A = arith.constant 0 : i32
        %dma_wait3A_24 = tpu.memref_slice %arg6[%add3A_18, %dma_wait3A] : memref<20000x128xf32, #tpu.memory_space<hbm>> -> memref<1000x128xf32, #tpu.memory_space<hbm>>
        %dma_wait3A_25 = arith.constant 0 : i32
        %dma_wait3A_26 = tpu.memref_slice %arg17[%mul3A_20, %dma_wait3A_25] : memref<10000x128xf32, #tpu.memory_space<vmem_shared>> -> memref<1000x128xf32, #tpu.memory_space<vmem_shared>>
        tpu.wait_dma2 semaphore(%run_scoped3A : memref<!tpu.dma_semaphore, #tpu.memory_space<semaphore_mem>>) src(%dma_wait3A_26 : memref<1000x128xf32, #tpu.memory_space<vmem_shared>>) dst(%dma_wait3A_24 : memref<1000x128xf32, #tpu.memory_space<hbm>>)
        tpu.yield
      }) : () -> ()
    } else {
    }
    return
  }
}

module attributes {stable_mosaic.version = 14 : i64} {
  func.func @_dense_a_body(%arg0: i32, %arg1: memref<2000x128xf32, #tpu.memory_space<vmem>>, %arg2: memref<2000x64xf32, #tpu.memory_space<vmem>>, %arg3: memref<64x128xf32, #tpu.memory_space<vmem>>, %arg4: memref<1x64xf32, #tpu.memory_space<vmem>>, %arg5: memref<64x64xf32, #tpu.memory_space<vmem>>, %arg6: memref<64x64xf32, #tpu.memory_space<vmem>>, %arg7: memref<1x64xf32, #tpu.memory_space<vmem>>, %arg8: memref<2000x64xf32, #tpu.memory_space<vmem>>, %arg9: memref<2000x128xf32, #tpu.memory_space<vmem>>, %arg10: memref<2000x64xf32, #tpu.memory_space<vmem>>) attributes {dimension_semantics = [#tpu.dimension_semantics<arbitrary>], iteration_bounds = array<i64: 5>, scalar_prefetch = 0 : i64, scratch_operands = 0 : i64, tpu.core_type = #tpu.core_type<tc>, window_params = [{transform_indices = @transform_0, window_bounds = array<i64: 2000, 128>}, {pipeline_mode = #tpu.pipeline_mode<synchronous>, transform_indices = @transform_1, window_bounds = array<i64: 2000, 64>}, {pipeline_mode = #tpu.pipeline_mode<synchronous>, transform_indices = @transform_2, window_bounds = array<i64: 64, 128>}, {pipeline_mode = #tpu.pipeline_mode<synchronous>, transform_indices = @transform_3, window_bounds = array<i64: 1, 64>}, {pipeline_mode = #tpu.pipeline_mode<synchronous>, transform_indices = @transform_4, window_bounds = array<i64: 64, 64>}, {pipeline_mode = #tpu.pipeline_mode<synchronous>, transform_indices = @transform_5, window_bounds = array<i64: 64, 64>}, {pipeline_mode = #tpu.pipeline_mode<synchronous>, transform_indices = @transform_6, window_bounds = array<i64: 1, 64>}, {transform_indices = @transform_7, window_bounds = array<i64: 2000, 64>}, {transform_indices = @transform_8, window_bounds = array<i64: 2000, 128>}, {transform_indices = @transform_9, window_bounds = array<i64: 2000, 64>}]} {
    %get3A = arith.constant 0 : index
    %get3A_0 = arith.constant 0 : index
    %get3A_1 = vector.load %arg1[%get3A, %get3A_0] : memref<2000x128xf32, #tpu.memory_space<vmem>>, vector<2000x128xf32>
    %get3A_2 = arith.constant 0 : index
    %get3A_3 = arith.constant 0 : index
    %get3A_4 = vector.load %arg3[%get3A_2, %get3A_3] : memref<64x128xf32, #tpu.memory_space<vmem>>, vector<64x128xf32>
    %dot_general3A = arith.constant dense<0.000000e+00> : vector<2000x64xf32>
    %dot_general3A_5 = tpu.matmul %get3A_1, %get3A_4, %dot_general3A {dimension_numbers = #tpu.dot_dimension_numbers<[1], [1], [0], [0], [0, 0, 1, 0], [], []>, transpose_lhs_hint = false} : vector<2000x128xf32>, vector<64x128xf32>, vector<2000x64xf32> -> vector<2000x64xf32>
    %get3A_6 = arith.constant 0 : index
    %get3A_7 = arith.constant 0 : index
    %get3A_8 = vector.load %arg4[%get3A_6, %get3A_7] : memref<1x64xf32, #tpu.memory_space<vmem>>, vector<1x64xf32>
    %add3A = vector.broadcast %get3A_8 : vector<1x64xf32> to vector<2000x64xf32>
    %add3A_9 = arith.addf %dot_general3A_5, %add3A : vector<2000x64xf32>
    %tanh3A = math.tanh %add3A_9 : vector<2000x64xf32>
    %eq3A = arith.constant 0 : i32
    %eq3A_10 = arith.cmpi eq, %arg0, %eq3A : i32
    %get3A_11 = arith.constant 0 : index
    %get3A_12 = arith.constant 0 : index
    %get3A_13 = vector.load %arg2[%get3A_11, %get3A_12] : memref<2000x64xf32, #tpu.memory_space<vmem>>, vector<2000x64xf32>
    %select_n3A = arith.select %eq3A_10, %get3A_13, %tanh3A : vector<2000x64xf32>
    %mul3A = arith.mulf %select_n3A, %select_n3A : vector<2000x64xf32>
    %reduce_sum3A = arith.constant dense<0.000000e+00> : vector<2000xf32>
    %reduce_sum3A_14 = vector.multi_reduction <add>, %mul3A, %reduce_sum3A [1] : vector<2000x64xf32> to vector<2000xf32>
    %broadcast_in_dim3A = vector.shape_cast %reduce_sum3A_14 : vector<2000xf32> to vector<2000x1xf32>
    %sqrt3A = math.sqrt %broadcast_in_dim3A : vector<2000x1xf32>
    %max3A = arith.constant 9.99999996E-13 : f32
    %max3A_15 = vector.broadcast %max3A : f32 to vector<2000x1xf32>
    %max3A_16 = arith.maximumf %sqrt3A, %max3A_15 : vector<2000x1xf32>
    %div3A = vector.broadcast %max3A_16 : vector<2000x1xf32> to vector<2000x64xf32>
    %div3A_17 = arith.divf %select_n3A, %div3A : vector<2000x64xf32>
    %get3A_18 = arith.constant 0 : index
    %get3A_19 = arith.constant 0 : index
    %get3A_20 = vector.load %arg5[%get3A_18, %get3A_19] : memref<64x64xf32, #tpu.memory_space<vmem>>, vector<64x64xf32>
    %dot_general3A_21 = arith.constant dense<0.000000e+00> : vector<2000x64xf32>
    %dot_general3A_22 = tpu.matmul %div3A_17, %get3A_20, %dot_general3A_21 {dimension_numbers = #tpu.dot_dimension_numbers<[1], [0], [0], [1], [0, 0, 1, 1], [], []>, transpose_lhs_hint = false} : vector<2000x64xf32>, vector<64x64xf32>, vector<2000x64xf32> -> vector<2000x64xf32>
    %swap3A = arith.constant 0 : index
    %swap3A_23 = arith.constant 0 : index
    %swap3A_24 = vector.load %arg9[%swap3A, %swap3A_23] : memref<2000x128xf32, #tpu.memory_space<vmem>>, vector<2000x64xf32>
    tpu.vector_store %arg9[%swap3A, %swap3A_23], %dot_general3A_22 {strides = array<i32>} : memref<2000x128xf32, #tpu.memory_space<vmem>>, vector<2000x64xf32>,
    %ge3A = arith.constant 0.000000e+00 : f32
    %ge3A_25 = vector.broadcast %ge3A : f32 to vector<2000x64xf32>
    %ge3A_26 = arith.cmpf oge, %dot_general3A_22, %ge3A_25 : vector<2000x64xf32>
    %mul3A_27 = arith.constant 0.00999999977 : f32
    %mul3A_28 = vector.broadcast %mul3A_27 : f32 to vector<2000x64xf32>
    %mul3A_29 = arith.mulf %mul3A_28, %dot_general3A_22 : vector<2000x64xf32>
    %select_n3A_30 = arith.select %ge3A_26, %dot_general3A_22, %mul3A_29 : vector<2000x64xi1>, vector<2000x64xf32>
    %swap3A_31 = arith.constant 0 : index
    %swap3A_32 = arith.constant 64 : index
    %swap3A_33 = vector.load %arg9[%swap3A_31, %swap3A_32] : memref<2000x128xf32, #tpu.memory_space<vmem>>, vector<2000x64xf32>
    tpu.vector_store %arg9[%swap3A_31, %swap3A_32], %select_n3A_30 {strides = array<i32>} : memref<2000x128xf32, #tpu.memory_space<vmem>>, vector<2000x64xf32>,
    %get3A_34 = arith.constant 0 : index
    %get3A_35 = arith.constant 0 : index
    %get3A_36 = vector.load %arg6[%get3A_34, %get3A_35] : memref<64x64xf32, #tpu.memory_space<vmem>>, vector<64x64xf32>
    %dot_general3A_37 = arith.constant dense<0.000000e+00> : vector<2000x64xf32>
    %dot_general3A_38 = tpu.matmul %div3A_17, %get3A_36, %dot_general3A_37 {dimension_numbers = #tpu.dot_dimension_numbers<[1], [1], [0], [0], [0, 0, 1, 0], [], []>, transpose_lhs_hint = false} : vector<2000x64xf32>, vector<64x64xf32>, vector<2000x64xf32> -> vector<2000x64xf32>
    %get3A_39 = arith.constant 0 : index
    %get3A_40 = arith.constant 0 : index
    %get3A_41 = vector.load %arg7[%get3A_39, %get3A_40] : memref<1x64xf32, #tpu.memory_space<vmem>>, vector<1x64xf32>
    %add3A_42 = vector.broadcast %get3A_41 : vector<1x64xf32> to vector<2000x64xf32>
    %add3A_43 = arith.addf %dot_general3A_38, %add3A_42 : vector<2000x64xf32>
    %ge3A_44 = arith.constant 0.000000e+00 : f32
    %ge3A_45 = vector.broadcast %ge3A_44 : f32 to vector<2000x64xf32>
    %ge3A_46 = arith.cmpf oge, %add3A_43, %ge3A_45 : vector<2000x64xf32>
    %mul3A_47 = arith.constant 0.00999999977 : f32
    %mul3A_48 = vector.broadcast %mul3A_47 : f32 to vector<2000x64xf32>
    %mul3A_49 = arith.mulf %mul3A_48, %add3A_43 : vector<2000x64xf32>
    %select_n3A_50 = arith.select %ge3A_46, %add3A_43, %mul3A_49 : vector<2000x64xi1>, vector<2000x64xf32>
    %get3A_51 = arith.constant 0 : index
    %get3A_52 = arith.constant 0 : index
    %get3A_53 = vector.load %arg8[%get3A_51, %get3A_52] : memref<2000x64xf32, #tpu.memory_space<vmem>>, vector<2000x64xf32>
    %add3A_54 = arith.addf %select_n3A_50, %get3A_53 : vector<2000x64xf32>
    %swap3A_55 = arith.constant 0 : index
    %swap3A_56 = arith.constant 0 : index
    %swap3A_57 = vector.load %arg10[%swap3A_55, %swap3A_56] : memref<2000x64xf32, #tpu.memory_space<vmem>>, vector<2000x64xf32>
    tpu.vector_store %arg10[%swap3A_55, %swap3A_56], %add3A_54 {strides = array<i32>} : memref<2000x64xf32, #tpu.memory_space<vmem>>, vector<2000x64xf32>,
    return
  }
  func.func @transform_0(%arg0: i32) -> (i32, i32) {
    %sub3A = arith.constant 1 : i32
    %sub3A_0 = arith.subi %arg0, %sub3A : i32
    %max3A = arith.constant 0 : i32
    %max3A_1 = arith.maxsi %sub3A_0, %max3A : i32
    %c0_i32 = arith.constant 0 : i32
    %c0_i32_2 = arith.constant 0 : i32
    return %max3A_1, %c0_i32 : i32, i32
  }
  func.func @transform_1(%arg0: i32) -> (i32, i32) {
    %c0_i32 = arith.constant 0 : i32
    %c0_i32_0 = arith.constant 0 : i32
    %c0_i32_1 = arith.constant 0 : i32
    return %c0_i32, %c0_i32_0 : i32, i32
  }
  func.func @transform_2(%arg0: i32) -> (i32, i32) {
    %c0_i32 = arith.constant 0 : i32
    %c0_i32_0 = arith.constant 0 : i32
    %c0_i32_1 = arith.constant 0 : i32
    return %c0_i32, %c0_i32_0 : i32, i32
  }
  func.func @transform_3(%arg0: i32) -> (i32, i32) {
    %c0_i32 = arith.constant 0 : i32
    %c0_i32_0 = arith.constant 0 : i32
    %c0_i32_1 = arith.constant 0 : i32
    return %c0_i32, %c0_i32_0 : i32, i32
  }
  func.func @transform_4(%arg0: i32) -> (i32, i32) {
    %c0_i32 = arith.constant 0 : i32
    %c0_i32_0 = arith.constant 0 : i32
    %c0_i32_1 = arith.constant 0 : i32
    return %c0_i32, %c0_i32_0 : i32, i32
  }
  func.func @transform_5(%arg0: i32) -> (i32, i32) {
    %c0_i32 = arith.constant 0 : i32
    %c0_i32_0 = arith.constant 0 : i32
    %c0_i32_1 = arith.constant 0 : i32
    return %c0_i32, %c0_i32_0 : i32, i32
  }
  func.func @transform_6(%arg0: i32) -> (i32, i32) {
    %c0_i32 = arith.constant 0 : i32
    %c0_i32_0 = arith.constant 0 : i32
    %c0_i32_1 = arith.constant 0 : i32
    return %c0_i32, %c0_i32_0 : i32, i32
  }
  func.func @transform_7(%arg0: i32) -> (i32, i32) {
    %c0_i32 = arith.constant 0 : i32
    %c0_i32_0 = arith.constant 0 : i32
    return %arg0, %c0_i32 : i32, i32
  }
  func.func @transform_8(%arg0: i32) -> (i32, i32) {
    %c0_i32 = arith.constant 0 : i32
    %c0_i32_0 = arith.constant 0 : i32
    return %arg0, %c0_i32 : i32, i32
  }
  func.func @transform_9(%arg0: i32) -> (i32, i32) {
    %c0_i32 = arith.constant 0 : i32
    %c0_i32_0 = arith.constant 0 : i32
    return %arg0, %c0_i32 : i32, i32
  }
}

module attributes {stable_mosaic.version = 14 : i64} {
  func.func @_dense_c_body(%arg0: i32, %arg1: memref<2000x128xf32, #tpu.memory_space<vmem>>, %arg2: memref<2000x128xf32, #tpu.memory_space<vmem>>, %arg3: memref<2000x64xf32, #tpu.memory_space<vmem>>, %arg4: memref<64x64xf32, #tpu.memory_space<vmem>>, %arg5: memref<1x64xf32, #tpu.memory_space<vmem>>, %arg6: memref<2000x64xf32, #tpu.memory_space<vmem>>) attributes {dimension_semantics = [#tpu.dimension_semantics<arbitrary>], iteration_bounds = array<i64: 5>, scalar_prefetch = 0 : i64, scratch_operands = 0 : i64, tpu.core_type = #tpu.core_type<tc>, window_params = [{transform_indices = @transform_0, window_bounds = array<i64: 2000, 128>}, {transform_indices = @transform_1, window_bounds = array<i64: 2000, 128>}, {transform_indices = @transform_2, window_bounds = array<i64: 2000, 64>}, {pipeline_mode = #tpu.pipeline_mode<synchronous>, transform_indices = @transform_3, window_bounds = array<i64: 64, 64>}, {pipeline_mode = #tpu.pipeline_mode<synchronous>, transform_indices = @transform_4, window_bounds = array<i64: 1, 64>}, {transform_indices = @transform_5, window_bounds = array<i64: 2000, 64>}]} {
    %get3A = arith.constant 0 : index
    %get3A_0 = arith.constant 0 : index
    %get3A_1 = vector.load %arg1[%get3A, %get3A_0] : memref<2000x128xf32, #tpu.memory_space<vmem>>, vector<2000x64xf32>
    %get3A_2 = arith.constant 0 : index
    %get3A_3 = arith.constant 0 : index
    %get3A_4 = vector.load %arg2[%get3A_2, %get3A_3] : memref<2000x128xf32, #tpu.memory_space<vmem>>, vector<2000x64xf32>
    %add3A = arith.addf %get3A_1, %get3A_4 : vector<2000x64xf32>
    %get3A_5 = arith.constant 0 : index
    %get3A_6 = arith.constant 64 : index
    %get3A_7 = vector.load %arg1[%get3A_5, %get3A_6] : memref<2000x128xf32, #tpu.memory_space<vmem>>, vector<2000x1xf32>
    %get3A_8 = arith.constant 0 : index
    %get3A_9 = arith.constant 64 : index
    %get3A_10 = vector.load %arg2[%get3A_8, %get3A_9] : memref<2000x128xf32, #tpu.memory_space<vmem>>, vector<2000x1xf32>
    %add3A_11 = arith.addf %get3A_7, %get3A_10 : vector<2000x1xf32>
    %add3A_12 = arith.constant 1.000000e-16 : f32
    %add3A_13 = vector.broadcast %add3A_12 : f32 to vector<2000x1xf32>
    %add3A_14 = arith.addf %add3A_11, %add3A_13 : vector<2000x1xf32>
    %div3A = vector.broadcast %add3A_14 : vector<2000x1xf32> to vector<2000x64xf32>
    %div3A_15 = arith.divf %add3A, %div3A : vector<2000x64xf32>
    %ge3A = arith.constant 0.000000e+00 : f32
    %ge3A_16 = vector.broadcast %ge3A : f32 to vector<2000x64xf32>
    %ge3A_17 = arith.cmpf oge, %div3A_15, %ge3A_16 : vector<2000x64xf32>
    %mul3A = arith.constant 0.00999999977 : f32
    %mul3A_18 = vector.broadcast %mul3A : f32 to vector<2000x64xf32>
    %mul3A_19 = arith.mulf %mul3A_18, %div3A_15 : vector<2000x64xf32>
    %select_n3A = arith.select %ge3A_17, %div3A_15, %mul3A_19 : vector<2000x64xi1>, vector<2000x64xf32>
    %get3A_20 = arith.constant 0 : index
    %get3A_21 = arith.constant 0 : index
    %get3A_22 = vector.load %arg4[%get3A_20, %get3A_21] : memref<64x64xf32, #tpu.memory_space<vmem>>, vector<64x64xf32>
    %dot_general3A = arith.constant dense<0.000000e+00> : vector<2000x64xf32>
    %dot_general3A_23 = tpu.matmul %select_n3A, %get3A_22, %dot_general3A {dimension_numbers = #tpu.dot_dimension_numbers<[1], [1], [0], [0], [0, 0, 1, 0], [], []>, transpose_lhs_hint = false} : vector<2000x64xf32>, vector<64x64xf32>, vector<2000x64xf32> -> vector<2000x64xf32>
    %get3A_24 = arith.constant 0 : index
    %get3A_25 = arith.constant 0 : index
    %get3A_26 = vector.load %arg5[%get3A_24, %get3A_25] : memref<1x64xf32, #tpu.memory_space<vmem>>, vector<1x64xf32>
    %add3A_27 = vector.broadcast %get3A_26 : vector<1x64xf32> to vector<2000x64xf32>
    %add3A_28 = arith.addf %dot_general3A_23, %add3A_27 : vector<2000x64xf32>
    %get3A_29 = arith.constant 0 : index
    %get3A_30 = arith.constant 0 : index
    %get3A_31 = vector.load %arg3[%get3A_29, %get3A_30] : memref<2000x64xf32, #tpu.memory_space<vmem>>, vector<2000x64xf32>
    %add3A_32 = arith.addf %add3A_28, %get3A_31 : vector<2000x64xf32>
    %ge3A_33 = arith.constant 0.000000e+00 : f32
    %ge3A_34 = vector.broadcast %ge3A_33 : f32 to vector<2000x64xf32>
    %ge3A_35 = arith.cmpf oge, %add3A_32, %ge3A_34 : vector<2000x64xf32>
    %mul3A_36 = arith.constant 0.00999999977 : f32
    %mul3A_37 = vector.broadcast %mul3A_36 : f32 to vector<2000x64xf32>
    %mul3A_38 = arith.mulf %mul3A_37, %add3A_32 : vector<2000x64xf32>
    %select_n3A_39 = arith.select %ge3A_35, %add3A_32, %mul3A_38 : vector<2000x64xi1>, vector<2000x64xf32>
    %swap3A = arith.constant 0 : index
    %swap3A_40 = arith.constant 0 : index
    %swap3A_41 = vector.load %arg6[%swap3A, %swap3A_40] : memref<2000x64xf32, #tpu.memory_space<vmem>>, vector<2000x64xf32>
    tpu.vector_store %arg6[%swap3A, %swap3A_40], %select_n3A_39 {strides = array<i32>} : memref<2000x64xf32, #tpu.memory_space<vmem>>, vector<2000x64xf32>,
    return
  }
  func.func @transform_0(%arg0: i32) -> (i32, i32) {
    %c0_i32 = arith.constant 0 : i32
    %c0_i32_0 = arith.constant 0 : i32
    return %arg0, %c0_i32 : i32, i32
  }
  func.func @transform_1(%arg0: i32) -> (i32, i32) {
    %add3A = arith.constant 5 : i32
    %add3A_0 = arith.addi %arg0, %add3A : i32
    %c0_i32 = arith.constant 0 : i32
    %c0_i32_1 = arith.constant 0 : i32
    return %add3A_0, %c0_i32 : i32, i32
  }
  func.func @transform_2(%arg0: i32) -> (i32, i32) {
    %c0_i32 = arith.constant 0 : i32
    %c0_i32_0 = arith.constant 0 : i32
    return %arg0, %c0_i32 : i32, i32
  }
  func.func @transform_3(%arg0: i32) -> (i32, i32) {
    %c0_i32 = arith.constant 0 : i32
    %c0_i32_0 = arith.constant 0 : i32
    %c0_i32_1 = arith.constant 0 : i32
    return %c0_i32, %c0_i32_0 : i32, i32
  }
  func.func @transform_4(%arg0: i32) -> (i32, i32) {
    %c0_i32 = arith.constant 0 : i32
    %c0_i32_0 = arith.constant 0 : i32
    %c0_i32_1 = arith.constant 0 : i32
    return %c0_i32, %c0_i32_0 : i32, i32
  }
  func.func @transform_5(%arg0: i32) -> (i32, i32) {
    %c0_i32 = arith.constant 0 : i32
    %c0_i32_0 = arith.constant 0 : i32
    return %arg0, %c0_i32 : i32, i32
  }
}

</mosaic_0001>

<sc_bundles>
// kernel: kernel.5.cloned.1.call-start
scs
__scs_entry_jumppad:
0x0: {  	(pc) =	sbr.rel $0x88, $3  }
0x1: {  	(tag) =	ssettag $0x0;
	lr =	simm.s32 $0x1  }
0x2: {  	[smem:$0x3F96] =	sst lr;
	_ =	strace $0xD0000000  }
0x3: {  	_ = 	snop  }
0x4: {  	_ = 	snop  }
0x5: {  	_ = 	snop  }
0x6: {  	_ = 	snop  }
0x7: {  	_ = 	snop  }
__scs_overlays_trampoline_lowered:
0x8: {  	[smem:$0x3FA5] =	sst s0  }
0x9: {  	[smem:$0x3FA6] =	sst s1  }
0xa: {  	[smem:$0x3FA7] =	sst s2  }
0xb: {  	[smem:$0x3FA8] =	sst s3  }
0xc: {  	[smem:$0x3FA9] =	sst s4  }
0xd: {  	[smem:$0x3FAA] =	sst s5  }
0xe: {  	[smem:$0x3FAB] =	sst s6  }
0xf: {  	[smem:$0x3FAC] =	sst s7  }
0x10: {  	[smem:$0x3FAD] =	sst s8  }
0x11: {  	[smem:$0x3FAE] =	sst s9;
	s0 =	simm.s32 @!p0 $0x0  }
0x12: {  	s1 =	sld [smem:$0x3F94];
	s0 =	simm.s32 @p0 $0x1  }
0x13: {  	[smem:$0x3FAF] =	sst s0;
	s0 =	simm.s32 @!p1 $0x0  }
0x14: {  	s2 =	sld [smem:$0x3F93];
	s0 =	simm.s32 @p1 $0x1  }
0x15: {  	[smem:$0x3FB0] =	sst s0;
	s0 =	simm.s32 @!p2 $0x0  }
0x16: {  	s3 =	sld [smem:$0x3FDB];
	s0 =	simm.s32 @p2 $0x1  }
0x17: {  	s4 =	simm.s32 $0x1BF5;
	[smem:$0x3FB2] =	sst s0  }
0x18: {  	s0 =	sld [smem:$0x3F95];
	_ =	swait.ge [sflag:s4], $0x0  }
0x19: {  	s7 =	sld [smem:$0x3F96]  }
0x1a: {  	s8 =	sadd.s32 $0xFFFFE003, lr  }
0x1b: {  	s9 =	sadd.s32 $0xFFFFFEF7, lr;
	s5 =	simm.s32 $0xFFFFFFFF;
	p2 =	slt.u32 s8, $0xFFFFF086  }
0x1c: {  	p1 =	slt.u32 s9, $0xF7A;
	s5 =	simm.s32 @!p2 $0x0  }
0x1d: {  	s5 =	simm.s32 @p1 $0x1;
	p0 =	seq.s32 s7, s2  }
0x1e: {  	s7 =	smul.u32 @!p0 $0xF7A, s2;
	p2 =	seq.s32 @!p0 s5, $0x0  }
0x1f: {  	s9 =	smul.u32 $0xF7A, s1;
	s8 =	simm.s32 @!p0 $0x1BF5;
	p2 =	por !p2, p0  }
0x20: {  	[sflag:s8] =	ssyncset.s32 @!p0 $0xFFFFF086;
	s6 =	sadd.s32 @!p0 s3, s7;
	s7 =	simm.s32 @!p0 $0x108  }
0x21: {  	s3 =	sadd.s32 s3, s9;
	s6 =	sadd.s32 @!p0 $0x88, s6;
	s7 =	simm.s32 @p2 $0x1082  }
0x22: {  	[simem:s7], [sflag:s8] =	dma.local @!p0 [hbm:s6], $0xF7A  }
0x23: {  	s9 =	sor.u32 $0xD0000000, s2;
	s6 =	simm.s32 $0x108;
	_ =	swait.ge @!p0 [sflag:s8], $0x0  }
0x24: {  	s3 =	sadd.s32 $0x88, s3;
	s6 =	simm.s32 @!p1 $0x1082;
	[sflag:s4] =	ssyncset.s32 $0xFFFFF086  }
0x25: {  	[simem:s6], [sflag:s4] =	dma.local [hbm:s3], $0xF7A  }
0x26: {  	[smem:$0x3F96] =	sst s1;
	(tag) =	ssettag s2;
	_ =	strace s9  }
0x27: {  	s1 =	sld [smem:$0x3FA6]  }
0x28: {  	s2 =	sld [smem:$0x3FA7]  }
0x29: {  	s4 =	sld [smem:$0x3FA9]  }
0x2a: {  	p0 =	seq.s32 s5, $0x0;
	s5 =	sld [smem:$0x3FAA]  }
0x2b: {  	s6 =	sld [smem:$0x3FAB]  }
0x2c: {  	s7 =	sld [smem:$0x3FAC]  }
0x2d: {  	s3 =	simm.s32 $0x108;
	s8 =	sld [smem:$0x3FAD]  }
0x2e: {  	s3 =	simm.s32 @!p0 $0x1082;
	s9 =	sld [smem:$0x3FAE]  }
0x2f: {  	lr =	sadd.s32 s0, s3;
	s0 =	sld [smem:$0x3FA5]  }
0x30: {  	s3 =	sld [smem:$0x3FA8]  }
0x31: {  	[smem:$0x3FB1] =	sst s10  }
0x32: {  	s10 =	sld [smem:$0x3FAF];
	_ =	sdelay $0x3  }
0x33: {  	p0 =	seq.s32 s10, $0x1;
	s10 =	sld [smem:$0x3FB1];
	_ =	sdelay $0x3  }
0x34: {  	[smem:$0x3FB1] =	sst s10  }
0x35: {  	s10 =	sld [smem:$0x3FB0];
	_ =	sdelay $0x3  }
0x36: {  	p1 =	seq.s32 s10, $0x1;
	s10 =	sld [smem:$0x3FB1];
	_ =	sdelay $0x3  }
0x37: {  	[smem:$0x3FB1] =	sst s10  }
0x38: {  	s10 =	sld [smem:$0x3FB2]  }
0x39: {  	_ = 	snop;
	(pc) =	sbr.ind lr, $3  }
0x3a: {  	_ = 	snop  }
0x3b: {  	_ = 	snop  }
0x3c: {  	p2 =	seq.s32 s10, $0x1;
	s10 =	sld [smem:$0x3FB1]  }
0x3d: {  	_ =	shalt  }
0x3e: {  	_ =	shalt  }
0x3f: {  	_ =	shalt  }
0x40: {  	_ =	shalt  }
0x41: {  	_ =	shalt  }
0x42: {  	_ =	shalt  }
0x43: {  	_ =	shalt  }
0x44: {  	_ =	shalt  }
0x45: {  	_ =	shalt  }
0x46: {  	_ =	shalt  }
0x47: {  	_ =	shalt  }
0x48: {  	_ =	shalt  }
0x49: {  	_ =	shalt  }
0x4a: {  	_ =	shalt  }
0x4b: {  	_ =	shalt  }
0x4c: {  	_ =	shalt  }
0x4d: {  	_ =	shalt  }
0x4e: {  	_ =	shalt  }
0x4f: {  	_ =	shalt  }
0x50: {  	_ =	shalt  }
0x51: {  	_ =	shalt  }
0x52: {  	_ =	shalt  }
0x53: {  	_ =	shalt  }
0x54: {  	_ =	shalt  }
0x55: {  	_ =	shalt  }
0x56: {  	_ =	shalt  }
0x57: {  	_ =	shalt  }
0x58: {  	_ =	shalt  }
0x59: {  	_ =	shalt  }
0x5a: {  	_ =	shalt  }
0x5b: {  	_ =	shalt  }
0x5c: {  	_ =	shalt  }
0x5d: {  	_ =	shalt  }
0x5e: {  	_ =	shalt  }
0x5f: {  	_ =	shalt  }
0x60: {  	_ =	shalt  }
0x61: {  	_ =	shalt  }
0x62: {  	_ =	shalt  }
0x63: {  	_ =	shalt  }
0x64: {  	_ =	shalt  }
0x65: {  	_ =	shalt  }
0x66: {  	_ =	shalt  }
0x67: {  	_ =	shalt  }
0x68: {  	_ =	shalt  }
0x69: {  	_ =	shalt  }
0x6a: {  	_ =	shalt  }
0x6b: {  	_ =	shalt  }
0x6c: {  	_ =	shalt  }
0x6d: {  	_ =	shalt  }
0x6e: {  	_ =	shalt  }
0x6f: {  	_ =	shalt  }
0x70: {  	_ =	shalt  }
0x71: {  	_ =	shalt  }
0x72: {  	_ =	shalt  }
0x73: {  	_ =	shalt  }
0x74: {  	_ =	shalt  }
0x75: {  	_ =	shalt  }
0x76: {  	_ =	shalt  }
0x77: {  	_ =	shalt  }
0x78: {  	_ =	shalt  }
0x79: {  	_ =	shalt  }
0x7a: {  	_ =	shalt  }
0x7b: {  	_ =	shalt  }
0x7c: {  	_ =	shalt  }
0x7d: {  	_ =	shalt  }
0x7e: {  	_ =	shalt  }
0x7f: {  	_ =	shalt  }
0x80: {  	_ =	shalt  }
0x81: {  	_ =	shalt  }
0x82: {  	_ =	shalt  }
0x83: {  	_ =	shalt  }
0x84: {  	_ =	shalt  }
0x85: {  	_ =	shalt  }
0x86: {  	_ =	shalt  }
0x87: {  	_ =	shalt  }
.Lfunc_end0:
.L_simem_size_0:
called_computation_lowered:
.L_overlay_start_0:
0x88: {  	s2 =	sld [smem:$0x3FD9]  }
0x89: {  	s3 =	sld [smem:$0x3FFE];
	_ =	sdelay $0x1  }
0x8a: {  	s1 =	srdreg.scid  }
0x8b: {  	s0 =	sand.u32 $0x1, s1  }
0x8c: {  	s17 =	sshll.u32 s0, $0xA;
	s2 =	sadd.s32 s3, s2  }
0x8d: {  	s2 =	sadd.s32 s2, s17  }
0x8e: {  	[smem:$0x3FBD] =	sst s2  }
0x8f: {  	_ = 	snop  }
0x90: {  	s2 =	sld [smem:$0x3FD0];
	(tm) =	ssettm $0x1  }
0x91: {  	s18 =	sld [smem:$0x3FFB];
	_ =	sdelay $0x3  }
0x92: {  	_ =	strace s18  }
0x93: {  	s3 =	sld [smem:$0x3FFC];
	_ =	sdelay $0x3  }
0x94: {  	_ =	strace s3  }
0x95: {  	s3 =	sld [smem:$0x3FFD];
	_ =	sdelay $0x3  }
0x96: {  	_ =	strace s3  }
0x97: {  	_ =	strace $0x8FFFFFFF  }
0x98: {  	s19 =	sld [smem:$0x3FDB];
	_ =	sdelay $0x1  }
0x99: {  	s4 =	simm.s32 $_scs_section_size  }
0x9a: {  	s5 =	simm.s32 $_size__tile_overlayer_lowered;
	s6 =	simm.s32 $_tile_overlayer_lowered  }
0x9b: {  	s22 =	simm.s32 $0x1BFF;
	s21 =	sshll.u32 s6, $0x1;
	s3 =	sadd.s32 s4, s19  }
0x9c: {  	s7 =	simm.s32 $0x0;
	s20 =	sshll.u32 s5, $0x1;
	s5 =	sadd.s32 s21, s3  }
0x9d: {  	[timem:s7], [sflag:s22] =	dma.local [hbm:s5], s20  }
0x9e: {  	_ =	swait.ge [sflag:s22], s20  }
0x9f: {  	s4 =	ssub.s32 $0x0, s20;
	[sflag:s22] =	ssyncset.done $0x0  }
0xa0: {  	[sflag:s22] =	ssyncadd.s32 s4;
	_ =	sdelay $0x1  }
0xa1: {  	s23 =	simm.s32 $0x1B8B  }
0xa2: {  	_ =	swait.ge [sflag:s23], $0x1  }
0xa3: {  	[sflag:s23] =	ssyncset.done $0x0  }
0xa4: {  	s25 =	simm.s32 $0x1B8E;
	s24 =	sld [smem:$0x3FFE];
	[sflag:s23] =	ssyncadd.s32 $0xFFFFFFFF  }
0xa5: {  	s26 =	simm.s32 $execute0_lowered;
	[smem:$0x3FD2] =	sst s25  }
0xa6: {  	s5 =	sshll.u32 s26, $0x1;
	_ =	strace $0x80000046;
	[dreg:$0x1] =	wrdreg $0xFFFFFFFF  }
0xa7: {  	s28 =	simm.s32 $_size_execute0_lowered;
	s3 =	sadd.s32 s3, s5;
	[dreg:$0x0] =	wrdreg $0x0  }
0xa8: {  	s5 =	sshll.u32 s28, $0x1;
	[dreg:$0x2] =	wrdreg s3  }
0xa9: {  	[dreg:$0x3] =	wrdreg s5  }
0xaa: {  	[dreg:$0x4] =	wrdreg $0xC0  }
0xab: {  	_ =	task [dreg:s7], $0x5FFFF  }
0xac: {  	[dreg:$0x1] =	wrdreg $0xFFFFFFFF  }
0xad: {  	[dreg:$0x0] =	wrdreg $0x60  }
0xae: {  	[dreg:$0x2] =	wrdreg s24  }
0xaf: {  	[dreg:$0x3] =	wrdreg s2  }
0xb0: {  	[dreg:$0x4] =	wrdreg $0xC0000  }
0xb1: {  	[dreg:$0x5] =	wrdreg $0x9  }
0xb2: {  	_ =	task.clear_ibuf [dreg:s7], $0x6FFFF;
	_ =	strace $0x90000046  }
0xb3: {  	s29 =	simm.s32 $0x9;
	_ =	strace $0x80000048  }
0xb4: {  	_ =	swait.ge [sflag:s29], $0x1  }
0xb5: {  	[sflag:s29] =	ssyncadd.s32 $0xFFFFFFFF  }
0xb6: {  	_ =	strace $0x90000048  }
0xb7: {  	_ =	sfence  }
0xb8: {  	s30 =	sld [smem:$0x0];
	_ =	sdelay $0x2  }
0xb9: {  	s31 =	sshll.u32 s1, $0xD;
	s1 =	sshrl.u32 s1, $0x2  }
0xba: {  	s3 =	sand.u32 $0x4000, s31;
	s1 =	sadd.s32 s1, s30  }
0xbb: {  	s0 =	sor.u32 s3, s0;
	s1 =	sshll.u32 s1, $0x11  }
0xbc: {  	s0 =	sor.u32 s1, s0  }
0xbd: {  	s0 =	sadd.s32 $0x8F2B, s0  }
0xbe: {  	[sflag:s0] =	ssyncadd.remote.s32 $0x1  }
0xbf: {  	_ =	sfence.sel $0xFFFF  }
0xc0: {  	[dreg:$0x0] =	wrdreg $0xFFFFFFFF;
	(pc) =	sbr.abs _section_cstart, $3  }
0xc1: {  	[dreg:$0x1] =	wrdreg $0xFFFFFFFF  }
0xc2: {  	_ =	task.clear_ibuf [dreg:s7], $0x2FFFF;
	_ =	strace $0x9FFFFFFF  }
0xc3: {  	(tm) =	ssettm $0x7FFFFFFF  }
tec
execute0_lowered:
.L_overlay_start_1:
0x0: {  	(tag) =	ssettag $0x1  }
0x1: {  	s0 =	rddreg [dreg:$0x0]  }
0x2: {  	s2 =	rddreg [dreg:$0x2];
	s1 =	srdreg.scid  }
0x3: {  	s4 =	simm.s32 $0x0;
	s10 =	stileid.u32;
	s13 =	simm.s32 $0x5  }
0x4: {  	s14 =	simm.s32 $0x1000;
	s15 =	simm.s32 $0x50;
	s16 =	simm.s32 $0x2000  }
0x5: {  	s17 =	simm.s32 $0x4800;
	s18 =	simm.s32 $0x1;
	s19 =	simm.s32 $0x2  }
0x6: {  	s20 =	simm.s32 $0x7000;
	s21 =	simm.s32 $0x9800;
	s22 =	simm.s32 $0x3  }
0x7: {  	s23 =	simm.s32 $0x4;
	s24 =	simm.s32 $0x1C00;
	s1 =	sand.u32 $0x1, s1  }
0x8: {  	[smem:$0x7FF] =	sst s4;
	s7 =	smul.u32 $0x3E80, s10;
	s5 =	sadd.s32 $0x29400, s0  }
0x9: {  	s6 =	sadd.s32 $0x15400, s0;
	s9 =	smul.u32 $0x7D000, s10;
	p0 =	sgt.u32 s10, $0x9  }
0xa: {  	s3 =	smul.u32 $0x27100, s1;
	_ =	strace $0x80000047;
	s8 =	ssub.s32 $0x2, s1  }
0xb: {  	s1 =	sshll.u32 s1, $0x4;
	s30 =	sshrl.u32 s8, $0x1;
	s31 =	sshrl.u32 s9, $0x2  }
0xc: {  	s1 =	sor.u32 s10, s1;
	s3 =	sadd.s32 s7, s3;
	s7 =	sadd.s32 $0x1400, s0  }
0xd: {  	s12 =	sadd.s32 s31, s2;
	s0 =	sadd.s32 s3, s0;
	s3 =	ssub.s32 s8, s30  }
0xe: {  	v0 =	vlaneseq.u32;
	s8 =	smul.u32 $0x5000, s1;
	s9 =	sadd.s32 $0x50600, s0;
	s0 =	sshll.u32 @!p0 s10, $0x6  }
0xf: {  	v1 =	vmul.u32 $0x80, v0;
	v2 =	vor.u32 $0x40, v0;
	s12 =	sshrl.u32 @!p0 s12, $0x3;
	s10 =	smax.u32 s3, $0x1;
	s11 =	sor.u32 @!p0 $0x1C05, s0  }
.LBB2_1:
0x10: {  	s0 =	rddreg [dreg:$0x1]  }
0x11: {  	[spmem:s12], [sflag:s11] =	dma.local @!p0 [hbm:s0], $0x3E80  }
0x12: {  	s0 =	simm.s32 @!p0 $0x5  }
0x13: {  	_ =	swait.ge @!p0 [sflag:s0], $0x3E80  }
0x14: {  	[sflag:s0] =	ssyncset.done @!p0 $0x0  }
0x15: {  	[sflag:s0] =	ssyncadd.s32 @!p0 $0xFFFFC180  }
0x16: {  	s25 =	simm.s32 $0x0;
	[bflag:$0x0] =	sbarrier.arrive $0xFFFF  }
.LBB2_2:
0x17: {  	s0 =	sshll.u32 s25, $0xC  }
0x18: {  	s0 =	sadd.s32 s8, s0  }
0x19: {  	s0 =	sshrl.u32 s0, $0x3  }
0x1a: {  	s26 =	simm.s32 $0x0;
	s1 =	sadd.s32 s6, s0  }
0x1b: {  	[tilespmem:s26], [sflag:$0x5] =	stream.linear.gather [hbm4b:s1+s26], $0xC80, $0x38;
	[tilespmem:$0x1F880] =	vst v63  }
0x1c: {  	_ =	swait.ge [sflag:s13], $0xC80  }
0x1d: {  	[sflag:s13] =	ssyncset.done $0x0  }
0x1e: {  	s0 =	sadd.s32 s7, s0;
	[sflag:s13] =	ssyncadd.s32 $0xFFFFF380  }
0x1f: {  	[tilespmem:s14], [sflag:$0x5] =	stream.linear.gather [hbm4b:s0+s26], $0xC80, $0x38;
	[tilespmem:$0x1F880] =	vst v63  }
0x20: {  	_ =	swait.ge [sflag:s13], $0xC80  }
0x21: {  	[sflag:s13] =	ssyncset.done $0x0  }
0x22: {  	[sflag:s13] =	ssyncadd.s32 $0xFFFFF380  }
0x23: {  	[tilespmem:s16], [sflag:$0x1] =	stream.indirect.gather [hbm4b:s5+s15], $0x80, s26, s15, $0xb8;
	[tilespmem:$0x1F880] =	vst v63  }
0x24: {  	_ = 	snop  }
0x25: {  	[tilespmem:s17], [sflag:$0x2] =	stream.indirect.gather [hbm4b:s5+s15], $0x80, s14, s15, $0xb8;
	[tilespmem:$0x1F880] =	vst v63  }
.LBB2_3:
0x26: {  	_ =	swait.ge [sflag:s18], $0x2800  }
0x27: {  	[sflag:s18] =	ssyncset.done $0x0  }
0x28: {  	[sflag:s18] =	ssyncadd.s32 $0xFFFFD800  }
0x29: {  	_ =	swait.ge [sflag:s19], $0x2800  }
0x2a: {  	s29 =	sshll.u32 s26, $0x8;
	[sflag:s19] =	ssyncset.done $0x0  }
0x2b: {  	s0 =	sor.u32 $0x80, s29;
	[sflag:s19] =	ssyncadd.s32 $0xFFFFD800  }
0x2c: {  	[tilespmem:s20], [sflag:$0x3] =	stream.indirect.gather [hbm4b:s5+s15], $0x80, s0, s15, $0xb8;
	[tilespmem:$0x1F880] =	vst v63  }
0x2d: {  	s30 =	simm.s32 $0x0;
	s28 =	sadd.s32 $0x1080, s29  }
0x2e: {  	[tilespmem:s21], [sflag:$0x4] =	stream.indirect.gather [hbm4b:s5+s15], $0x80, s28, s15, $0xb8;
	[tilespmem:$0x1F880] =	vst v63  }
.LBB2_4:
0x2f: {  	s0 =	sshll.u32 s30, $0x4  }
0x30: {  	s1 =	simm.s32 $0x1;
	v3 =	vmov s0  }
0x31: {  	v4 =	vadd.s32 s1, v0;
	v3 =	vshll.u32 v3, $0x7  }
0x32: {  	v9 =	vand.u32 $0x3F, v4;
	v3 =	vor.u32 v1, v3  }
0x33: {  	s0 =	simm.s32 $0x0;
	v5 =	vor.u32 v0, v3;
	v11 =	vor.u32 v3, v9  }
0x34: {  	s3 =	simm.s32 $0x2;
	v6 =	vor.u32 v2, v3;
	v7 =	vor.u32 s0, v5  }
0x35: {  	v10 =	vadd.s32 s3, v0;
	s3 =	simm.s32 $0x3;
	v4 =	vor.u32 $0x40, v3;
	v8 =	vor.u32 s0, v6  }
0x36: {  	v10 =	vand.u32 $0x3F, v10;
	v12 =	vadd.s32 s3, v0;
	v9 =	vor.u32 v9, v4  }
0x37: {  	v12 =	vand.u32 $0x3F, v12;
	v13 =	vor.u32 v3, v10  }
0x38: {  	s1 =	simm.s32 $0x4;
	v15 =	vor.u32 v3, v12;
	v11 =	vld.idx.msk [tilespmem:v11+s17+$0x0], $0xffff  }
0x39: {  	v14 =	vadd.s32 s1, v0;
	v10 =	vor.u32 v10, v4;
	v7 =	vld.idx.msk [tilespmem:v7+s17+$0x0], $0xffff  }
0x3a: {  	s3 =	simm.s32 $0x5;
	v14 =	vand.u32 $0x3F, v14;
	v12 =	vor.u32 v12, v4;
	v8 =	vld.idx.msk [tilespmem:v8+s16+$0x0], $0xffff  }
0x3b: {  	v16 =	vadd.s32 s3, v0;
	v17 =	vor.u32 v3, v14;
	v14 =	vor.u32 v14, v4;
	v9 =	vld.idx.msk [tilespmem:v9+s16+$0x0], $0xffff  }
0x3c: {  	s1 =	simm.s32 $0x6;
	v16 =	vand.u32 $0x3F, v16;
	v13 =	vld.idx.msk [tilespmem:v13+s17+$0x0], $0xffff  }
0x3d: {  	v18 =	vadd.s32 s1, v0;
	s3 =	simm.s32 $0x7;
	v19 =	vor.u32 v3, v16;
	v15 =	vld.idx.msk [tilespmem:v15+s17+$0x0], $0xffff  }
0x3e: {  	v18 =	vand.u32 $0x3F, v18;
	v21 =	vadd.s32 s3, v0;
	v16 =	vor.u32 v16, v4;
	v10 =	vld.idx.msk [tilespmem:v10+s16+$0x0], $0xffff  }
0x3f: {  	v21 =	vand.u32 $0x3F, v21;
	v7 =	vmul.f32 v8, v7;
	v8 =	vld.idx.msk [tilespmem:v12+s16+$0x0], $0xffff;
	v12 =	vor.u32 v3, v18  }
0x40: {  	v20 =	vimm.f32 $0.0e+00;
	s1 =	simm.s32 $0x8;
	v9 =	vmul.f32 v9, v11;
	v11 =	vld.idx.msk [tilespmem:v14+s16+$0x0], $0xffff;
	v14 =	vor.u32 v3, v21  }
0x41: {  	v22 =	vadd.s32 s1, v0;
	s3 =	simm.s32 $0x9;
	v17 =	vld.idx.msk [tilespmem:v17+s17+$0x0], $0xffff;
	v18 =	vor.u32 v18, v4;
	v7 =	vadd.f32 v7, v20  }
0x42: {  	v19 =	vld.idx.msk [tilespmem:v19+s17+$0x0], $0xffff;
	v20 =	vor.u32 v21, v4;
	v21 =	vand.u32 $0x3F, v22;
	v22 =	vadd.s32 s3, v0  }
0x43: {  	s1 =	simm.s32 $0xA;
	v7 =	vadd.f32 v9, v7;
	v9 =	vmul.f32 v10, v13;
	v10 =	vld.idx.msk [tilespmem:v16+s16+$0x0], $0xffff;
	v13 =	vor.u32 v3, v21  }
0x44: {  	v16 =	vor.u32 v21, v4;
	v21 =	vand.u32 $0x3F, v22;
	v22 =	vadd.s32 s1, v0;
	v12 =	vld.idx.msk [tilespmem:v12+s17+$0x0], $0xffff  }
0x45: {  	s3 =	simm.s32 $0xB;
	v8 =	vmul.f32 v8, v15;
	v15 =	vor.u32 v3, v21;
	v14 =	vld.idx.msk [tilespmem:v14+s17+$0x0], $0xffff;
	v7 =	vadd.f32 v9, v7  }
0x46: {  	v9 =	vld.idx.msk [tilespmem:v18+s16+$0x0], $0xffff;
	v18 =	vor.u32 v21, v4;
	v21 =	vand.u32 $0x3F, v22;
	v22 =	vadd.s32 s3, v0  }
0x47: {  	s1 =	simm.s32 $0xC;
	v7 =	vadd.f32 v8, v7;
	v8 =	vmul.f32 v11, v17;
	v11 =	vld.idx.msk [tilespmem:v20+s16+$0x0], $0xffff;
	v17 =	vor.u32 v3, v21  }
0x48: {  	v20 =	vor.u32 v21, v4;
	v21 =	vand.u32 $0x3F, v22;
	v22 =	vadd.s32 s1, v0;
	v13 =	vld.idx.msk [tilespmem:v13+s17+$0x0], $0xffff  }
0x49: {  	s3 =	simm.s32 $0xD;
	v7 =	vadd.f32 v8, v7;
	v8 =	vmul.f32 v10, v19;
	v10 =	vld.idx.msk [tilespmem:v16+s16+$0x0], $0xffff;
	v16 =	vor.u32 v3, v21  }
0x4a: {  	v15 =	vld.idx.msk [tilespmem:v15+s17+$0x0], $0xffff;
	v19 =	vor.u32 v21, v4;
	v21 =	vand.u32 $0x3F, v22;
	v22 =	vadd.s32 s3, v0  }
0x4b: {  	v7 =	vadd.f32 v8, v7;
	v8 =	vmul.f32 v9, v12;
	v9 =	vld.idx.msk [tilespmem:v18+s16+$0x0], $0xffff;
	v18 =	vor.u32 v3, v21  }
0x4c: {  	s1 =	simm.s32 $0xE;
	v21 =	vor.u32 v21, v4;
	v12 =	vand.u32 $0x3F, v22;
	v23 =	vld.idx.msk [tilespmem:v17+s17+$0x0], $0xffff;
	v11 =	vmul.f32 v11, v14  }
0x4d: {  	v20 =	vld.idx.msk [tilespmem:v20+s16+$0x0], $0xffff;
	v22 =	vor.u32 v3, v12;
	v14 =	vadd.s32 s1, v0;
	v8 =	vadd.f32 v8, v7  }
0x4e: {  	s3 =	simm.s32 $0xF;
	v24 =	vor.u32 v12, v4;
	v14 =	vand.u32 $0x3F, v14;
	v7 =	vld.idx.msk [tilespmem:v16+s17+$0x0], $0xffff;
	v10 =	vmul.f32 v10, v13  }
0x4f: {  	v12 =	vld.idx.msk [tilespmem:v19+s16+$0x0], $0xffff;
	v13 =	vadd.s32 s3, v0;
	v17 =	vor.u32 v3, v14;
	v11 =	vadd.f32 v11, v8  }
0x50: {  	v14 =	vor.u32 v14, v4;
	v13 =	vand.u32 $0x3F, v13;
	v8 =	vld.idx.msk [tilespmem:v18+s17+$0x0], $0xffff  }
0x51: {  	s1 =	simm.s32 $0x11;
	v25 =	vmul.f32 v9, v15;
	v16 =	vor.u32 v3, v13;
	v18 =	vadd.f32 v10, v11;
	v11 =	vld.idx.msk [tilespmem:v21+s16+$0x0], $0xffff  }
0x52: {  	s3 =	simm.s32 $0x10;
	v19 =	vadd.s32 s1, v0;
	v15 =	vor.u32 v13, v4;
	v9 =	vld.idx.msk [tilespmem:v22+s17+$0x0], $0xffff  }
0x53: {  	s31 =	simm.s32 $0x1F;
	s0 =	simm.s32 $0x2F;
	s1 =	simm.s32 $0x12;
	v10 =	vor.u32 s3, v5;
	v20 =	vmul.f32 v20, v23;
	v13 =	vld.idx.msk [tilespmem:v24+s16+$0x0], $0xffff;
	v18 =	vadd.f32 v25, v18  }
.LBB2_5:
0x54: {  	p1 =	sne.s32 s0, $0x3F;
	v21 =	vor.u32 s3, v6;
	v19 =	vand.u32 $0x3F, v19;
	v22 =	vadd.s32 s1, v0;
	v17 =	vld.idx.msk [tilespmem:v17+s17+$0x0], $0xffff  }
0x55: {  	s1 =	sadd.s32 $0xFFFFFFF4, s31;
	v7 =	vmul.f32 v12, v7;
	v23 =	vor.u32 v3, v19;
	v18 =	vadd.f32 v20, v18;
	v12 =	vld.idx.msk [tilespmem:v14+s16+$0x0], $0xffff  }
0x56: {  	v14 =	vor.u32 v19, v4;
	v19 =	vand.u32 $0x3F, v22;
	v20 =	vadd.s32 s1, v0;
	v16 =	vld.idx.msk [tilespmem:v16+s17+$0x0], $0xffff  }
0x57: {  	s1 =	sadd.s32 $0xFFFFFFF5, s31;
	v22 =	vor.u32 v3, v19;
	v8 =	vmul.f32 v11, v8;
	v7 =	vadd.f32 v7, v18;
	v11 =	vld.idx.msk [tilespmem:v15+s16+$0x0], $0xffff  }
0x58: {  	v15 =	vor.u32 v19, v4;
	v18 =	vand.u32 $0x3F, v20;
	v19 =	vadd.s32 s1, v0;
	v10 =	vld.idx.msk [tilespmem:v10+s17+$0x0], $0xffff  }
0x59: {  	s1 =	sadd.s32 $0xFFFFFFF6, s31;
	v20 =	vld.idx.msk [tilespmem:v21+s16+$0x0], $0xffff;
	v21 =	vor.u32 v3, v18;
	v7 =	vadd.f32 v8, v7;
	v8 =	vmul.f32 v13, v9  }
0x5a: {  	v13 =	vor.u32 v18, v4;
	v18 =	vand.u32 $0x3F, v19;
	v19 =	vadd.s32 s1, v0;
	v9 =	vld.idx.msk [tilespmem:v23+s17+$0x0], $0xffff  }
0x5b: {  	s1 =	sadd.s32 $0xFFFFFFF7, s31;
	v23 =	vor.u32 v3, v18;
	v14 =	vld.idx.msk [tilespmem:v14+s16+$0x0], $0xffff;
	v7 =	vadd.f32 v8, v7;
	v8 =	vmul.f32 v12, v17  }
0x5c: {  	v17 =	vor.u32 v18, v4;
	v18 =	vand.u32 $0x3F, v19;
	v19 =	vadd.s32 s1, v0;
	v12 =	vld.idx.msk [tilespmem:v22+s17+$0x0], $0xffff  }
0x5d: {  	s1 =	sadd.s32 $0xFFFFFFF8, s31;
	v22 =	vor.u32 v3, v18;
	v15 =	vld.idx.msk [tilespmem:v15+s16+$0x0], $0xffff;
	v7 =	vadd.f32 v8, v7;
	v8 =	vmul.f32 v11, v16  }
0x5e: {  	v16 =	vor.u32 v18, v4;
	v18 =	vand.u32 $0x3F, v19;
	v19 =	vadd.s32 s1, v0;
	v11 =	vld.idx.msk [tilespmem:v21+s17+$0x0], $0xffff  }
0x5f: {  	s1 =	sadd.s32 $0xFFFFFFF9, s31;
	v10 =	vmul.f32 v20, v10;
	v20 =	vor.u32 v3, v18;
	v13 =	vld.idx.msk [tilespmem:v13+s16+$0x0], $0xffff;
	v7 =	vadd.f32 v8, v7  }
0x60: {  	v18 =	vor.u32 v18, v4;
	v19 =	vand.u32 $0x3F, v19;
	v21 =	vadd.s32 s1, v0;
	v8 =	vld.idx.msk [tilespmem:v23+s17+$0x0], $0xffff  }
0x61: {  	s1 =	sadd.s32 $0xFFFFFFFA, s31;
	v9 =	vmul.f32 v14, v9;
	v14 =	vor.u32 v3, v19;
	v7 =	vadd.f32 v10, v7;
	v10 =	vld.idx.msk [tilespmem:v17+s16+$0x0], $0xffff  }
0x62: {  	v21 =	vand.u32 $0x3F, v21;
	v19 =	vor.u32 v19, v4;
	v17 =	vld.idx.msk [tilespmem:v22+s17+$0x0], $0xffff;
	v22 =	vadd.s32 s1, v0  }
0x63: {  	s1 =	sadd.s32 $0xFFFFFFFB, s31;
	v7 =	vadd.f32 v9, v7;
	v9 =	vmul.f32 v15, v12;
	v12 =	vld.idx.msk [tilespmem:v16+s16+$0x0], $0xffff;
	v15 =	vor.u32 v3, v21  }
0x64: {  	v16 =	vld.idx.msk [tilespmem:v20+s17+$0x0], $0xffff;
	v20 =	vor.u32 v21, v4;
	v21 =	vand.u32 $0x3F, v22;
	v22 =	vadd.s32 s1, v0  }
0x65: {  	s1 =	sadd.s32 $0xFFFFFFFC, s31;
	v7 =	vadd.f32 v9, v7;
	v9 =	vmul.f32 v13, v11;
	v11 =	vld.idx.msk [tilespmem:v18+s16+$0x0], $0xffff;
	v13 =	vor.u32 v3, v21  }
0x66: {  	v18 =	vor.u32 v21, v4;
	v21 =	vand.u32 $0x3F, v22;
	v22 =	vadd.s32 s1, v0;
	v14 =	vld.idx.msk [tilespmem:v14+s17+$0x0], $0xffff  }
0x67: {  	s1 =	sadd.s32 $0xFFFFFFFD, s31;
	v8 =	vmul.f32 v10, v8;
	v10 =	vor.u32 v3, v21;
	v7 =	vadd.f32 v9, v7;
	v9 =	vld.idx.msk [tilespmem:v19+s16+$0x0], $0xffff  }
0x68: {  	v19 =	vor.u32 v21, v4;
	v21 =	vand.u32 $0x3F, v22;
	v22 =	vadd.s32 s1, v0;
	v15 =	vld.idx.msk [tilespmem:v15+s17+$0x0], $0xffff  }
0x69: {  	s1 =	sadd.s32 $0xFFFFFFFE, s31;
	v7 =	vadd.f32 v8, v7;
	v8 =	vmul.f32 v12, v17;
	v12 =	vld.idx.msk [tilespmem:v20+s16+$0x0], $0xffff;
	v17 =	vor.u32 v3, v21  }
0x6a: {  	v20 =	vor.u32 v21, v4;
	v21 =	vand.u32 $0x3F, v22;
	v22 =	vadd.s32 s1, v0;
	v13 =	vld.idx.msk [tilespmem:v13+s17+$0x0], $0xffff  }
0x6b: {  	s1 =	sadd.s32 $0xFFFFFFFF, s31;
	v7 =	vadd.f32 v8, v7;
	v8 =	vmul.f32 v11, v16;
	v11 =	vld.idx.msk [tilespmem:v18+s16+$0x0], $0xffff;
	v16 =	vor.u32 v3, v21  }
0x6c: {  	v18 =	vand.u32 $0x3F, v22;
	v23 =	vld.idx.msk [tilespmem:v10+s17+$0x0], $0xffff;
	v10 =	vor.u32 v21, v4;
	v21 =	vadd.s32 s1, v0  }
0x6d: {  	v9 =	vmul.f32 v9, v14;
	v8 =	vadd.f32 v8, v7;
	v22 =	vld.idx.msk [tilespmem:v19+s16+$0x0], $0xffff;
	v19 =	vor.u32 v3, v18  }
0x6e: {  	v24 =	vor.u32 v18, v4;
	v14 =	vand.u32 $0x3F, v21;
	v18 =	vadd.s32 s31, v0;
	s31 =	smov.u32 s0;
	v7 =	vld.idx.msk [tilespmem:v17+s17+$0x0], $0xffff  }
.Ltmp0:
0x6f: {  	v15 =	vmul.f32 v12, v15;
	v17 =	vor.u32 v3, v14;
	v9 =	vadd.f32 v9, v8;
	v12 =	vld.idx.msk [tilespmem:v20+s16+$0x0], $0xffff;
	(pc) =	sbr.rel @p1 .LBB2_5-.Ltmp0, $4  }
0x70: {  	v14 =	vor.u32 v14, v4;
	v18 =	vand.u32 $0x3F, v18;
	v8 =	vld.idx.msk [tilespmem:v16+s17+$0x0], $0xffff  }
0x71: {  	s3 =	sadd.s32 $0xFFFFFFF1, s0;
	v13 =	vmul.f32 v11, v13;
	v16 =	vor.u32 v3, v18;
	v20 =	vadd.f32 v15, v9;
	v11 =	vld.idx.msk [tilespmem:v10+s16+$0x0], $0xffff  }
0x72: {  	s1 =	sadd.s32 $0xFFFFFFF2, s0;
	v10 =	vor.u32 s3, v5;
	v15 =	vor.u32 v18, v4;
	v9 =	vld.idx.msk [tilespmem:v19+s17+$0x0], $0xffff  }
0x73: {  	s0 =	sadd.s32 $0x10, s0;
	v19 =	vadd.s32 s1, v0;
	s1 =	sadd.s32 $0xFFFFFFF3, s31;
	v18 =	vadd.f32 v13, v20;
	v20 =	vmul.f32 v22, v23;
	v13 =	vld.idx.msk [tilespmem:v24+s16+$0x0], $0xffff  }
0x74: {  	_ =	sdelay $0x2  }
0x75: {  	v6 =	vor.u32 s3, v6;
	v19 =	vand.u32 $0x3F, v19  }
0x76: {  	v17 =	vld.idx.msk [tilespmem:v17+s17+$0x0], $0xffff;
	v7 =	vmul.f32 v12, v7;
	v37 =	vadd.s32 s1, v0;
	v18 =	vadd.f32 v20, v18  }
0x77: {  	v14 =	vld.idx.msk [tilespmem:v14+s16+$0x0], $0xffff;
	s3 =	sadd.s32 $0xFFFFFFF6, s31;
	v38 =	vor.u32 v3, v19;
	v19 =	vor.u32 v19, v4;
	v12 =	vand.u32 $0x3F, v37  }
0x78: {  	s0 =	sadd.s32 $0xFFFFFFF4, s31;
	v16 =	vld.idx.msk [tilespmem:v16+s17+$0x0], $0xffff;
	v41 =	vadd.s32 s3, v0;
	v8 =	vmul.f32 v11, v8;
	v7 =	vadd.f32 v7, v18  }
0x79: {  	v15 =	vld.idx.msk [tilespmem:v15+s16+$0x0], $0xffff;
	v11 =	vadd.s32 s0, v0;
	v39 =	vor.u32 v3, v12;
	v12 =	vor.u32 v12, v4  }
0x7a: {  	s1 =	sadd.s32 $0xFFFFFFF5, s31;
	v10 =	vld.idx.msk [tilespmem:v10+s17+$0x0], $0xffff;
	v11 =	vand.u32 $0x3F, v11;
	v7 =	vadd.f32 v8, v7;
	v8 =	vmul.f32 v13, v9  }
0x7b: {  	v40 =	vor.u32 v3, v11;
	v11 =	vor.u32 v11, v4;
	v9 =	vadd.s32 s1, v0;
	v6 =	vld.idx.msk [tilespmem:v6+s16+$0x0], $0xffff  }
0x7c: {  	s1 =	sadd.s32 $0xFFFFFFF7, s31;
	v20 =	vld.idx.msk [tilespmem:v38+s17+$0x0], $0xffff;
	v9 =	vand.u32 $0x3F, v9;
	v7 =	vadd.f32 v8, v7;
	v8 =	vmul.f32 v14, v17  }
0x7d: {  	v42 =	vld.idx.msk [tilespmem:v19+s16+$0x0], $0xffff;
	v44 =	vadd.s32 s1, v0;
	v43 =	vor.u32 v3, v9;
	v9 =	vor.u32 v9, v4  }
0x7e: {  	s1 =	sadd.s32 $0xFFFFFFF9, s31;
	v18 =	vld.idx.msk [tilespmem:v39+s17+$0x0], $0xffff;
	v14 =	vand.u32 $0x3F, v41;
	v7 =	vadd.f32 v8, v7;
	v8 =	vmul.f32 v15, v16  }
0x7f: {  	v12 =	vld.idx.msk [tilespmem:v12+s16+$0x0], $0xffff;
	v46 =	vadd.s32 s1, v0;
	v45 =	vor.u32 v3, v14;
	v14 =	vor.u32 v14, v4  }
0x80: {  	s3 =	sadd.s32 $0xFFFFFFF8, s31;
	v13 =	vld.idx.msk [tilespmem:v40+s17+$0x0], $0xffff;
	v15 =	vand.u32 $0x3F, v44;
	v6 =	vmul.f32 v6, v10;
	v7 =	vadd.f32 v8, v7  }
0x81: {  	v10 =	vld.idx.msk [tilespmem:v11+s16+$0x0], $0xffff;
	v11 =	vor.u32 v3, v15;
	v15 =	vor.u32 v15, v4;
	v8 =	vadd.s32 s3, v0  }
0x82: {  	v19 =	vld.idx.msk [tilespmem:v43+s17+$0x0], $0xffff;
	v8 =	vand.u32 $0x3F, v8;
	v6 =	vadd.f32 v6, v7;
	v7 =	vmul.f32 v42, v20  }
0x83: {  	v58 =	vadd.s32 s31, v0;
	v17 =	vand.u32 $0x3F, v46;
	v9 =	vld.idx.msk [tilespmem:v9+s16+$0x0], $0xffff;
	v47 =	vor.u32 v3, v8  }
0x84: {  	s3 =	sadd.s32 $0xFFFFFFFA, s31;
	v8 =	vor.u32 v8, v4;
	v16 =	vld.idx.msk [tilespmem:v45+s17+$0x0], $0xffff;
	v6 =	vadd.f32 v7, v6;
	v7 =	vmul.f32 v12, v18  }
0x85: {  	v49 =	vor.u32 v3, v17;
	v17 =	vor.u32 v17, v4;
	v48 =	vadd.s32 s3, v0;
	v14 =	vld.idx.msk [tilespmem:v14+s16+$0x0], $0xffff  }
0x86: {  	s1 =	sadd.s32 $0xFFFFFFFB, s31;
	v11 =	vld.idx.msk [tilespmem:v11+s17+$0x0], $0xffff;
	v12 =	vand.u32 $0x3F, v48;
	v6 =	vadd.f32 v7, v6;
	v7 =	vmul.f32 v10, v13  }
0x87: {  	v50 =	vld.idx.msk [tilespmem:v15+s16+$0x0], $0xffff;
	v51 =	vor.u32 v3, v12;
	v12 =	vor.u32 v12, v4;
	v10 =	vadd.s32 s1, v0  }
0x88: {  	s3 =	sadd.s32 $0xFFFFFFFC, s31;
	v20 =	vld.idx.msk [tilespmem:v47+s17+$0x0], $0xffff;
	v10 =	vand.u32 $0x3F, v10;
	v6 =	vadd.f32 v7, v6;
	v7 =	vmul.f32 v9, v19  }
0x89: {  	v8 =	vld.idx.msk [tilespmem:v8+s16+$0x0], $0xffff;
	v9 =	vadd.s32 s3, v0;
	v52 =	vor.u32 v3, v10;
	v10 =	vor.u32 v10, v4  }
0x8a: {  	v54 =	vld.idx.msk [tilespmem:v17+s16+$0x0], $0xffff;
	s1 =	sadd.s32 $0xFFFFFFFD, s31;
	v9 =	vand.u32 $0x3F, v9;
	v6 =	vadd.f32 v7, v6;
	v7 =	vmul.f32 v14, v16  }
0x8b: {  	v18 =	vld.idx.msk [tilespmem:v49+s17+$0x0], $0xffff;
	v53 =	vadd.s32 s1, v0;
	v55 =	vor.u32 v3, v9;
	v9 =	vor.u32 v9, v4  }
0x8c: {  	s3 =	sadd.s32 $0xFFFFFFFE, s31;
	v15 =	vld.idx.msk [tilespmem:v51+s17+$0x0], $0xffff;
	v14 =	vand.u32 $0x3F, v53;
	v6 =	vadd.f32 v7, v6;
	v7 =	vmul.f32 v50, v11  }
0x8d: {  	v12 =	vld.idx.msk [tilespmem:v12+s16+$0x0], $0xffff;
	v56 =	vor.u32 v3, v14;
	v14 =	vor.u32 v14, v4;
	v11 =	vadd.s32 s3, v0  }
0x8e: {  	s1 =	sadd.s32 $0xFFFFFFFF, s31;
	v19 =	vld.idx.msk [tilespmem:v52+s17+$0x0], $0xffff;
	v11 =	vand.u32 $0x3F, v11;
	v6 =	vadd.f32 v7, v6;
	v7 =	vmul.f32 v8, v20  }
0x8f: {  	v10 =	vld.idx.msk [tilespmem:v10+s16+$0x0], $0xffff;
	v8 =	vadd.s32 s1, v0;
	v57 =	vor.u32 v3, v11;
	v11 =	vor.u32 v11, v4  }
0x90: {  	v17 =	vld.idx.msk [tilespmem:v55+s17+$0x0], $0xffff;
	v8 =	vand.u32 $0x3F, v8;
	v6 =	vadd.f32 v7, v6;
	v7 =	vmul.f32 v54, v18  }
0x91: {  	v16 =	vand.u32 $0x3F, v58;
	v9 =	vld.idx.msk [tilespmem:v9+s16+$0x0], $0xffff;
	v59 =	vor.u32 v3, v8  }
0x92: {  	v8 =	vor.u32 v8, v4;
	v13 =	vld.idx.msk [tilespmem:v56+s17+$0x0], $0xffff;
	v6 =	vadd.f32 v7, v6;
	v7 =	vmul.f32 v12, v15  }
0x93: {  	v61 =	vor.u32 v3, v16;
	v16 =	vor.u32 v16, v4;
	v60 =	vld.idx.msk [tilespmem:v14+s16+$0x0], $0xffff  }
0x94: {  	v62 =	vld.idx.msk [tilespmem:v57+s17+$0x0], $0xffff;
	v6 =	vadd.f32 v7, v6;
	v7 =	vmul.f32 v10, v19  }
0x95: {  	v10 =	vld.idx.msk [tilespmem:v11+s16+$0x0], $0xffff  }
0x96: {  	v11 =	vld.idx.msk [tilespmem:v59+s17+$0x0], $0xffff;
	v6 =	vadd.f32 v7, v6;
	v7 =	vmul.f32 v9, v17  }
0x97: {  	v8 =	vld.idx.msk [tilespmem:v8+s16+$0x0], $0xffff  }
0x98: {  	v63 =	vld.idx.msk [tilespmem:v16+s16+$0x0], $0xffff;
	v6 =	vadd.f32 v7, v6;
	v7 =	vmul.f32 v60, v13  }
0x99: {  	v9 =	vld.idx.msk [tilespmem:v61+s17+$0x0], $0xffff  }
0x9a: {  	v6 =	vadd.f32 v7, v6;
	v7 =	vmul.f32 v10, v62;
	_ =	sdelay $0x1  }
0x9b: {  	v6 =	vadd.f32 v7, v6;
	v7 =	vmul.f32 v8, v11;
	_ =	sdelay $0x1  }
0x9c: {  	v6 =	vadd.f32 v7, v6;
	v7 =	vmul.f32 v63, v9;
	_ =	sdelay $0x1  }
0x9d: {  	v6 =	vadd.f32 v7, v6;
	_ =	sdelay $0x1  }
0x9e: {  	v6 =	vmul.f32 $1.442695020e+00, v6  }
0x9f: {  	s3 =	simm.s32 $0x0  }
0xa0: {  	v7 =	vor.u32 s3, v5;
	(erf) = vpow2.f32 v6;
	_ =	sdelay $0x3  }
0xa1: {  	s1 =	simm.s32 $0x1  }
0xa2: {  	v6 =	vadd.s32 s1, v0;
	v8 =	vld.idx.msk [tilespmem:v7+s16+$0x0], $0xffff  }
0xa3: {  	v6 =	vand.u32 $0x3F, v6;
	_ =	sdelay $0x1  }
0xa4: {  	v9 =	vor.u32 v3, v6  }
0xa5: {  	v6 =	vpop (erf)  }
0xa6: {  	v8 =	vmul.f32 v8, v6;
	_ =	sdelay $0x1  }
0xa7: {  	[tilespmem:v7+s16+$0x0] =	vst.idx.msk $0xffff, v8  }
0xa8: {  	s3 =	simm.s32 $0x2;
	v7 =	vld.idx.msk [tilespmem:v9+s16+$0x0], $0xffff  }
0xa9: {  	v8 =	vadd.s32 s3, v0  }
0xaa: {  	v8 =	vand.u32 $0x3F, v8  }
0xab: {  	v8 =	vor.u32 v3, v8;
	_ =	sdelay $0x1  }
0xac: {  	v7 =	vmul.f32 v7, v6;
	_ =	sdelay $0x1  }
0xad: {  	[tilespmem:v9+s16+$0x0] =	vst.idx.msk $0xffff, v7  }
0xae: {  	s1 =	simm.s32 $0x3;
	v7 =	vld.idx.msk [tilespmem:v8+s16+$0x0], $0xffff  }
0xaf: {  	v9 =	vadd.s32 s1, v0  }
0xb0: {  	v9 =	vand.u32 $0x3F, v9  }
0xb1: {  	v9 =	vor.u32 v3, v9;
	_ =	sdelay $0x1  }
0xb2: {  	v7 =	vmul.f32 v7, v6;
	_ =	sdelay $0x1  }
0xb3: {  	[tilespmem:v8+s16+$0x0] =	vst.idx.msk $0xffff, v7  }
0xb4: {  	s3 =	simm.s32 $0x4;
	v7 =	vld.idx.msk [tilespmem:v9+s16+$0x0], $0xffff  }
0xb5: {  	v8 =	vadd.s32 s3, v0  }
0xb6: {  	v8 =	vand.u32 $0x3F, v8  }
0xb7: {  	v8 =	vor.u32 v3, v8;
	_ =	sdelay $0x1  }
0xb8: {  	v7 =	vmul.f32 v7, v6;
	_ =	sdelay $0x1  }
0xb9: {  	[tilespmem:v9+s16+$0x0] =	vst.idx.msk $0xffff, v7  }
0xba: {  	s1 =	simm.s32 $0x5;
	v7 =	vld.idx.msk [tilespmem:v8+s16+$0x0], $0xffff  }
0xbb: {  	v9 =	vadd.s32 s1, v0  }
0xbc: {  	v9 =	vand.u32 $0x3F, v9  }
0xbd: {  	v9 =	vor.u32 v3, v9;
	_ =	sdelay $0x1  }
0xbe: {  	v7 =	vmul.f32 v7, v6;
	_ =	sdelay $0x1  }
0xbf: {  	[tilespmem:v8+s16+$0x0] =	vst.idx.msk $0xffff, v7  }
0xc0: {  	s3 =	simm.s32 $0x6;
	v7 =	vld.idx.msk [tilespmem:v9+s16+$0x0], $0xffff  }
0xc1: {  	v8 =	vadd.s32 s3, v0  }
0xc2: {  	v8 =	vand.u32 $0x3F, v8  }
0xc3: {  	v8 =	vor.u32 v3, v8;
	_ =	sdelay $0x1  }
0xc4: {  	v7 =	vmul.f32 v7, v6;
	_ =	sdelay $0x1  }
0xc5: {  	[tilespmem:v9+s16+$0x0] =	vst.idx.msk $0xffff, v7  }
0xc6: {  	s1 =	simm.s32 $0x7;
	v7 =	vld.idx.msk [tilespmem:v8+s16+$0x0], $0xffff  }
0xc7: {  	v9 =	vadd.s32 s1, v0  }
0xc8: {  	v9 =	vand.u32 $0x3F, v9  }
0xc9: {  	v9 =	vor.u32 v3, v9;
	_ =	sdelay $0x1  }
0xca: {  	v7 =	vmul.f32 v7, v6;
	_ =	sdelay $0x1  }
0xcb: {  	[tilespmem:v8+s16+$0x0] =	vst.idx.msk $0xffff, v7  }
0xcc: {  	s3 =	simm.s32 $0x8;
	v7 =	vld.idx.msk [tilespmem:v9+s16+$0x0], $0xffff  }
0xcd: {  	v8 =	vadd.s32 s3, v0  }
0xce: {  	v8 =	vand.u32 $0x3F, v8  }
0xcf: {  	v8 =	vor.u32 v3, v8;
	_ =	sdelay $0x1  }
0xd0: {  	v7 =	vmul.f32 v7, v6;
	_ =	sdelay $0x1  }
0xd1: {  	[tilespmem:v9+s16+$0x0] =	vst.idx.msk $0xffff, v7  }
0xd2: {  	s1 =	simm.s32 $0x9;
	v7 =	vld.idx.msk [tilespmem:v8+s16+$0x0], $0xffff  }
0xd3: {  	v9 =	vadd.s32 s1, v0  }
0xd4: {  	v9 =	vand.u32 $0x3F, v9  }
0xd5: {  	v9 =	vor.u32 v3, v9;
	_ =	sdelay $0x1  }
0xd6: {  	v7 =	vmul.f32 v7, v6;
	_ =	sdelay $0x1  }
0xd7: {  	[tilespmem:v8+s16+$0x0] =	vst.idx.msk $0xffff, v7  }
0xd8: {  	s3 =	simm.s32 $0xA;
	v7 =	vld.idx.msk [tilespmem:v9+s16+$0x0], $0xffff  }
0xd9: {  	v8 =	vadd.s32 s3, v0  }
0xda: {  	v8 =	vand.u32 $0x3F, v8  }
0xdb: {  	v8 =	vor.u32 v3, v8;
	_ =	sdelay $0x1  }
0xdc: {  	v7 =	vmul.f32 v7, v6;
	_ =	sdelay $0x1  }
0xdd: {  	[tilespmem:v9+s16+$0x0] =	vst.idx.msk $0xffff, v7  }
0xde: {  	s1 =	simm.s32 $0xB;
	v7 =	vld.idx.msk [tilespmem:v8+s16+$0x0], $0xffff  }
0xdf: {  	v9 =	vadd.s32 s1, v0  }
0xe0: {  	v9 =	vand.u32 $0x3F, v9  }
0xe1: {  	v9 =	vor.u32 v3, v9;
	_ =	sdelay $0x1  }
0xe2: {  	v7 =	vmul.f32 v7, v6;
	_ =	sdelay $0x1  }
0xe3: {  	[tilespmem:v8+s16+$0x0] =	vst.idx.msk $0xffff, v7  }
0xe4: {  	s3 =	simm.s32 $0xC;
	v7 =	vld.idx.msk [tilespmem:v9+s16+$0x0], $0xffff  }
0xe5: {  	v8 =	vadd.s32 s3, v0  }
0xe6: {  	v8 =	vand.u32 $0x3F, v8  }
0xe7: {  	v8 =	vor.u32 v3, v8;
	_ =	sdelay $0x1  }
0xe8: {  	v7 =	vmul.f32 v7, v6;
	_ =	sdelay $0x1  }
0xe9: {  	[tilespmem:v9+s16+$0x0] =	vst.idx.msk $0xffff, v7  }
0xea: {  	s1 =	simm.s32 $0xD;
	v7 =	vld.idx.msk [tilespmem:v8+s16+$0x0], $0xffff  }
0xeb: {  	v9 =	vadd.s32 s1, v0  }
0xec: {  	v9 =	vand.u32 $0x3F, v9  }
0xed: {  	v9 =	vor.u32 v3, v9;
	_ =	sdelay $0x1  }
0xee: {  	v7 =	vmul.f32 v7, v6;
	_ =	sdelay $0x1  }
0xef: {  	[tilespmem:v8+s16+$0x0] =	vst.idx.msk $0xffff, v7  }
0xf0: {  	s3 =	simm.s32 $0xE;
	v7 =	vld.idx.msk [tilespmem:v9+s16+$0x0], $0xffff  }
0xf1: {  	v8 =	vadd.s32 s3, v0  }
0xf2: {  	v8 =	vand.u32 $0x3F, v8  }
0xf3: {  	v10 =	vor.u32 v3, v8;
	_ =	sdelay $0x1  }
0xf4: {  	v7 =	vmul.f32 v7, v6;
	_ =	sdelay $0x1  }
0xf5: {  	[tilespmem:v9+s16+$0x0] =	vst.idx.msk $0xffff, v7  }
0xf6: {  	s1 =	simm.s32 $0xF;
	v7 =	vld.idx.msk [tilespmem:v10+s16+$0x0], $0xffff  }
0xf7: {  	v8 =	vadd.s32 s1, v0  }
0xf8: {  	v8 =	vand.u32 $0x3F, v8  }
0xf9: {  	v8 =	vor.u32 v3, v8;
	_ =	sdelay $0x1  }
0xfa: {  	v7 =	vmul.f32 v7, v6;
	_ =	sdelay $0x1  }
0xfb: {  	[tilespmem:v10+s16+$0x0] =	vst.idx.msk $0xffff, v7  }
0xfc: {  	v9 =	vld.idx.msk [tilespmem:v8+s16+$0x0], $0xffff;
	_ =	sdelay $0x1  }
0xfd: {  	s3 =	simm.s32 $0x10  }
0xfe: {  	v7 =	vor.u32 s3, v5;
	_ =	sdelay $0x1  }
0xff: {  	s0 =	simm.s32 $0x2F;
	s31 =	simm.s32 $0x1F;
	v9 =	vmul.f32 v9, v6  }
.LBB2_7:
0x100: {  	_ = 	snop  }
0x101: {  	p1 =	sne.s32 s0, $0x3F;
	s3 =	smov.u32 s0;
	s0 =	sadd.s32 $0x10, s0;
	[tilespmem:v8+s16+$0x0] =	vst.idx.msk $0xffff, v9  }
0x102: {  	v8 =	vld.idx.msk [tilespmem:v7+s16+$0x0], $0xffff  }
0x103: {  	s1 =	sadd.s32 $0xFFFFFFF2, s31  }
0x104: {  	v9 =	vadd.s32 s1, v0  }
0x105: {  	v9 =	vand.u32 $0x3F, v9  }
0x106: {  	v9 =	vor.u32 v3, v9;
	_ =	sdelay $0x1  }
0x107: {  	v8 =	vmul.f32 v8, v6;
	_ =	sdelay $0x1  }
0x108: {  	[tilespmem:v7+s16+$0x0] =	vst.idx.msk $0xffff, v8  }
0x109: {  	v7 =	vld.idx.msk [tilespmem:v9+s16+$0x0], $0xffff  }
0x10a: {  	s1 =	sadd.s32 $0xFFFFFFF3, s31  }
0x10b: {  	v8 =	vadd.s32 s1, v0  }
0x10c: {  	v8 =	vand.u32 $0x3F, v8  }
0x10d: {  	v8 =	vor.u32 v3, v8;
	_ =	sdelay $0x1  }
0x10e: {  	v7 =	vmul.f32 v7, v6;
	_ =	sdelay $0x1  }
0x10f: {  	[tilespmem:v9+s16+$0x0] =	vst.idx.msk $0xffff, v7  }
0x110: {  	v7 =	vld.idx.msk [tilespmem:v8+s16+$0x0], $0xffff  }
0x111: {  	s1 =	sadd.s32 $0xFFFFFFF4, s31  }
0x112: {  	v9 =	vadd.s32 s1, v0  }
0x113: {  	v9 =	vand.u32 $0x3F, v9  }
0x114: {  	v9 =	vor.u32 v3, v9;
	_ =	sdelay $0x1  }
0x115: {  	v7 =	vmul.f32 v7, v6;
	_ =	sdelay $0x1  }
0x116: {  	[tilespmem:v8+s16+$0x0] =	vst.idx.msk $0xffff, v7  }
0x117: {  	v7 =	vld.idx.msk [tilespmem:v9+s16+$0x0], $0xffff  }
0x118: {  	s1 =	sadd.s32 $0xFFFFFFF5, s31  }
0x119: {  	v8 =	vadd.s32 s1, v0  }
0x11a: {  	v8 =	vand.u32 $0x3F, v8  }
0x11b: {  	v8 =	vor.u32 v3, v8;
	_ =	sdelay $0x1  }
0x11c: {  	v7 =	vmul.f32 v7, v6;
	_ =	sdelay $0x1  }
0x11d: {  	[tilespmem:v9+s16+$0x0] =	vst.idx.msk $0xffff, v7  }
0x11e: {  	v7 =	vld.idx.msk [tilespmem:v8+s16+$0x0], $0xffff  }
0x11f: {  	s1 =	sadd.s32 $0xFFFFFFF6, s31  }
0x120: {  	v9 =	vadd.s32 s1, v0  }
0x121: {  	v9 =	vand.u32 $0x3F, v9  }
0x122: {  	v9 =	vor.u32 v3, v9;
	_ =	sdelay $0x1  }
0x123: {  	v7 =	vmul.f32 v7, v6;
	_ =	sdelay $0x1  }
0x124: {  	[tilespmem:v8+s16+$0x0] =	vst.idx.msk $0xffff, v7  }
0x125: {  	v7 =	vld.idx.msk [tilespmem:v9+s16+$0x0], $0xffff  }
0x126: {  	s1 =	sadd.s32 $0xFFFFFFF7, s31  }
0x127: {  	v8 =	vadd.s32 s1, v0  }
0x128: {  	v8 =	vand.u32 $0x3F, v8  }
0x129: {  	v8 =	vor.u32 v3, v8;
	_ =	sdelay $0x1  }
0x12a: {  	v7 =	vmul.f32 v7, v6;
	_ =	sdelay $0x1  }
0x12b: {  	[tilespmem:v9+s16+$0x0] =	vst.idx.msk $0xffff, v7  }
0x12c: {  	v7 =	vld.idx.msk [tilespmem:v8+s16+$0x0], $0xffff  }
0x12d: {  	s1 =	sadd.s32 $0xFFFFFFF8, s31  }
0x12e: {  	v9 =	vadd.s32 s1, v0  }
0x12f: {  	v9 =	vand.u32 $0x3F, v9  }
0x130: {  	v9 =	vor.u32 v3, v9;
	_ =	sdelay $0x1  }
0x131: {  	v7 =	vmul.f32 v7, v6;
	_ =	sdelay $0x1  }
0x132: {  	[tilespmem:v8+s16+$0x0] =	vst.idx.msk $0xffff, v7  }
0x133: {  	v7 =	vld.idx.msk [tilespmem:v9+s16+$0x0], $0xffff  }
0x134: {  	s1 =	sadd.s32 $0xFFFFFFF9, s31  }
0x135: {  	v8 =	vadd.s32 s1, v0  }
0x136: {  	v8 =	vand.u32 $0x3F, v8  }
0x137: {  	v8 =	vor.u32 v3, v8;
	_ =	sdelay $0x1  }
0x138: {  	v7 =	vmul.f32 v7, v6;
	_ =	sdelay $0x1  }
0x139: {  	[tilespmem:v9+s16+$0x0] =	vst.idx.msk $0xffff, v7  }
0x13a: {  	v7 =	vld.idx.msk [tilespmem:v8+s16+$0x0], $0xffff  }
0x13b: {  	s1 =	sadd.s32 $0xFFFFFFFA, s31  }
0x13c: {  	v9 =	vadd.s32 s1, v0  }
0x13d: {  	v9 =	vand.u32 $0x3F, v9  }
0x13e: {  	v9 =	vor.u32 v3, v9;
	_ =	sdelay $0x1  }
0x13f: {  	v7 =	vmul.f32 v7, v6;
	_ =	sdelay $0x1  }
0x140: {  	[tilespmem:v8+s16+$0x0] =	vst.idx.msk $0xffff, v7  }
0x141: {  	v7 =	vld.idx.msk [tilespmem:v9+s16+$0x0], $0xffff  }
0x142: {  	s1 =	sadd.s32 $0xFFFFFFFB, s31  }
0x143: {  	v8 =	vadd.s32 s1, v0  }
0x144: {  	v8 =	vand.u32 $0x3F, v8  }
0x145: {  	v8 =	vor.u32 v3, v8;
	_ =	sdelay $0x1  }
0x146: {  	v7 =	vmul.f32 v7, v6;
	_ =	sdelay $0x1  }
0x147: {  	[tilespmem:v9+s16+$0x0] =	vst.idx.msk $0xffff, v7  }
0x148: {  	v7 =	vld.idx.msk [tilespmem:v8+s16+$0x0], $0xffff  }
0x149: {  	s1 =	sadd.s32 $0xFFFFFFFC, s31  }
0x14a: {  	v9 =	vadd.s32 s1, v0  }
0x14b: {  	v9 =	vand.u32 $0x3F, v9  }
0x14c: {  	v9 =	vor.u32 v3, v9;
	_ =	sdelay $0x1  }
0x14d: {  	v7 =	vmul.f32 v7, v6;
	_ =	sdelay $0x1  }
0x14e: {  	[tilespmem:v8+s16+$0x0] =	vst.idx.msk $0xffff, v7  }
0x14f: {  	v7 =	vld.idx.msk [tilespmem:v9+s16+$0x0], $0xffff  }
0x150: {  	s1 =	sadd.s32 $0xFFFFFFFD, s31  }
0x151: {  	v8 =	vadd.s32 s1, v0  }
0x152: {  	v8 =	vand.u32 $0x3F, v8  }
0x153: {  	v8 =	vor.u32 v3, v8;
	_ =	sdelay $0x1  }
0x154: {  	v7 =	vmul.f32 v7, v6;
	_ =	sdelay $0x1  }
0x155: {  	[tilespmem:v9+s16+$0x0] =	vst.idx.msk $0xffff, v7  }
0x156: {  	v7 =	vld.idx.msk [tilespmem:v8+s16+$0x0], $0xffff  }
0x157: {  	s1 =	sadd.s32 $0xFFFFFFFE, s31  }
0x158: {  	v9 =	vadd.s32 s1, v0  }
0x159: {  	v9 =	vand.u32 $0x3F, v9  }
0x15a: {  	v9 =	vor.u32 v3, v9;
	_ =	sdelay $0x1  }
0x15b: {  	v7 =	vmul.f32 v7, v6;
	_ =	sdelay $0x1  }
0x15c: {  	[tilespmem:v8+s16+$0x0] =	vst.idx.msk $0xffff, v7  }
0x15d: {  	v7 =	vld.idx.msk [tilespmem:v9+s16+$0x0], $0xffff  }
0x15e: {  	s1 =	sadd.s32 $0xFFFFFFFF, s31  }
0x15f: {  	v8 =	vadd.s32 s1, v0  }
0x160: {  	v8 =	vand.u32 $0x3F, v8  }
0x161: {  	v10 =	vor.u32 v3, v8;
	_ =	sdelay $0x1  }
0x162: {  	v7 =	vmul.f32 v7, v6;
	_ =	sdelay $0x1  }
0x163: {  	[tilespmem:v9+s16+$0x0] =	vst.idx.msk $0xffff, v7  }
0x164: {  	v7 =	vld.idx.msk [tilespmem:v10+s16+$0x0], $0xffff;
	_ =	sdelay $0x1  }
0x165: {  	v8 =	vadd.s32 s31, v0;
	s31 =	smov.u32 s3  }
0x166: {  	v8 =	vand.u32 $0x3F, v8  }
0x167: {  	v8 =	vor.u32 v3, v8;
	_ =	sdelay $0x1  }
0x168: {  	v7 =	vmul.f32 v7, v6;
	_ =	sdelay $0x1  }
0x169: {  	[tilespmem:v10+s16+$0x0] =	vst.idx.msk $0xffff, v7  }
0x16a: {  	v9 =	vld.idx.msk [tilespmem:v8+s16+$0x0], $0xffff;
	_ =	sdelay $0x1  }
.Ltmp1:
0x16b: {  	(pc) =	sbr.rel @p1 .LBB2_7-.Ltmp1, $3  }
0x16c: {  	s1 =	sadd.s32 $0xFFFFFFF1, s31  }
0x16d: {  	v7 =	vor.u32 s1, v5;
	_ =	sdelay $0x1  }
0x16e: {  	v9 =	vmul.f32 v9, v6  }
0x16f: {  	_ =	sdelay $0x3  }
0x170: {  	[tilespmem:v8+s16+$0x0] =	vst.idx.msk $0xffff, v9  }
0x171: {  	s0 =	sadd.s32 $0xFFFFFFF2, s31;
	v5 =	vld.idx.msk [tilespmem:v7+s16+$0x0], $0xffff  }
0x172: {  	v49 =	vadd.s32 s0, v0  }
0x173: {  	v8 =	vand.u32 $0x3F, v49  }
0x174: {  	v8 =	vor.u32 v3, v8;
	_ =	sdelay $0x1  }
0x175: {  	v5 =	vmul.f32 v5, v6;
	_ =	sdelay $0x1  }
0x176: {  	[tilespmem:v7+s16+$0x0] =	vst.idx.msk $0xffff, v5  }
0x177: {  	s3 =	sadd.s32 $0xFFFFFFF3, s31;
	v5 =	vld.idx.msk [tilespmem:v8+s16+$0x0], $0xffff  }
0x178: {  	v50 =	vadd.s32 s3, v0  }
0x179: {  	v7 =	vand.u32 $0x3F, v50  }
0x17a: {  	v7 =	vor.u32 v3, v7;
	_ =	sdelay $0x1  }
0x17b: {  	v5 =	vmul.f32 v5, v6;
	_ =	sdelay $0x1  }
0x17c: {  	[tilespmem:v8+s16+$0x0] =	vst.idx.msk $0xffff, v5  }
0x17d: {  	s1 =	sadd.s32 $0xFFFFFFF4, s31;
	v5 =	vld.idx.msk [tilespmem:v7+s16+$0x0], $0xffff  }
0x17e: {  	v51 =	vadd.s32 s1, v0  }
0x17f: {  	v8 =	vand.u32 $0x3F, v51  }
0x180: {  	v8 =	vor.u32 v3, v8;
	_ =	sdelay $0x1  }
0x181: {  	v5 =	vmul.f32 v5, v6;
	_ =	sdelay $0x1  }
0x182: {  	[tilespmem:v7+s16+$0x0] =	vst.idx.msk $0xffff, v5  }
0x183: {  	s3 =	sadd.s32 $0xFFFFFFF5, s31;
	v5 =	vld.idx.msk [tilespmem:v8+s16+$0x0], $0xffff  }
0x184: {  	v52 =	vadd.s32 s3, v0  }
0x185: {  	v7 =	vand.u32 $0x3F, v52  }
0x186: {  	v7 =	vor.u32 v3, v7;
	_ =	sdelay $0x1  }
0x187: {  	v5 =	vmul.f32 v5, v6;
	_ =	sdelay $0x1  }
0x188: {  	[tilespmem:v8+s16+$0x0] =	vst.idx.msk $0xffff, v5  }
0x189: {  	s1 =	sadd.s32 $0xFFFFFFF6, s31;
	v5 =	vld.idx.msk [tilespmem:v7+s16+$0x0], $0xffff  }
0x18a: {  	v53 =	vadd.s32 s1, v0  }
0x18b: {  	v8 =	vand.u32 $0x3F, v53  }
0x18c: {  	v8 =	vor.u32 v3, v8;
	_ =	sdelay $0x1  }
0x18d: {  	v5 =	vmul.f32 v5, v6;
	_ =	sdelay $0x1  }
0x18e: {  	[tilespmem:v7+s16+$0x0] =	vst.idx.msk $0xffff, v5  }
0x18f: {  	s3 =	sadd.s32 $0xFFFFFFF7, s31;
	v5 =	vld.idx.msk [tilespmem:v8+s16+$0x0], $0xffff  }
0x190: {  	v54 =	vadd.s32 s3, v0  }
0x191: {  	v7 =	vand.u32 $0x3F, v54  }
0x192: {  	v7 =	vor.u32 v3, v7;
	_ =	sdelay $0x1  }
0x193: {  	v5 =	vmul.f32 v5, v6;
	_ =	sdelay $0x1  }
0x194: {  	[tilespmem:v8+s16+$0x0] =	vst.idx.msk $0xffff, v5  }
0x195: {  	s1 =	sadd.s32 $0xFFFFFFF8, s31;
	v5 =	vld.idx.msk [tilespmem:v7+s16+$0x0], $0xffff  }
0x196: {  	v55 =	vadd.s32 s1, v0  }
0x197: {  	v8 =	vand.u32 $0x3F, v55  }
0x198: {  	v8 =	vor.u32 v3, v8;
	_ =	sdelay $0x1  }
0x199: {  	v5 =	vmul.f32 v5, v6;
	_ =	sdelay $0x1  }
0x19a: {  	[tilespmem:v7+s16+$0x0] =	vst.idx.msk $0xffff, v5  }
0x19b: {  	s3 =	sadd.s32 $0xFFFFFFF9, s31;
	v5 =	vld.idx.msk [tilespmem:v8+s16+$0x0], $0xffff  }
0x19c: {  	v56 =	vadd.s32 s3, v0  }
0x19d: {  	v7 =	vand.u32 $0x3F, v56  }
0x19e: {  	v7 =	vor.u32 v3, v7;
	_ =	sdelay $0x1  }
0x19f: {  	v5 =	vmul.f32 v5, v6;
	_ =	sdelay $0x1  }
0x1a0: {  	[tilespmem:v8+s16+$0x0] =	vst.idx.msk $0xffff, v5  }
0x1a1: {  	s1 =	sadd.s32 $0xFFFFFFFA, s31;
	v5 =	vld.idx.msk [tilespmem:v7+s16+$0x0], $0xffff  }
0x1a2: {  	v57 =	vadd.s32 s1, v0  }
0x1a3: {  	v8 =	vand.u32 $0x3F, v57  }
0x1a4: {  	v8 =	vor.u32 v3, v8;
	_ =	sdelay $0x1  }
0x1a5: {  	v5 =	vmul.f32 v5, v6;
	_ =	sdelay $0x1  }
0x1a6: {  	[tilespmem:v7+s16+$0x0] =	vst.idx.msk $0xffff, v5  }
0x1a7: {  	s3 =	sadd.s32 $0xFFFFFFFB, s31;
	v5 =	vld.idx.msk [tilespmem:v8+s16+$0x0], $0xffff  }
0x1a8: {  	v58 =	vadd.s32 s3, v0  }
0x1a9: {  	v7 =	vand.u32 $0x3F, v58  }
0x1aa: {  	v7 =	vor.u32 v3, v7;
	_ =	sdelay $0x1  }
0x1ab: {  	v5 =	vmul.f32 v5, v6;
	_ =	sdelay $0x1  }
0x1ac: {  	[tilespmem:v8+s16+$0x0] =	vst.idx.msk $0xffff, v5  }
0x1ad: {  	s1 =	sadd.s32 $0xFFFFFFFC, s31;
	v5 =	vld.idx.msk [tilespmem:v7+s16+$0x0], $0xffff  }
0x1ae: {  	v59 =	vadd.s32 s1, v0  }
0x1af: {  	v8 =	vand.u32 $0x3F, v59  }
0x1b0: {  	v8 =	vor.u32 v3, v8;
	_ =	sdelay $0x1  }
0x1b1: {  	v5 =	vmul.f32 v5, v6;
	_ =	sdelay $0x1  }
0x1b2: {  	[tilespmem:v7+s16+$0x0] =	vst.idx.msk $0xffff, v5  }
0x1b3: {  	s3 =	sadd.s32 $0xFFFFFFFD, s31;
	v5 =	vld.idx.msk [tilespmem:v8+s16+$0x0], $0xffff  }
0x1b4: {  	v60 =	vadd.s32 s3, v0  }
0x1b5: {  	v7 =	vand.u32 $0x3F, v60  }
0x1b6: {  	v7 =	vor.u32 v3, v7;
	_ =	sdelay $0x1  }
0x1b7: {  	v5 =	vmul.f32 v5, v6;
	_ =	sdelay $0x1  }
0x1b8: {  	[tilespmem:v8+s16+$0x0] =	vst.idx.msk $0xffff, v5  }
0x1b9: {  	s1 =	sadd.s32 $0xFFFFFFFE, s31;
	v5 =	vld.idx.msk [tilespmem:v7+s16+$0x0], $0xffff  }
0x1ba: {  	v61 =	vadd.s32 s1, v0  }
0x1bb: {  	v8 =	vand.u32 $0x3F, v61  }
0x1bc: {  	v8 =	vor.u32 v3, v8;
	_ =	sdelay $0x1  }
0x1bd: {  	v5 =	vmul.f32 v5, v6;
	_ =	sdelay $0x1  }
0x1be: {  	[tilespmem:v7+s16+$0x0] =	vst.idx.msk $0xffff, v5  }
0x1bf: {  	s3 =	sadd.s32 $0xFFFFFFFF, s31;
	v5 =	vld.idx.msk [tilespmem:v8+s16+$0x0], $0xffff  }
0x1c0: {  	v62 =	vadd.s32 s3, v0  }
0x1c1: {  	v7 =	vand.u32 $0x3F, v62  }
0x1c2: {  	v7 =	vor.u32 v3, v7;
	_ =	sdelay $0x1  }
0x1c3: {  	v5 =	vmul.f32 v5, v6;
	_ =	sdelay $0x1  }
0x1c4: {  	[tilespmem:v8+s16+$0x0] =	vst.idx.msk $0xffff, v5  }
0x1c5: {  	v5 =	vld.idx.msk [tilespmem:v7+s16+$0x0], $0xffff  }
0x1c6: {  	v63 =	vadd.s32 s31, v0  }
0x1c7: {  	v8 =	vand.u32 $0x3F, v63  }
0x1c8: {  	v3 =	vor.u32 v3, v8;
	_ =	sdelay $0x1  }
0x1c9: {  	v5 =	vmul.f32 v5, v6;
	_ =	sdelay $0x1  }
0x1ca: {  	[tilespmem:v7+s16+$0x0] =	vst.idx.msk $0xffff, v5  }
0x1cb: {  	v5 =	vld.idx.msk [tilespmem:v3+s16+$0x0], $0xffff;
	_ =	sdelay $0x1  }
0x1cc: {  	s30 =	sadd.s32 $0x1, s30  }
0x1cd: {  	p1 =	sne.s32 s30, $0x5  }
.Ltmp2:
0x1ce: {  	_ = 	snop;
	(pc) =	sbr.rel @p1 .LBB2_4-.Ltmp2, $3  }
0x1cf: {  	v5 =	vmul.f32 v5, v6;
	_ =	sdelay $0x1  }
0x1d0: {  	[tilespmem:v3+s16+$0x0] =	vst.idx.msk $0xffff, v5  }
0x1d1: {  	[tilespmem:v4+s16+$0x0] =	vst.idx.msk $0xffff, v6  }
0x1d2: {  	s0 =	sand.u32 $0x3FFFFF00, s29  }
0x1d3: {  	s0 =	sadd.s32 $0x1000, s0  }
0x1d4: {  	[spmem:s2] =	stream.indirect.scatter.add.f32 [tilespmem:s16], [sflag:$0x5], $0x80, s0, s15, $0xb8;
	[tilespmem:$0x1F880] =	vst v63  }
0x1d5: {  	_ =	swait.ge [sflag:s13], $0x2800  }
0x1d6: {  	[sflag:s13] =	ssyncset.done $0x0  }
0x1d7: {  	[sflag:s13] =	ssyncadd.s32 $0xFFFFD800  }
0x1d8: {  	_ =	swait.ge [sflag:s22], $0x2800  }
0x1d9: {  	[sflag:s22] =	ssyncset.done $0x0  }
0x1da: {  	[sflag:s22] =	ssyncadd.s32 $0xFFFFD800  }
0x1db: {  	_ =	swait.ge [sflag:s23], $0x2800  }
0x1dc: {  	[sflag:s23] =	ssyncset.done $0x0  }
0x1dd: {  	s30 =	sadd.s32 $0x100, s29;
	[sflag:s23] =	ssyncadd.s32 $0xFFFFD800  }
0x1de: {  	[tilespmem:s16], [sflag:$0x1] =	stream.indirect.gather [hbm4b:s5+s15], $0x80, s30, s15, $0xb8;
	[tilespmem:$0x1F880] =	vst v63  }
0x1df: {  	s31 =	sadd.s32 $0x1100, s29;
	s29 =	simm.s32 $0x0  }
0x1e0: {  	[tilespmem:s17], [sflag:$0x2] =	stream.indirect.gather [hbm4b:s5+s15], $0x80, s31, s15, $0xb8;
	[tilespmem:$0x1F880] =	vst v63  }
.LBB2_10:
0x1e1: {  	s0 =	sshll.u32 s29, $0x4  }
0x1e2: {  	s1 =	simm.s32 $0x1;
	v3 =	vmov s0  }
0x1e3: {  	v4 =	vadd.s32 s1, v0;
	v3 =	vshll.u32 v3, $0x7  }
0x1e4: {  	v9 =	vand.u32 $0x3F, v4;
	v3 =	vor.u32 v1, v3  }
0x1e5: {  	s3 =	simm.s32 $0x0;
	v5 =	vor.u32 v0, v3;
	v11 =	vor.u32 v3, v9  }
0x1e6: {  	s31 =	simm.s32 $0x2;
	v6 =	vor.u32 v2, v3;
	v7 =	vor.u32 s3, v5  }
0x1e7: {  	v10 =	vadd.s32 s31, v0;
	v4 =	vor.u32 $0x40, v3;
	v8 =	vor.u32 s3, v6  }
0x1e8: {  	v10 =	vand.u32 $0x3F, v10;
	s3 =	simm.s32 $0x3;
	v9 =	vor.u32 v9, v4  }
0x1e9: {  	v13 =	vor.u32 v3, v10;
	v12 =	vadd.s32 s3, v0  }
0x1ea: {  	s31 =	simm.s32 $0x4;
	v10 =	vor.u32 v10, v4;
	v12 =	vand.u32 $0x3F, v12;
	v11 =	vld.idx.msk [tilespmem:v11+s21+$0x0], $0xffff  }
0x1eb: {  	v14 =	vadd.s32 s31, v0;
	v15 =	vor.u32 v3, v12;
	v7 =	vld.idx.msk [tilespmem:v7+s21+$0x0], $0xffff  }
0x1ec: {  	s1 =	simm.s32 $0x5;
	v14 =	vand.u32 $0x3F, v14;
	v12 =	vor.u32 v12, v4;
	v8 =	vld.idx.msk [tilespmem:v8+s20+$0x0], $0xffff  }
0x1ed: {  	v16 =	vadd.s32 s1, v0;
	v17 =	vor.u32 v3, v14;
	v14 =	vor.u32 v14, v4;
	v9 =	vld.idx.msk [tilespmem:v9+s20+$0x0], $0xffff  }
0x1ee: {  	v16 =	vand.u32 $0x3F, v16;
	s3 =	simm.s32 $0x6;
	v13 =	vld.idx.msk [tilespmem:v13+s21+$0x0], $0xffff  }
0x1ef: {  	s31 =	simm.s32 $0x7;
	v19 =	vor.u32 v3, v16;
	v18 =	vadd.s32 s3, v0;
	v10 =	vld.idx.msk [tilespmem:v10+s20+$0x0], $0xffff  }
0x1f0: {  	v21 =	vadd.s32 s31, v0;
	v16 =	vor.u32 v16, v4;
	v18 =	vand.u32 $0x3F, v18;
	v15 =	vld.idx.msk [tilespmem:v15+s21+$0x0], $0xffff  }
0x1f1: {  	v21 =	vand.u32 $0x3F, v21;
	v7 =	vmul.f32 v8, v7;
	v8 =	vld.idx.msk [tilespmem:v12+s20+$0x0], $0xffff;
	v12 =	vor.u32 v3, v18  }
0x1f2: {  	v20 =	vimm.f32 $0.0e+00;
	s1 =	simm.s32 $0x8;
	v9 =	vmul.f32 v9, v11;
	v11 =	vld.idx.msk [tilespmem:v14+s20+$0x0], $0xffff;
	v14 =	vor.u32 v3, v21  }
0x1f3: {  	v22 =	vadd.s32 s1, v0;
	s3 =	simm.s32 $0x9;
	v17 =	vld.idx.msk [tilespmem:v17+s21+$0x0], $0xffff;
	v18 =	vor.u32 v18, v4;
	v7 =	vadd.f32 v7, v20  }
0x1f4: {  	v19 =	vld.idx.msk [tilespmem:v19+s21+$0x0], $0xffff;
	v20 =	vor.u32 v21, v4;
	v21 =	vand.u32 $0x3F, v22;
	v22 =	vadd.s32 s3, v0  }
0x1f5: {  	s31 =	simm.s32 $0xA;
	v7 =	vadd.f32 v9, v7;
	v9 =	vmul.f32 v10, v13;
	v10 =	vld.idx.msk [tilespmem:v16+s20+$0x0], $0xffff;
	v13 =	vor.u32 v3, v21  }
0x1f6: {  	v16 =	vor.u32 v21, v4;
	v21 =	vand.u32 $0x3F, v22;
	v22 =	vadd.s32 s31, v0;
	v12 =	vld.idx.msk [tilespmem:v12+s21+$0x0], $0xffff  }
0x1f7: {  	s1 =	simm.s32 $0xB;
	v8 =	vmul.f32 v8, v15;
	v15 =	vor.u32 v3, v21;
	v14 =	vld.idx.msk [tilespmem:v14+s21+$0x0], $0xffff;
	v7 =	vadd.f32 v9, v7  }
0x1f8: {  	v9 =	vld.idx.msk [tilespmem:v18+s20+$0x0], $0xffff;
	v18 =	vor.u32 v21, v4;
	v21 =	vand.u32 $0x3F, v22;
	v22 =	vadd.s32 s1, v0  }
0x1f9: {  	s3 =	simm.s32 $0xC;
	v7 =	vadd.f32 v8, v7;
	v8 =	vmul.f32 v11, v17;
	v11 =	vld.idx.msk [tilespmem:v20+s20+$0x0], $0xffff;
	v17 =	vor.u32 v3, v21  }
0x1fa: {  	v20 =	vor.u32 v21, v4;
	v21 =	vand.u32 $0x3F, v22;
	v22 =	vadd.s32 s3, v0;
	v13 =	vld.idx.msk [tilespmem:v13+s21+$0x0], $0xffff  }
0x1fb: {  	s31 =	simm.s32 $0xD;
	v7 =	vadd.f32 v8, v7;
	v8 =	vmul.f32 v10, v19;
	v10 =	vld.idx.msk [tilespmem:v16+s20+$0x0], $0xffff;
	v16 =	vor.u32 v3, v21  }
0x1fc: {  	v15 =	vld.idx.msk [tilespmem:v15+s21+$0x0], $0xffff;
	v19 =	vor.u32 v21, v4;
	v21 =	vand.u32 $0x3F, v22;
	v22 =	vadd.s32 s31, v0  }
0x1fd: {  	v7 =	vadd.f32 v8, v7;
	v8 =	vmul.f32 v9, v12;
	v9 =	vld.idx.msk [tilespmem:v18+s20+$0x0], $0xffff;
	v18 =	vor.u32 v3, v21  }
0x1fe: {  	s1 =	simm.s32 $0xE;
	v21 =	vor.u32 v21, v4;
	v12 =	vand.u32 $0x3F, v22;
	v23 =	vld.idx.msk [tilespmem:v17+s21+$0x0], $0xffff;
	v11 =	vmul.f32 v11, v14  }
0x1ff: {  	v20 =	vld.idx.msk [tilespmem:v20+s20+$0x0], $0xffff;
	v22 =	vor.u32 v3, v12;
	v14 =	vadd.s32 s1, v0;
	v8 =	vadd.f32 v8, v7  }
0x200: {  	s3 =	simm.s32 $0xF;
	v24 =	vor.u32 v12, v4;
	v14 =	vand.u32 $0x3F, v14;
	v7 =	vld.idx.msk [tilespmem:v16+s21+$0x0], $0xffff;
	v10 =	vmul.f32 v10, v13  }
0x201: {  	v12 =	vld.idx.msk [tilespmem:v19+s20+$0x0], $0xffff;
	v13 =	vadd.s32 s3, v0;
	v17 =	vor.u32 v3, v14;
	v11 =	vadd.f32 v11, v8  }
0x202: {  	v14 =	vor.u32 v14, v4;
	v13 =	vand.u32 $0x3F, v13;
	v8 =	vld.idx.msk [tilespmem:v18+s21+$0x0], $0xffff  }
0x203: {  	s31 =	simm.s32 $0x11;
	v25 =	vmul.f32 v9, v15;
	v16 =	vor.u32 v3, v13;
	v18 =	vadd.f32 v10, v11;
	v11 =	vld.idx.msk [tilespmem:v21+s20+$0x0], $0xffff  }
0x204: {  	s3 =	simm.s32 $0x10;
	v19 =	vadd.s32 s31, v0;
	v15 =	vor.u32 v13, v4;
	v9 =	vld.idx.msk [tilespmem:v22+s21+$0x0], $0xffff  }
0x205: {  	s30 =	simm.s32 $0x1F;
	s0 =	simm.s32 $0x2F;
	s1 =	simm.s32 $0x12;
	v10 =	vor.u32 s3, v5;
	v20 =	vmul.f32 v20, v23;
	v13 =	vld.idx.msk [tilespmem:v24+s20+$0x0], $0xffff;
	v18 =	vadd.f32 v25, v18  }
.LBB2_11:
0x206: {  	p1 =	sne.s32 s0, $0x3F;
	v21 =	vor.u32 s3, v6;
	v19 =	vand.u32 $0x3F, v19;
	v22 =	vadd.s32 s1, v0;
	v17 =	vld.idx.msk [tilespmem:v17+s21+$0x0], $0xffff  }
0x207: {  	s1 =	sadd.s32 $0xFFFFFFF4, s30;
	v7 =	vmul.f32 v12, v7;
	v23 =	vor.u32 v3, v19;
	v18 =	vadd.f32 v20, v18;
	v12 =	vld.idx.msk [tilespmem:v14+s20+$0x0], $0xffff  }
0x208: {  	v14 =	vor.u32 v19, v4;
	v19 =	vand.u32 $0x3F, v22;
	v20 =	vadd.s32 s1, v0;
	v16 =	vld.idx.msk [tilespmem:v16+s21+$0x0], $0xffff  }
0x209: {  	s1 =	sadd.s32 $0xFFFFFFF5, s30;
	v22 =	vor.u32 v3, v19;
	v8 =	vmul.f32 v11, v8;
	v7 =	vadd.f32 v7, v18;
	v11 =	vld.idx.msk [tilespmem:v15+s20+$0x0], $0xffff  }
0x20a: {  	v15 =	vor.u32 v19, v4;
	v18 =	vand.u32 $0x3F, v20;
	v19 =	vadd.s32 s1, v0;
	v10 =	vld.idx.msk [tilespmem:v10+s21+$0x0], $0xffff  }
0x20b: {  	s1 =	sadd.s32 $0xFFFFFFF6, s30;
	v20 =	vld.idx.msk [tilespmem:v21+s20+$0x0], $0xffff;
	v21 =	vor.u32 v3, v18;
	v7 =	vadd.f32 v8, v7;
	v8 =	vmul.f32 v13, v9  }
0x20c: {  	v13 =	vor.u32 v18, v4;
	v18 =	vand.u32 $0x3F, v19;
	v19 =	vadd.s32 s1, v0;
	v9 =	vld.idx.msk [tilespmem:v23+s21+$0x0], $0xffff  }
0x20d: {  	s1 =	sadd.s32 $0xFFFFFFF7, s30;
	v23 =	vor.u32 v3, v18;
	v14 =	vld.idx.msk [tilespmem:v14+s20+$0x0], $0xffff;
	v7 =	vadd.f32 v8, v7;
	v8 =	vmul.f32 v12, v17  }
0x20e: {  	v17 =	vor.u32 v18, v4;
	v18 =	vand.u32 $0x3F, v19;
	v19 =	vadd.s32 s1, v0;
	v12 =	vld.idx.msk [tilespmem:v22+s21+$0x0], $0xffff  }
0x20f: {  	s1 =	sadd.s32 $0xFFFFFFF8, s30;
	v22 =	vor.u32 v3, v18;
	v15 =	vld.idx.msk [tilespmem:v15+s20+$0x0], $0xffff;
	v7 =	vadd.f32 v8, v7;
	v8 =	vmul.f32 v11, v16  }
0x210: {  	v16 =	vor.u32 v18, v4;
	v18 =	vand.u32 $0x3F, v19;
	v19 =	vadd.s32 s1, v0;
	v11 =	vld.idx.msk [tilespmem:v21+s21+$0x0], $0xffff  }
0x211: {  	s1 =	sadd.s32 $0xFFFFFFF9, s30;
	v10 =	vmul.f32 v20, v10;
	v20 =	vor.u32 v3, v18;
	v13 =	vld.idx.msk [tilespmem:v13+s20+$0x0], $0xffff;
	v7 =	vadd.f32 v8, v7  }
0x212: {  	v18 =	vor.u32 v18, v4;
	v19 =	vand.u32 $0x3F, v19;
	v21 =	vadd.s32 s1, v0;
	v8 =	vld.idx.msk [tilespmem:v23+s21+$0x0], $0xffff  }
0x213: {  	s1 =	sadd.s32 $0xFFFFFFFA, s30;
	v9 =	vmul.f32 v14, v9;
	v14 =	vor.u32 v3, v19;
	v7 =	vadd.f32 v10, v7;
	v10 =	vld.idx.msk [tilespmem:v17+s20+$0x0], $0xffff  }
0x214: {  	v21 =	vand.u32 $0x3F, v21;
	v19 =	vor.u32 v19, v4;
	v17 =	vld.idx.msk [tilespmem:v22+s21+$0x0], $0xffff;
	v22 =	vadd.s32 s1, v0  }
0x215: {  	s1 =	sadd.s32 $0xFFFFFFFB, s30;
	v7 =	vadd.f32 v9, v7;
	v9 =	vmul.f32 v15, v12;
	v12 =	vld.idx.msk [tilespmem:v16+s20+$0x0], $0xffff;
	v15 =	vor.u32 v3, v21  }
0x216: {  	v16 =	vld.idx.msk [tilespmem:v20+s21+$0x0], $0xffff;
	v20 =	vor.u32 v21, v4;
	v21 =	vand.u32 $0x3F, v22;
	v22 =	vadd.s32 s1, v0  }
0x217: {  	s1 =	sadd.s32 $0xFFFFFFFC, s30;
	v7 =	vadd.f32 v9, v7;
	v9 =	vmul.f32 v13, v11;
	v11 =	vld.idx.msk [tilespmem:v18+s20+$0x0], $0xffff;
	v13 =	vor.u32 v3, v21  }
0x218: {  	v18 =	vor.u32 v21, v4;
	v21 =	vand.u32 $0x3F, v22;
	v22 =	vadd.s32 s1, v0;
	v14 =	vld.idx.msk [tilespmem:v14+s21+$0x0], $0xffff  }
0x219: {  	s1 =	sadd.s32 $0xFFFFFFFD, s30;
	v8 =	vmul.f32 v10, v8;
	v10 =	vor.u32 v3, v21;
	v7 =	vadd.f32 v9, v7;
	v9 =	vld.idx.msk [tilespmem:v19+s20+$0x0], $0xffff  }
0x21a: {  	v19 =	vor.u32 v21, v4;
	v21 =	vand.u32 $0x3F, v22;
	v22 =	vadd.s32 s1, v0;
	v15 =	vld.idx.msk [tilespmem:v15+s21+$0x0], $0xffff  }
0x21b: {  	s1 =	sadd.s32 $0xFFFFFFFE, s30;
	v7 =	vadd.f32 v8, v7;
	v8 =	vmul.f32 v12, v17;
	v12 =	vld.idx.msk [tilespmem:v20+s20+$0x0], $0xffff;
	v17 =	vor.u32 v3, v21  }
0x21c: {  	v20 =	vor.u32 v21, v4;
	v21 =	vand.u32 $0x3F, v22;
	v22 =	vadd.s32 s1, v0;
	v13 =	vld.idx.msk [tilespmem:v13+s21+$0x0], $0xffff  }
0x21d: {  	s1 =	sadd.s32 $0xFFFFFFFF, s30;
	v7 =	vadd.f32 v8, v7;
	v8 =	vmul.f32 v11, v16;
	v11 =	vld.idx.msk [tilespmem:v18+s20+$0x0], $0xffff;
	v16 =	vor.u32 v3, v21  }
0x21e: {  	v18 =	vand.u32 $0x3F, v22;
	v23 =	vld.idx.msk [tilespmem:v10+s21+$0x0], $0xffff;
	v10 =	vor.u32 v21, v4;
	v21 =	vadd.s32 s1, v0  }
0x21f: {  	v9 =	vmul.f32 v9, v14;
	v8 =	vadd.f32 v8, v7;
	v22 =	vld.idx.msk [tilespmem:v19+s20+$0x0], $0xffff;
	v19 =	vor.u32 v3, v18  }
0x220: {  	v24 =	vor.u32 v18, v4;
	v14 =	vand.u32 $0x3F, v21;
	v18 =	vadd.s32 s30, v0;
	s30 =	smov.u32 s0;
	v7 =	vld.idx.msk [tilespmem:v17+s21+$0x0], $0xffff  }
.Ltmp3:
0x221: {  	v15 =	vmul.f32 v12, v15;
	v17 =	vor.u32 v3, v14;
	v9 =	vadd.f32 v9, v8;
	v12 =	vld.idx.msk [tilespmem:v20+s20+$0x0], $0xffff;
	(pc) =	sbr.rel @p1 .LBB2_11-.Ltmp3, $4  }
0x222: {  	v14 =	vor.u32 v14, v4;
	v18 =	vand.u32 $0x3F, v18;
	v8 =	vld.idx.msk [tilespmem:v16+s21+$0x0], $0xffff  }
0x223: {  	s3 =	sadd.s32 $0xFFFFFFF1, s0;
	v13 =	vmul.f32 v11, v13;
	v16 =	vor.u32 v3, v18;
	v20 =	vadd.f32 v15, v9;
	v11 =	vld.idx.msk [tilespmem:v10+s20+$0x0], $0xffff  }
0x224: {  	s1 =	sadd.s32 $0xFFFFFFF2, s0;
	v10 =	vor.u32 s3, v5;
	v15 =	vor.u32 v18, v4;
	v9 =	vld.idx.msk [tilespmem:v19+s21+$0x0], $0xffff  }
0x225: {  	s0 =	sadd.s32 $0x10, s0;
	v19 =	vadd.s32 s1, v0;
	s1 =	sadd.s32 $0xFFFFFFF3, s30;
	v18 =	vadd.f32 v13, v20;
	v20 =	vmul.f32 v22, v23;
	v13 =	vld.idx.msk [tilespmem:v24+s20+$0x0], $0xffff  }
0x226: {  	_ =	sdelay $0x2  }
0x227: {  	v6 =	vor.u32 s3, v6;
	v19 =	vand.u32 $0x3F, v19  }
0x228: {  	v17 =	vld.idx.msk [tilespmem:v17+s21+$0x0], $0xffff;
	v7 =	vmul.f32 v12, v7;
	v37 =	vadd.s32 s1, v0;
	v18 =	vadd.f32 v20, v18  }
0x229: {  	v14 =	vld.idx.msk [tilespmem:v14+s20+$0x0], $0xffff;
	s1 =	sadd.s32 $0xFFFFFFF6, s30;
	v38 =	vor.u32 v3, v19;
	v19 =	vor.u32 v19, v4;
	v12 =	vand.u32 $0x3F, v37  }
0x22a: {  	s0 =	sadd.s32 $0xFFFFFFF4, s30;
	v16 =	vld.idx.msk [tilespmem:v16+s21+$0x0], $0xffff;
	v41 =	vadd.s32 s1, v0;
	v8 =	vmul.f32 v11, v8;
	v7 =	vadd.f32 v7, v18  }
0x22b: {  	v15 =	vld.idx.msk [tilespmem:v15+s20+$0x0], $0xffff;
	v11 =	vadd.s32 s0, v0;
	v39 =	vor.u32 v3, v12;
	v12 =	vor.u32 v12, v4  }
0x22c: {  	s31 =	sadd.s32 $0xFFFFFFF5, s30;
	v10 =	vld.idx.msk [tilespmem:v10+s21+$0x0], $0xffff;
	v11 =	vand.u32 $0x3F, v11;
	v7 =	vadd.f32 v8, v7;
	v8 =	vmul.f32 v13, v9  }
0x22d: {  	v40 =	vor.u32 v3, v11;
	v11 =	vor.u32 v11, v4;
	v9 =	vadd.s32 s31, v0;
	v6 =	vld.idx.msk [tilespmem:v6+s20+$0x0], $0xffff  }
0x22e: {  	s3 =	sadd.s32 $0xFFFFFFF7, s30;
	v20 =	vld.idx.msk [tilespmem:v38+s21+$0x0], $0xffff;
	v9 =	vand.u32 $0x3F, v9;
	v7 =	vadd.f32 v8, v7;
	v8 =	vmul.f32 v14, v17  }
0x22f: {  	v44 =	vadd.s32 s3, v0;
	v42 =	vld.idx.msk [tilespmem:v19+s20+$0x0], $0xffff;
	v43 =	vor.u32 v3, v9;
	v9 =	vor.u32 v9, v4  }
0x230: {  	s1 =	sadd.s32 $0xFFFFFFF9, s30;
	v18 =	vld.idx.msk [tilespmem:v39+s21+$0x0], $0xffff;
	v14 =	vand.u32 $0x3F, v41;
	v7 =	vadd.f32 v8, v7;
	v8 =	vmul.f32 v15, v16  }
0x231: {  	v46 =	vadd.s32 s1, v0;
	v12 =	vld.idx.msk [tilespmem:v12+s20+$0x0], $0xffff;
	v45 =	vor.u32 v3, v14;
	v14 =	vor.u32 v14, v4  }
0x232: {  	s31 =	sadd.s32 $0xFFFFFFF8, s30;
	v13 =	vld.idx.msk [tilespmem:v40+s21+$0x0], $0xffff;
	v15 =	vand.u32 $0x3F, v44;
	v6 =	vmul.f32 v6, v10;
	v7 =	vadd.f32 v8, v7  }
0x233: {  	v10 =	vld.idx.msk [tilespmem:v11+s20+$0x0], $0xffff;
	v11 =	vor.u32 v3, v15;
	v15 =	vor.u32 v15, v4;
	v8 =	vadd.s32 s31, v0  }
0x234: {  	v19 =	vld.idx.msk [tilespmem:v43+s21+$0x0], $0xffff;
	v8 =	vand.u32 $0x3F, v8;
	v6 =	vadd.f32 v6, v7;
	v7 =	vmul.f32 v42, v20  }
0x235: {  	v58 =	vadd.s32 s30, v0;
	v17 =	vand.u32 $0x3F, v46;
	v9 =	vld.idx.msk [tilespmem:v9+s20+$0x0], $0xffff;
	v47 =	vor.u32 v3, v8  }
0x236: {  	s3 =	sadd.s32 $0xFFFFFFFA, s30;
	v8 =	vor.u32 v8, v4;
	v16 =	vld.idx.msk [tilespmem:v45+s21+$0x0], $0xffff;
	v6 =	vadd.f32 v7, v6;
	v7 =	vmul.f32 v12, v18  }
0x237: {  	v48 =	vadd.s32 s3, v0;
	v49 =	vor.u32 v3, v17;
	v17 =	vor.u32 v17, v4;
	v14 =	vld.idx.msk [tilespmem:v14+s20+$0x0], $0xffff  }
0x238: {  	s31 =	sadd.s32 $0xFFFFFFFB, s30;
	v11 =	vld.idx.msk [tilespmem:v11+s21+$0x0], $0xffff;
	v12 =	vand.u32 $0x3F, v48;
	v6 =	vadd.f32 v7, v6;
	v7 =	vmul.f32 v10, v13  }
0x239: {  	v50 =	vld.idx.msk [tilespmem:v15+s20+$0x0], $0xffff;
	v51 =	vor.u32 v3, v12;
	v12 =	vor.u32 v12, v4;
	v10 =	vadd.s32 s31, v0  }
0x23a: {  	s1 =	sadd.s32 $0xFFFFFFFC, s30;
	v20 =	vld.idx.msk [tilespmem:v47+s21+$0x0], $0xffff;
	v10 =	vand.u32 $0x3F, v10;
	v6 =	vadd.f32 v7, v6;
	v7 =	vmul.f32 v9, v19  }
0x23b: {  	v8 =	vld.idx.msk [tilespmem:v8+s20+$0x0], $0xffff;
	v9 =	vadd.s32 s1, v0;
	v52 =	vor.u32 v3, v10;
	v10 =	vor.u32 v10, v4  }
0x23c: {  	s3 =	sadd.s32 $0xFFFFFFFD, s30;
	v54 =	vld.idx.msk [tilespmem:v17+s20+$0x0], $0xffff;
	v9 =	vand.u32 $0x3F, v9;
	v6 =	vadd.f32 v7, v6;
	v7 =	vmul.f32 v14, v16  }
0x23d: {  	v53 =	vadd.s32 s3, v0;
	v18 =	vld.idx.msk [tilespmem:v49+s21+$0x0], $0xffff;
	v55 =	vor.u32 v3, v9;
	v9 =	vor.u32 v9, v4  }
0x23e: {  	s31 =	sadd.s32 $0xFFFFFFFE, s30;
	v15 =	vld.idx.msk [tilespmem:v51+s21+$0x0], $0xffff;
	v14 =	vand.u32 $0x3F, v53;
	v6 =	vadd.f32 v7, v6;
	v7 =	vmul.f32 v50, v11  }
0x23f: {  	v12 =	vld.idx.msk [tilespmem:v12+s20+$0x0], $0xffff;
	v56 =	vor.u32 v3, v14;
	v14 =	vor.u32 v14, v4;
	v11 =	vadd.s32 s31, v0  }
0x240: {  	s1 =	sadd.s32 $0xFFFFFFFF, s30;
	v19 =	vld.idx.msk [tilespmem:v52+s21+$0x0], $0xffff;
	v11 =	vand.u32 $0x3F, v11;
	v6 =	vadd.f32 v7, v6;
	v7 =	vmul.f32 v8, v20  }
0x241: {  	v10 =	vld.idx.msk [tilespmem:v10+s20+$0x0], $0xffff;
	v8 =	vadd.s32 s1, v0;
	v57 =	vor.u32 v3, v11;
	v11 =	vor.u32 v11, v4  }
0x242: {  	v17 =	vld.idx.msk [tilespmem:v55+s21+$0x0], $0xffff;
	v8 =	vand.u32 $0x3F, v8;
	v6 =	vadd.f32 v7, v6;
	v7 =	vmul.f32 v54, v18  }
0x243: {  	v16 =	vand.u32 $0x3F, v58;
	v9 =	vld.idx.msk [tilespmem:v9+s20+$0x0], $0xffff;
	v59 =	vor.u32 v3, v8  }
0x244: {  	v8 =	vor.u32 v8, v4;
	v13 =	vld.idx.msk [tilespmem:v56+s21+$0x0], $0xffff;
	v6 =	vadd.f32 v7, v6;
	v7 =	vmul.f32 v12, v15  }
0x245: {  	v61 =	vor.u32 v3, v16;
	v16 =	vor.u32 v16, v4;
	v60 =	vld.idx.msk [tilespmem:v14+s20+$0x0], $0xffff  }
0x246: {  	v62 =	vld.idx.msk [tilespmem:v57+s21+$0x0], $0xffff;
	v6 =	vadd.f32 v7, v6;
	v7 =	vmul.f32 v10, v19  }
0x247: {  	v10 =	vld.idx.msk [tilespmem:v11+s20+$0x0], $0xffff  }
0x248: {  	v11 =	vld.idx.msk [tilespmem:v59+s21+$0x0], $0xffff;
	v6 =	vadd.f32 v7, v6;
	v7 =	vmul.f32 v9, v17  }
0x249: {  	v8 =	vld.idx.msk [tilespmem:v8+s20+$0x0], $0xffff  }
0x24a: {  	v63 =	vld.idx.msk [tilespmem:v16+s20+$0x0], $0xffff;
	v6 =	vadd.f32 v7, v6;
	v7 =	vmul.f32 v60, v13  }
0x24b: {  	v9 =	vld.idx.msk [tilespmem:v61+s21+$0x0], $0xffff  }
0x24c: {  	v6 =	vadd.f32 v7, v6;
	v7 =	vmul.f32 v10, v62;
	_ =	sdelay $0x1  }
0x24d: {  	v6 =	vadd.f32 v7, v6;
	v7 =	vmul.f32 v8, v11;
	_ =	sdelay $0x1  }
0x24e: {  	v6 =	vadd.f32 v7, v6;
	v7 =	vmul.f32 v63, v9;
	_ =	sdelay $0x1  }
0x24f: {  	v6 =	vadd.f32 v7, v6;
	_ =	sdelay $0x1  }
0x250: {  	v6 =	vmul.f32 $1.442695020e+00, v6  }
0x251: {  	s3 =	simm.s32 $0x0  }
0x252: {  	v7 =	vor.u32 s3, v5;
	(erf) = vpow2.f32 v6;
	_ =	sdelay $0x3  }
0x253: {  	s31 =	simm.s32 $0x1  }
0x254: {  	v6 =	vadd.s32 s31, v0;
	v8 =	vld.idx.msk [tilespmem:v7+s20+$0x0], $0xffff  }
0x255: {  	v6 =	vand.u32 $0x3F, v6;
	_ =	sdelay $0x1  }
0x256: {  	v9 =	vor.u32 v3, v6  }
0x257: {  	v6 =	vpop (erf)  }
0x258: {  	v8 =	vmul.f32 v8, v6;
	_ =	sdelay $0x1  }
0x259: {  	[tilespmem:v7+s20+$0x0] =	vst.idx.msk $0xffff, v8  }
0x25a: {  	s1 =	simm.s32 $0x2;
	v7 =	vld.idx.msk [tilespmem:v9+s20+$0x0], $0xffff  }
0x25b: {  	v8 =	vadd.s32 s1, v0  }
0x25c: {  	v8 =	vand.u32 $0x3F, v8  }
0x25d: {  	v8 =	vor.u32 v3, v8;
	_ =	sdelay $0x1  }
0x25e: {  	v7 =	vmul.f32 v7, v6;
	_ =	sdelay $0x1  }
0x25f: {  	[tilespmem:v9+s20+$0x0] =	vst.idx.msk $0xffff, v7  }
0x260: {  	s3 =	simm.s32 $0x3;
	v7 =	vld.idx.msk [tilespmem:v8+s20+$0x0], $0xffff  }
0x261: {  	v9 =	vadd.s32 s3, v0  }
0x262: {  	v9 =	vand.u32 $0x3F, v9  }
0x263: {  	v9 =	vor.u32 v3, v9;
	_ =	sdelay $0x1  }
0x264: {  	v7 =	vmul.f32 v7, v6;
	_ =	sdelay $0x1  }
0x265: {  	[tilespmem:v8+s20+$0x0] =	vst.idx.msk $0xffff, v7  }
0x266: {  	s31 =	simm.s32 $0x4;
	v7 =	vld.idx.msk [tilespmem:v9+s20+$0x0], $0xffff  }
0x267: {  	v8 =	vadd.s32 s31, v0  }
0x268: {  	v8 =	vand.u32 $0x3F, v8  }
0x269: {  	v8 =	vor.u32 v3, v8;
	_ =	sdelay $0x1  }
0x26a: {  	v7 =	vmul.f32 v7, v6;
	_ =	sdelay $0x1  }
0x26b: {  	[tilespmem:v9+s20+$0x0] =	vst.idx.msk $0xffff, v7  }
0x26c: {  	s1 =	simm.s32 $0x5;
	v7 =	vld.idx.msk [tilespmem:v8+s20+$0x0], $0xffff  }
0x26d: {  	v9 =	vadd.s32 s1, v0  }
0x26e: {  	v9 =	vand.u32 $0x3F, v9  }
0x26f: {  	v9 =	vor.u32 v3, v9;
	_ =	sdelay $0x1  }
0x270: {  	v7 =	vmul.f32 v7, v6;
	_ =	sdelay $0x1  }
0x271: {  	[tilespmem:v8+s20+$0x0] =	vst.idx.msk $0xffff, v7  }
0x272: {  	s3 =	simm.s32 $0x6;
	v7 =	vld.idx.msk [tilespmem:v9+s20+$0x0], $0xffff  }
0x273: {  	v8 =	vadd.s32 s3, v0  }
0x274: {  	v8 =	vand.u32 $0x3F, v8  }
0x275: {  	v8 =	vor.u32 v3, v8;
	_ =	sdelay $0x1  }
0x276: {  	v7 =	vmul.f32 v7, v6;
	_ =	sdelay $0x1  }
0x277: {  	[tilespmem:v9+s20+$0x0] =	vst.idx.msk $0xffff, v7  }
0x278: {  	s31 =	simm.s32 $0x7;
	v7 =	vld.idx.msk [tilespmem:v8+s20+$0x0], $0xffff  }
0x279: {  	v9 =	vadd.s32 s31, v0  }
0x27a: {  	v9 =	vand.u32 $0x3F, v9  }
0x27b: {  	v9 =	vor.u32 v3, v9;
	_ =	sdelay $0x1  }
0x27c: {  	v7 =	vmul.f32 v7, v6;
	_ =	sdelay $0x1  }
0x27d: {  	[tilespmem:v8+s20+$0x0] =	vst.idx.msk $0xffff, v7  }
0x27e: {  	s1 =	simm.s32 $0x8;
	v7 =	vld.idx.msk [tilespmem:v9+s20+$0x0], $0xffff  }
0x27f: {  	v8 =	vadd.s32 s1, v0  }
0x280: {  	v8 =	vand.u32 $0x3F, v8  }
0x281: {  	v8 =	vor.u32 v3, v8;
	_ =	sdelay $0x1  }
0x282: {  	v7 =	vmul.f32 v7, v6;
	_ =	sdelay $0x1  }
0x283: {  	[tilespmem:v9+s20+$0x0] =	vst.idx.msk $0xffff, v7  }
0x284: {  	s3 =	simm.s32 $0x9;
	v7 =	vld.idx.msk [tilespmem:v8+s20+$0x0], $0xffff  }
0x285: {  	v9 =	vadd.s32 s3, v0  }
0x286: {  	v9 =	vand.u32 $0x3F, v9  }
0x287: {  	v9 =	vor.u32 v3, v9;
	_ =	sdelay $0x1  }
0x288: {  	v7 =	vmul.f32 v7, v6;
	_ =	sdelay $0x1  }
0x289: {  	[tilespmem:v8+s20+$0x0] =	vst.idx.msk $0xffff, v7  }
0x28a: {  	s31 =	simm.s32 $0xA;
	v7 =	vld.idx.msk [tilespmem:v9+s20+$0x0], $0xffff  }
0x28b: {  	v8 =	vadd.s32 s31, v0  }
0x28c: {  	v8 =	vand.u32 $0x3F, v8  }
0x28d: {  	v8 =	vor.u32 v3, v8;
	_ =	sdelay $0x1  }
0x28e: {  	v7 =	vmul.f32 v7, v6;
	_ =	sdelay $0x1  }
0x28f: {  	[tilespmem:v9+s20+$0x0] =	vst.idx.msk $0xffff, v7  }
0x290: {  	s1 =	simm.s32 $0xB;
	v7 =	vld.idx.msk [tilespmem:v8+s20+$0x0], $0xffff  }
0x291: {  	v9 =	vadd.s32 s1, v0  }
0x292: {  	v9 =	vand.u32 $0x3F, v9  }
0x293: {  	v9 =	vor.u32 v3, v9;
	_ =	sdelay $0x1  }
0x294: {  	v7 =	vmul.f32 v7, v6;
	_ =	sdelay $0x1  }
0x295: {  	[tilespmem:v8+s20+$0x0] =	vst.idx.msk $0xffff, v7  }
0x296: {  	s3 =	simm.s32 $0xC;
	v7 =	vld.idx.msk [tilespmem:v9+s20+$0x0], $0xffff  }
0x297: {  	v8 =	vadd.s32 s3, v0  }
0x298: {  	v8 =	vand.u32 $0x3F, v8  }
0x299: {  	v8 =	vor.u32 v3, v8;
	_ =	sdelay $0x1  }
0x29a: {  	v7 =	vmul.f32 v7, v6;
	_ =	sdelay $0x1  }
0x29b: {  	[tilespmem:v9+s20+$0x0] =	vst.idx.msk $0xffff, v7  }
0x29c: {  	s31 =	simm.s32 $0xD;
	v7 =	vld.idx.msk [tilespmem:v8+s20+$0x0], $0xffff  }
0x29d: {  	v9 =	vadd.s32 s31, v0  }
0x29e: {  	v9 =	vand.u32 $0x3F, v9  }
0x29f: {  	v9 =	vor.u32 v3, v9;
	_ =	sdelay $0x1  }
0x2a0: {  	v7 =	vmul.f32 v7, v6;
	_ =	sdelay $0x1  }
0x2a1: {  	[tilespmem:v8+s20+$0x0] =	vst.idx.msk $0xffff, v7  }
0x2a2: {  	s1 =	simm.s32 $0xE;
	v7 =	vld.idx.msk [tilespmem:v9+s20+$0x0], $0xffff  }
0x2a3: {  	v8 =	vadd.s32 s1, v0  }
0x2a4: {  	v8 =	vand.u32 $0x3F, v8  }
0x2a5: {  	v10 =	vor.u32 v3, v8;
	_ =	sdelay $0x1  }
0x2a6: {  	v7 =	vmul.f32 v7, v6;
	_ =	sdelay $0x1  }
0x2a7: {  	[tilespmem:v9+s20+$0x0] =	vst.idx.msk $0xffff, v7  }
0x2a8: {  	s3 =	simm.s32 $0xF;
	v7 =	vld.idx.msk [tilespmem:v10+s20+$0x0], $0xffff  }
0x2a9: {  	v8 =	vadd.s32 s3, v0  }
0x2aa: {  	v8 =	vand.u32 $0x3F, v8  }
0x2ab: {  	v8 =	vor.u32 v3, v8;
	_ =	sdelay $0x1  }
0x2ac: {  	v7 =	vmul.f32 v7, v6;
	_ =	sdelay $0x1  }
0x2ad: {  	[tilespmem:v10+s20+$0x0] =	vst.idx.msk $0xffff, v7  }
0x2ae: {  	v9 =	vld.idx.msk [tilespmem:v8+s20+$0x0], $0xffff;
	_ =	sdelay $0x1  }
0x2af: {  	s31 =	simm.s32 $0x10  }
0x2b0: {  	v7 =	vor.u32 s31, v5;
	_ =	sdelay $0x1  }
0x2b1: {  	s0 =	simm.s32 $0x2F;
	s30 =	simm.s32 $0x1F;
	v9 =	vmul.f32 v9, v6  }
.LBB2_13:
0x2b2: {  	_ = 	snop  }
0x2b3: {  	p1 =	sne.s32 s0, $0x3F;
	s3 =	smov.u32 s0;
	s0 =	sadd.s32 $0x10, s0;
	[tilespmem:v8+s20+$0x0] =	vst.idx.msk $0xffff, v9  }
0x2b4: {  	v8 =	vld.idx.msk [tilespmem:v7+s20+$0x0], $0xffff  }
0x2b5: {  	s1 =	sadd.s32 $0xFFFFFFF2, s30  }
0x2b6: {  	v9 =	vadd.s32 s1, v0  }
0x2b7: {  	v9 =	vand.u32 $0x3F, v9  }
0x2b8: {  	v9 =	vor.u32 v3, v9;
	_ =	sdelay $0x1  }
0x2b9: {  	v8 =	vmul.f32 v8, v6;
	_ =	sdelay $0x1  }
0x2ba: {  	[tilespmem:v7+s20+$0x0] =	vst.idx.msk $0xffff, v8  }
0x2bb: {  	v7 =	vld.idx.msk [tilespmem:v9+s20+$0x0], $0xffff  }
0x2bc: {  	s1 =	sadd.s32 $0xFFFFFFF3, s30  }
0x2bd: {  	v8 =	vadd.s32 s1, v0  }
0x2be: {  	v8 =	vand.u32 $0x3F, v8  }
0x2bf: {  	v8 =	vor.u32 v3, v8;
	_ =	sdelay $0x1  }
0x2c0: {  	v7 =	vmul.f32 v7, v6;
	_ =	sdelay $0x1  }
0x2c1: {  	[tilespmem:v9+s20+$0x0] =	vst.idx.msk $0xffff, v7  }
0x2c2: {  	v7 =	vld.idx.msk [tilespmem:v8+s20+$0x0], $0xffff  }
0x2c3: {  	s1 =	sadd.s32 $0xFFFFFFF4, s30  }
0x2c4: {  	v9 =	vadd.s32 s1, v0  }
0x2c5: {  	v9 =	vand.u32 $0x3F, v9  }
0x2c6: {  	v9 =	vor.u32 v3, v9;
	_ =	sdelay $0x1  }
0x2c7: {  	v7 =	vmul.f32 v7, v6;
	_ =	sdelay $0x1  }
0x2c8: {  	[tilespmem:v8+s20+$0x0] =	vst.idx.msk $0xffff, v7  }
0x2c9: {  	v7 =	vld.idx.msk [tilespmem:v9+s20+$0x0], $0xffff  }
0x2ca: {  	s1 =	sadd.s32 $0xFFFFFFF5, s30  }
0x2cb: {  	v8 =	vadd.s32 s1, v0  }
0x2cc: {  	v8 =	vand.u32 $0x3F, v8  }
0x2cd: {  	v8 =	vor.u32 v3, v8;
	_ =	sdelay $0x1  }
0x2ce: {  	v7 =	vmul.f32 v7, v6;
	_ =	sdelay $0x1  }
0x2cf: {  	[tilespmem:v9+s20+$0x0] =	vst.idx.msk $0xffff, v7  }
0x2d0: {  	v7 =	vld.idx.msk [tilespmem:v8+s20+$0x0], $0xffff  }
0x2d1: {  	s1 =	sadd.s32 $0xFFFFFFF6, s30  }
0x2d2: {  	v9 =	vadd.s32 s1, v0  }
0x2d3: {  	v9 =	vand.u32 $0x3F, v9  }
0x2d4: {  	v9 =	vor.u32 v3, v9;
	_ =	sdelay $0x1  }
0x2d5: {  	v7 =	vmul.f32 v7, v6;
	_ =	sdelay $0x1  }
0x2d6: {  	[tilespmem:v8+s20+$0x0] =	vst.idx.msk $0xffff, v7  }
0x2d7: {  	v7 =	vld.idx.msk [tilespmem:v9+s20+$0x0], $0xffff  }
0x2d8: {  	s1 =	sadd.s32 $0xFFFFFFF7, s30  }
0x2d9: {  	v8 =	vadd.s32 s1, v0  }
0x2da: {  	v8 =	vand.u32 $0x3F, v8  }
0x2db: {  	v8 =	vor.u32 v3, v8;
	_ =	sdelay $0x1  }
0x2dc: {  	v7 =	vmul.f32 v7, v6;
	_ =	sdelay $0x1  }
0x2dd: {  	[tilespmem:v9+s20+$0x0] =	vst.idx.msk $0xffff, v7  }
0x2de: {  	v7 =	vld.idx.msk [tilespmem:v8+s20+$0x0], $0xffff  }
0x2df: {  	s1 =	sadd.s32 $0xFFFFFFF8, s30  }
0x2e0: {  	v9 =	vadd.s32 s1, v0  }
0x2e1: {  	v9 =	vand.u32 $0x3F, v9  }
0x2e2: {  	v9 =	vor.u32 v3, v9;
	_ =	sdelay $0x1  }
0x2e3: {  	v7 =	vmul.f32 v7, v6;
	_ =	sdelay $0x1  }
0x2e4: {  	[tilespmem:v8+s20+$0x0] =	vst.idx.msk $0xffff, v7  }
0x2e5: {  	v7 =	vld.idx.msk [tilespmem:v9+s20+$0x0], $0xffff  }
0x2e6: {  	s1 =	sadd.s32 $0xFFFFFFF9, s30  }
0x2e7: {  	v8 =	vadd.s32 s1, v0  }
0x2e8: {  	v8 =	vand.u32 $0x3F, v8  }
0x2e9: {  	v8 =	vor.u32 v3, v8;
	_ =	sdelay $0x1  }
0x2ea: {  	v7 =	vmul.f32 v7, v6;
	_ =	sdelay $0x1  }
0x2eb: {  	[tilespmem:v9+s20+$0x0] =	vst.idx.msk $0xffff, v7  }
0x2ec: {  	v7 =	vld.idx.msk [tilespmem:v8+s20+$0x0], $0xffff  }
0x2ed: {  	s1 =	sadd.s32 $0xFFFFFFFA, s30  }
0x2ee: {  	v9 =	vadd.s32 s1, v0  }
0x2ef: {  	v9 =	vand.u32 $0x3F, v9  }
0x2f0: {  	v9 =	vor.u32 v3, v9;
	_ =	sdelay $0x1  }
0x2f1: {  	v7 =	vmul.f32 v7, v6;
	_ =	sdelay $0x1  }
0x2f2: {  	[tilespmem:v8+s20+$0x0] =	vst.idx.msk $0xffff, v7  }
0x2f3: {  	v7 =	vld.idx.msk [tilespmem:v9+s20+$0x0], $0xffff  }
0x2f4: {  	s1 =	sadd.s32 $0xFFFFFFFB, s30  }
0x2f5: {  	v8 =	vadd.s32 s1, v0  }
0x2f6: {  	v8 =	vand.u32 $0x3F, v8  }
0x2f7: {  	v8 =	vor.u32 v3, v8;
	_ =	sdelay $0x1  }
0x2f8: {  	v7 =	vmul.f32 v7, v6;
	_ =	sdelay $0x1  }
0x2f9: {  	[tilespmem:v9+s20+$0x0] =	vst.idx.msk $0xffff, v7  }
0x2fa: {  	v7 =	vld.idx.msk [tilespmem:v8+s20+$0x0], $0xffff  }
0x2fb: {  	s1 =	sadd.s32 $0xFFFFFFFC, s30  }
0x2fc: {  	v9 =	vadd.s32 s1, v0  }
0x2fd: {  	v9 =	vand.u32 $0x3F, v9  }
0x2fe: {  	v9 =	vor.u32 v3, v9;
	_ =	sdelay $0x1  }
0x2ff: {  	v7 =	vmul.f32 v7, v6;
	_ =	sdelay $0x1  }
0x300: {  	[tilespmem:v8+s20+$0x0] =	vst.idx.msk $0xffff, v7  }
0x301: {  	v7 =	vld.idx.msk [tilespmem:v9+s20+$0x0], $0xffff  }
0x302: {  	s1 =	sadd.s32 $0xFFFFFFFD, s30  }
0x303: {  	v8 =	vadd.s32 s1, v0  }
0x304: {  	v8 =	vand.u32 $0x3F, v8  }
0x305: {  	v8 =	vor.u32 v3, v8;
	_ =	sdelay $0x1  }
0x306: {  	v7 =	vmul.f32 v7, v6;
	_ =	sdelay $0x1  }
0x307: {  	[tilespmem:v9+s20+$0x0] =	vst.idx.msk $0xffff, v7  }
0x308: {  	v7 =	vld.idx.msk [tilespmem:v8+s20+$0x0], $0xffff  }
0x309: {  	s1 =	sadd.s32 $0xFFFFFFFE, s30  }
0x30a: {  	v9 =	vadd.s32 s1, v0  }
0x30b: {  	v9 =	vand.u32 $0x3F, v9  }
0x30c: {  	v9 =	vor.u32 v3, v9;
	_ =	sdelay $0x1  }
0x30d: {  	v7 =	vmul.f32 v7, v6;
	_ =	sdelay $0x1  }
0x30e: {  	[tilespmem:v8+s20+$0x0] =	vst.idx.msk $0xffff, v7  }
0x30f: {  	v7 =	vld.idx.msk [tilespmem:v9+s20+$0x0], $0xffff  }
0x310: {  	s1 =	sadd.s32 $0xFFFFFFFF, s30  }
0x311: {  	v8 =	vadd.s32 s1, v0  }
0x312: {  	v8 =	vand.u32 $0x3F, v8  }
0x313: {  	v10 =	vor.u32 v3, v8;
	_ =	sdelay $0x1  }
0x314: {  	v7 =	vmul.f32 v7, v6;
	_ =	sdelay $0x1  }
0x315: {  	[tilespmem:v9+s20+$0x0] =	vst.idx.msk $0xffff, v7  }
0x316: {  	v7 =	vld.idx.msk [tilespmem:v10+s20+$0x0], $0xffff;
	_ =	sdelay $0x1  }
0x317: {  	v8 =	vadd.s32 s30, v0;
	s30 =	smov.u32 s3  }
0x318: {  	v8 =	vand.u32 $0x3F, v8  }
0x319: {  	v8 =	vor.u32 v3, v8;
	_ =	sdelay $0x1  }
0x31a: {  	v7 =	vmul.f32 v7, v6;
	_ =	sdelay $0x1  }
0x31b: {  	[tilespmem:v10+s20+$0x0] =	vst.idx.msk $0xffff, v7  }
0x31c: {  	v9 =	vld.idx.msk [tilespmem:v8+s20+$0x0], $0xffff;
	_ =	sdelay $0x1  }
.Ltmp4:
0x31d: {  	(pc) =	sbr.rel @p1 .LBB2_13-.Ltmp4, $3  }
0x31e: {  	s1 =	sadd.s32 $0xFFFFFFF1, s30  }
0x31f: {  	v7 =	vor.u32 s1, v5;
	_ =	sdelay $0x1  }
0x320: {  	v9 =	vmul.f32 v9, v6  }
0x321: {  	_ =	sdelay $0x3  }
0x322: {  	[tilespmem:v8+s20+$0x0] =	vst.idx.msk $0xffff, v9  }
0x323: {  	s0 =	sadd.s32 $0xFFFFFFF2, s30;
	v5 =	vld.idx.msk [tilespmem:v7+s20+$0x0], $0xffff  }
0x324: {  	v49 =	vadd.s32 s0, v0  }
0x325: {  	v8 =	vand.u32 $0x3F, v49  }
0x326: {  	v8 =	vor.u32 v3, v8;
	_ =	sdelay $0x1  }
0x327: {  	v5 =	vmul.f32 v5, v6;
	_ =	sdelay $0x1  }
0x328: {  	[tilespmem:v7+s20+$0x0] =	vst.idx.msk $0xffff, v5  }
0x329: {  	s31 =	sadd.s32 $0xFFFFFFF3, s30;
	v5 =	vld.idx.msk [tilespmem:v8+s20+$0x0], $0xffff  }
0x32a: {  	v50 =	vadd.s32 s31, v0  }
0x32b: {  	v7 =	vand.u32 $0x3F, v50  }
0x32c: {  	v7 =	vor.u32 v3, v7;
	_ =	sdelay $0x1  }
0x32d: {  	v5 =	vmul.f32 v5, v6;
	_ =	sdelay $0x1  }
0x32e: {  	[tilespmem:v8+s20+$0x0] =	vst.idx.msk $0xffff, v5  }
0x32f: {  	s1 =	sadd.s32 $0xFFFFFFF4, s30;
	v5 =	vld.idx.msk [tilespmem:v7+s20+$0x0], $0xffff  }
0x330: {  	v51 =	vadd.s32 s1, v0  }
0x331: {  	v8 =	vand.u32 $0x3F, v51  }
0x332: {  	v8 =	vor.u32 v3, v8;
	_ =	sdelay $0x1  }
0x333: {  	v5 =	vmul.f32 v5, v6;
	_ =	sdelay $0x1  }
0x334: {  	[tilespmem:v7+s20+$0x0] =	vst.idx.msk $0xffff, v5  }
0x335: {  	s3 =	sadd.s32 $0xFFFFFFF5, s30;
	v5 =	vld.idx.msk [tilespmem:v8+s20+$0x0], $0xffff  }
0x336: {  	v52 =	vadd.s32 s3, v0  }
0x337: {  	v7 =	vand.u32 $0x3F, v52  }
0x338: {  	v7 =	vor.u32 v3, v7;
	_ =	sdelay $0x1  }
0x339: {  	v5 =	vmul.f32 v5, v6;
	_ =	sdelay $0x1  }
0x33a: {  	[tilespmem:v8+s20+$0x0] =	vst.idx.msk $0xffff, v5  }
0x33b: {  	s31 =	sadd.s32 $0xFFFFFFF6, s30;
	v5 =	vld.idx.msk [tilespmem:v7+s20+$0x0], $0xffff  }
0x33c: {  	v53 =	vadd.s32 s31, v0  }
0x33d: {  	v8 =	vand.u32 $0x3F, v53  }
0x33e: {  	v8 =	vor.u32 v3, v8;
	_ =	sdelay $0x1  }
0x33f: {  	v5 =	vmul.f32 v5, v6;
	_ =	sdelay $0x1  }
0x340: {  	[tilespmem:v7+s20+$0x0] =	vst.idx.msk $0xffff, v5  }
0x341: {  	s1 =	sadd.s32 $0xFFFFFFF7, s30;
	v5 =	vld.idx.msk [tilespmem:v8+s20+$0x0], $0xffff  }
0x342: {  	v54 =	vadd.s32 s1, v0  }
0x343: {  	v7 =	vand.u32 $0x3F, v54  }
0x344: {  	v7 =	vor.u32 v3, v7;
	_ =	sdelay $0x1  }
0x345: {  	v5 =	vmul.f32 v5, v6;
	_ =	sdelay $0x1  }
0x346: {  	[tilespmem:v8+s20+$0x0] =	vst.idx.msk $0xffff, v5  }
0x347: {  	s3 =	sadd.s32 $0xFFFFFFF8, s30;
	v5 =	vld.idx.msk [tilespmem:v7+s20+$0x0], $0xffff  }
0x348: {  	v55 =	vadd.s32 s3, v0  }
0x349: {  	v8 =	vand.u32 $0x3F, v55  }
0x34a: {  	v8 =	vor.u32 v3, v8;
	_ =	sdelay $0x1  }
0x34b: {  	v5 =	vmul.f32 v5, v6;
	_ =	sdelay $0x1  }
0x34c: {  	[tilespmem:v7+s20+$0x0] =	vst.idx.msk $0xffff, v5  }
0x34d: {  	s31 =	sadd.s32 $0xFFFFFFF9, s30;
	v5 =	vld.idx.msk [tilespmem:v8+s20+$0x0], $0xffff  }
0x34e: {  	v56 =	vadd.s32 s31, v0  }
0x34f: {  	v7 =	vand.u32 $0x3F, v56  }
0x350: {  	v7 =	vor.u32 v3, v7;
	_ =	sdelay $0x1  }
0x351: {  	v5 =	vmul.f32 v5, v6;
	_ =	sdelay $0x1  }
0x352: {  	[tilespmem:v8+s20+$0x0] =	vst.idx.msk $0xffff, v5  }
0x353: {  	s1 =	sadd.s32 $0xFFFFFFFA, s30;
	v5 =	vld.idx.msk [tilespmem:v7+s20+$0x0], $0xffff  }
0x354: {  	v57 =	vadd.s32 s1, v0  }
0x355: {  	v8 =	vand.u32 $0x3F, v57  }
0x356: {  	v8 =	vor.u32 v3, v8;
	_ =	sdelay $0x1  }
0x357: {  	v5 =	vmul.f32 v5, v6;
	_ =	sdelay $0x1  }
0x358: {  	[tilespmem:v7+s20+$0x0] =	vst.idx.msk $0xffff, v5  }
0x359: {  	s3 =	sadd.s32 $0xFFFFFFFB, s30;
	v5 =	vld.idx.msk [tilespmem:v8+s20+$0x0], $0xffff  }
0x35a: {  	v58 =	vadd.s32 s3, v0  }
0x35b: {  	v7 =	vand.u32 $0x3F, v58  }
0x35c: {  	v7 =	vor.u32 v3, v7;
	_ =	sdelay $0x1  }
0x35d: {  	v5 =	vmul.f32 v5, v6;
	_ =	sdelay $0x1  }
0x35e: {  	[tilespmem:v8+s20+$0x0] =	vst.idx.msk $0xffff, v5  }
0x35f: {  	s31 =	sadd.s32 $0xFFFFFFFC, s30;
	v5 =	vld.idx.msk [tilespmem:v7+s20+$0x0], $0xffff  }
0x360: {  	v59 =	vadd.s32 s31, v0  }
0x361: {  	v8 =	vand.u32 $0x3F, v59  }
0x362: {  	v8 =	vor.u32 v3, v8;
	_ =	sdelay $0x1  }
0x363: {  	v5 =	vmul.f32 v5, v6;
	_ =	sdelay $0x1  }
0x364: {  	[tilespmem:v7+s20+$0x0] =	vst.idx.msk $0xffff, v5  }
0x365: {  	s1 =	sadd.s32 $0xFFFFFFFD, s30;
	v5 =	vld.idx.msk [tilespmem:v8+s20+$0x0], $0xffff  }
0x366: {  	v60 =	vadd.s32 s1, v0  }
0x367: {  	v7 =	vand.u32 $0x3F, v60  }
0x368: {  	v7 =	vor.u32 v3, v7;
	_ =	sdelay $0x1  }
0x369: {  	v5 =	vmul.f32 v5, v6;
	_ =	sdelay $0x1  }
0x36a: {  	[tilespmem:v8+s20+$0x0] =	vst.idx.msk $0xffff, v5  }
0x36b: {  	s3 =	sadd.s32 $0xFFFFFFFE, s30;
	v5 =	vld.idx.msk [tilespmem:v7+s20+$0x0], $0xffff  }
0x36c: {  	v61 =	vadd.s32 s3, v0  }
0x36d: {  	v8 =	vand.u32 $0x3F, v61  }
0x36e: {  	v8 =	vor.u32 v3, v8;
	_ =	sdelay $0x1  }
0x36f: {  	v5 =	vmul.f32 v5, v6;
	_ =	sdelay $0x1  }
0x370: {  	[tilespmem:v7+s20+$0x0] =	vst.idx.msk $0xffff, v5  }
0x371: {  	s31 =	sadd.s32 $0xFFFFFFFF, s30;
	v5 =	vld.idx.msk [tilespmem:v8+s20+$0x0], $0xffff  }
0x372: {  	v62 =	vadd.s32 s31, v0  }
0x373: {  	v7 =	vand.u32 $0x3F, v62  }
0x374: {  	v7 =	vor.u32 v3, v7;
	_ =	sdelay $0x1  }
0x375: {  	v5 =	vmul.f32 v5, v6;
	_ =	sdelay $0x1  }
0x376: {  	[tilespmem:v8+s20+$0x0] =	vst.idx.msk $0xffff, v5  }
0x377: {  	v5 =	vld.idx.msk [tilespmem:v7+s20+$0x0], $0xffff  }
0x378: {  	v63 =	vadd.s32 s30, v0  }
0x379: {  	v8 =	vand.u32 $0x3F, v63  }
0x37a: {  	v3 =	vor.u32 v3, v8;
	_ =	sdelay $0x1  }
0x37b: {  	v5 =	vmul.f32 v5, v6;
	_ =	sdelay $0x1  }
0x37c: {  	[tilespmem:v7+s20+$0x0] =	vst.idx.msk $0xffff, v5  }
0x37d: {  	v5 =	vld.idx.msk [tilespmem:v3+s20+$0x0], $0xffff;
	_ =	sdelay $0x1  }
0x37e: {  	s29 =	sadd.s32 $0x1, s29  }
0x37f: {  	p1 =	sne.s32 s29, $0x5  }
.Ltmp5:
0x380: {  	_ = 	snop;
	(pc) =	sbr.rel @p1 .LBB2_10-.Ltmp5, $3  }
0x381: {  	v5 =	vmul.f32 v5, v6;
	_ =	sdelay $0x1  }
0x382: {  	[tilespmem:v3+s20+$0x0] =	vst.idx.msk $0xffff, v5  }
0x383: {  	[tilespmem:v4+s20+$0x0] =	vst.idx.msk $0xffff, v6  }
0x384: {  	s26 =	sadd.s32 $0x1, s26  }
0x385: {  	p1 =	sne.s32 s26, $0xC  }
.Ltmp6:
0x386: {  	_ = 	snop;
	(pc) =	sbr.rel @p1 .LBB2_3-.Ltmp6, $4  }
0x387: {  	[spmem:s2] =	stream.indirect.scatter.add.f32 [tilespmem:s20], [sflag:$0x5], $0x80, s28, s15, $0xb8;
	[tilespmem:$0x1F880] =	vst v63  }
0x388: {  	_ =	swait.ge [sflag:s13], $0x2800  }
0x389: {  	[sflag:s13] =	ssyncset.done $0x0  }
0x38a: {  	[sflag:s13] =	ssyncadd.s32 $0xFFFFD800  }
0x38b: {  	_ =	swait.ge [sflag:s18], $0x2800  }
0x38c: {  	[sflag:s18] =	ssyncset.done $0x0  }
0x38d: {  	[sflag:s18] =	ssyncadd.s32 $0xFFFFD800  }
0x38e: {  	_ =	swait.ge [sflag:s19], $0x2800  }
0x38f: {  	[sflag:s19] =	ssyncset.done $0x0  }
0x390: {  	s26 =	simm.s32 $0x0;
	[sflag:s19] =	ssyncadd.s32 $0xFFFFD800  }
.LBB2_17:
0x391: {  	s0 =	sshll.u32 s26, $0x4  }
0x392: {  	s1 =	simm.s32 $0x1;
	v3 =	vmov s0  }
0x393: {  	v4 =	vadd.s32 s1, v0;
	v3 =	vshll.u32 v3, $0x7  }
0x394: {  	v9 =	vand.u32 $0x3F, v4;
	v3 =	vor.u32 v1, v3  }
0x395: {  	s30 =	simm.s32 $0x0;
	v5 =	vor.u32 v0, v3;
	v11 =	vor.u32 v3, v9  }
0x396: {  	s31 =	simm.s32 $0x2;
	v6 =	vor.u32 v2, v3;
	v7 =	vor.u32 s30, v5  }
0x397: {  	s3 =	simm.s32 $0x3;
	v10 =	vadd.s32 s31, v0;
	v4 =	vor.u32 $0x40, v3;
	v8 =	vor.u32 s30, v6  }
0x398: {  	v12 =	vadd.s32 s3, v0;
	v10 =	vand.u32 $0x3F, v10;
	v9 =	vor.u32 v9, v4  }
0x399: {  	v12 =	vand.u32 $0x3F, v12;
	v13 =	vor.u32 v3, v10  }
0x39a: {  	s29 =	simm.s32 $0x4;
	v15 =	vor.u32 v3, v12;
	v11 =	vld.idx.msk [tilespmem:v11+s17+$0x0], $0xffff  }
0x39b: {  	v14 =	vadd.s32 s29, v0;
	v10 =	vor.u32 v10, v4;
	v7 =	vld.idx.msk [tilespmem:v7+s17+$0x0], $0xffff  }
0x39c: {  	v14 =	vand.u32 $0x3F, v14;
	s30 =	simm.s32 $0x5;
	v12 =	vor.u32 v12, v4;
	v8 =	vld.idx.msk [tilespmem:v8+s16+$0x0], $0xffff  }
0x39d: {  	v17 =	vor.u32 v3, v14;
	v14 =	vor.u32 v14, v4;
	v16 =	vadd.s32 s30, v0;
	v9 =	vld.idx.msk [tilespmem:v9+s16+$0x0], $0xffff  }
0x39e: {  	s31 =	simm.s32 $0x6;
	v16 =	vand.u32 $0x3F, v16;
	v13 =	vld.idx.msk [tilespmem:v13+s17+$0x0], $0xffff  }
0x39f: {  	s1 =	simm.s32 $0x7;
	v18 =	vadd.s32 s31, v0;
	v19 =	vor.u32 v3, v16;
	v15 =	vld.idx.msk [tilespmem:v15+s17+$0x0], $0xffff  }
0x3a0: {  	v21 =	vadd.s32 s1, v0;
	v18 =	vand.u32 $0x3F, v18;
	v16 =	vor.u32 v16, v4;
	v10 =	vld.idx.msk [tilespmem:v10+s16+$0x0], $0xffff  }
0x3a1: {  	v21 =	vand.u32 $0x3F, v21;
	v7 =	vmul.f32 v8, v7;
	v8 =	vld.idx.msk [tilespmem:v12+s16+$0x0], $0xffff;
	v12 =	vor.u32 v3, v18  }
0x3a2: {  	v20 =	vimm.f32 $0.0e+00;
	s3 =	simm.s32 $0x8;
	v9 =	vmul.f32 v9, v11;
	v11 =	vld.idx.msk [tilespmem:v14+s16+$0x0], $0xffff;
	v14 =	vor.u32 v3, v21  }
0x3a3: {  	s29 =	simm.s32 $0x9;
	v22 =	vadd.s32 s3, v0;
	v17 =	vld.idx.msk [tilespmem:v17+s17+$0x0], $0xffff;
	v18 =	vor.u32 v18, v4;
	v7 =	vadd.f32 v7, v20  }
0x3a4: {  	v19 =	vld.idx.msk [tilespmem:v19+s17+$0x0], $0xffff;
	v20 =	vor.u32 v21, v4;
	v21 =	vand.u32 $0x3F, v22;
	v22 =	vadd.s32 s29, v0  }
0x3a5: {  	s30 =	simm.s32 $0xA;
	v7 =	vadd.f32 v9, v7;
	v9 =	vmul.f32 v10, v13;
	v10 =	vld.idx.msk [tilespmem:v16+s16+$0x0], $0xffff;
	v13 =	vor.u32 v3, v21  }
0x3a6: {  	v16 =	vor.u32 v21, v4;
	v21 =	vand.u32 $0x3F, v22;
	v22 =	vadd.s32 s30, v0;
	v12 =	vld.idx.msk [tilespmem:v12+s17+$0x0], $0xffff  }
0x3a7: {  	s31 =	simm.s32 $0xB;
	v8 =	vmul.f32 v8, v15;
	v15 =	vor.u32 v3, v21;
	v14 =	vld.idx.msk [tilespmem:v14+s17+$0x0], $0xffff;
	v7 =	vadd.f32 v9, v7  }
0x3a8: {  	v9 =	vld.idx.msk [tilespmem:v18+s16+$0x0], $0xffff;
	v18 =	vor.u32 v21, v4;
	v21 =	vand.u32 $0x3F, v22;
	v22 =	vadd.s32 s31, v0  }
0x3a9: {  	s1 =	simm.s32 $0xC;
	v7 =	vadd.f32 v8, v7;
	v8 =	vmul.f32 v11, v17;
	v11 =	vld.idx.msk [tilespmem:v20+s16+$0x0], $0xffff;
	v17 =	vor.u32 v3, v21  }
0x3aa: {  	v20 =	vor.u32 v21, v4;
	v21 =	vand.u32 $0x3F, v22;
	v22 =	vadd.s32 s1, v0;
	v13 =	vld.idx.msk [tilespmem:v13+s17+$0x0], $0xffff  }
0x3ab: {  	s3 =	simm.s32 $0xD;
	v7 =	vadd.f32 v8, v7;
	v8 =	vmul.f32 v10, v19;
	v10 =	vld.idx.msk [tilespmem:v16+s16+$0x0], $0xffff;
	v16 =	vor.u32 v3, v21  }
0x3ac: {  	v15 =	vld.idx.msk [tilespmem:v15+s17+$0x0], $0xffff;
	v19 =	vor.u32 v21, v4;
	v21 =	vand.u32 $0x3F, v22;
	v22 =	vadd.s32 s3, v0  }
0x3ad: {  	v7 =	vadd.f32 v8, v7;
	v8 =	vmul.f32 v9, v12;
	v9 =	vld.idx.msk [tilespmem:v18+s16+$0x0], $0xffff;
	v18 =	vor.u32 v3, v21  }
0x3ae: {  	s29 =	simm.s32 $0xE;
	v21 =	vor.u32 v21, v4;
	v12 =	vand.u32 $0x3F, v22;
	v23 =	vld.idx.msk [tilespmem:v17+s17+$0x0], $0xffff;
	v11 =	vmul.f32 v11, v14  }
0x3af: {  	v20 =	vld.idx.msk [tilespmem:v20+s16+$0x0], $0xffff;
	v22 =	vor.u32 v3, v12;
	v14 =	vadd.s32 s29, v0;
	v8 =	vadd.f32 v8, v7  }
0x3b0: {  	s30 =	simm.s32 $0xF;
	v24 =	vor.u32 v12, v4;
	v14 =	vand.u32 $0x3F, v14;
	v7 =	vld.idx.msk [tilespmem:v16+s17+$0x0], $0xffff;
	v10 =	vmul.f32 v10, v13  }
0x3b1: {  	v12 =	vld.idx.msk [tilespmem:v19+s16+$0x0], $0xffff;
	v13 =	vadd.s32 s30, v0;
	v17 =	vor.u32 v3, v14;
	v11 =	vadd.f32 v11, v8  }
0x3b2: {  	v14 =	vor.u32 v14, v4;
	v13 =	vand.u32 $0x3F, v13;
	v8 =	vld.idx.msk [tilespmem:v18+s17+$0x0], $0xffff  }
0x3b3: {  	s31 =	simm.s32 $0x11;
	v25 =	vmul.f32 v9, v15;
	v16 =	vor.u32 v3, v13;
	v18 =	vadd.f32 v10, v11;
	v11 =	vld.idx.msk [tilespmem:v21+s16+$0x0], $0xffff  }
0x3b4: {  	s3 =	simm.s32 $0x10;
	v19 =	vadd.s32 s31, v0;
	v15 =	vor.u32 v13, v4;
	v9 =	vld.idx.msk [tilespmem:v22+s17+$0x0], $0xffff  }
0x3b5: {  	s28 =	simm.s32 $0x1F;
	s0 =	simm.s32 $0x2F;
	s1 =	simm.s32 $0x12;
	v10 =	vor.u32 s3, v5;
	v20 =	vmul.f32 v20, v23;
	v13 =	vld.idx.msk [tilespmem:v24+s16+$0x0], $0xffff;
	v18 =	vadd.f32 v25, v18  }
.LBB2_18:
0x3b6: {  	p1 =	sne.s32 s0, $0x3F;
	v21 =	vor.u32 s3, v6;
	v19 =	vand.u32 $0x3F, v19;
	v22 =	vadd.s32 s1, v0;
	v17 =	vld.idx.msk [tilespmem:v17+s17+$0x0], $0xffff  }
0x3b7: {  	s1 =	sadd.s32 $0xFFFFFFF4, s28;
	v7 =	vmul.f32 v12, v7;
	v23 =	vor.u32 v3, v19;
	v18 =	vadd.f32 v20, v18;
	v12 =	vld.idx.msk [tilespmem:v14+s16+$0x0], $0xffff  }
0x3b8: {  	v14 =	vor.u32 v19, v4;
	v19 =	vand.u32 $0x3F, v22;
	v20 =	vadd.s32 s1, v0;
	v16 =	vld.idx.msk [tilespmem:v16+s17+$0x0], $0xffff  }
0x3b9: {  	s1 =	sadd.s32 $0xFFFFFFF5, s28;
	v22 =	vor.u32 v3, v19;
	v8 =	vmul.f32 v11, v8;
	v7 =	vadd.f32 v7, v18;
	v11 =	vld.idx.msk [tilespmem:v15+s16+$0x0], $0xffff  }
0x3ba: {  	v15 =	vor.u32 v19, v4;
	v18 =	vand.u32 $0x3F, v20;
	v19 =	vadd.s32 s1, v0;
	v10 =	vld.idx.msk [tilespmem:v10+s17+$0x0], $0xffff  }
0x3bb: {  	s1 =	sadd.s32 $0xFFFFFFF6, s28;
	v20 =	vld.idx.msk [tilespmem:v21+s16+$0x0], $0xffff;
	v21 =	vor.u32 v3, v18;
	v7 =	vadd.f32 v8, v7;
	v8 =	vmul.f32 v13, v9  }
0x3bc: {  	v13 =	vor.u32 v18, v4;
	v18 =	vand.u32 $0x3F, v19;
	v19 =	vadd.s32 s1, v0;
	v9 =	vld.idx.msk [tilespmem:v23+s17+$0x0], $0xffff  }
0x3bd: {  	s1 =	sadd.s32 $0xFFFFFFF7, s28;
	v23 =	vor.u32 v3, v18;
	v14 =	vld.idx.msk [tilespmem:v14+s16+$0x0], $0xffff;
	v7 =	vadd.f32 v8, v7;
	v8 =	vmul.f32 v12, v17  }
0x3be: {  	v17 =	vor.u32 v18, v4;
	v18 =	vand.u32 $0x3F, v19;
	v19 =	vadd.s32 s1, v0;
	v12 =	vld.idx.msk [tilespmem:v22+s17+$0x0], $0xffff  }
0x3bf: {  	s1 =	sadd.s32 $0xFFFFFFF8, s28;
	v22 =	vor.u32 v3, v18;
	v15 =	vld.idx.msk [tilespmem:v15+s16+$0x0], $0xffff;
	v7 =	vadd.f32 v8, v7;
	v8 =	vmul.f32 v11, v16  }
0x3c0: {  	v16 =	vor.u32 v18, v4;
	v18 =	vand.u32 $0x3F, v19;
	v19 =	vadd.s32 s1, v0;
	v11 =	vld.idx.msk [tilespmem:v21+s17+$0x0], $0xffff  }
0x3c1: {  	s1 =	sadd.s32 $0xFFFFFFF9, s28;
	v10 =	vmul.f32 v20, v10;
	v20 =	vor.u32 v3, v18;
	v13 =	vld.idx.msk [tilespmem:v13+s16+$0x0], $0xffff;
	v7 =	vadd.f32 v8, v7  }
0x3c2: {  	v18 =	vor.u32 v18, v4;
	v19 =	vand.u32 $0x3F, v19;
	v21 =	vadd.s32 s1, v0;
	v8 =	vld.idx.msk [tilespmem:v23+s17+$0x0], $0xffff  }
0x3c3: {  	s1 =	sadd.s32 $0xFFFFFFFA, s28;
	v9 =	vmul.f32 v14, v9;
	v14 =	vor.u32 v3, v19;
	v7 =	vadd.f32 v10, v7;
	v10 =	vld.idx.msk [tilespmem:v17+s16+$0x0], $0xffff  }
0x3c4: {  	v21 =	vand.u32 $0x3F, v21;
	v19 =	vor.u32 v19, v4;
	v17 =	vld.idx.msk [tilespmem:v22+s17+$0x0], $0xffff;
	v22 =	vadd.s32 s1, v0  }
0x3c5: {  	s1 =	sadd.s32 $0xFFFFFFFB, s28;
	v7 =	vadd.f32 v9, v7;
	v9 =	vmul.f32 v15, v12;
	v12 =	vld.idx.msk [tilespmem:v16+s16+$0x0], $0xffff;
	v15 =	vor.u32 v3, v21  }
0x3c6: {  	v16 =	vld.idx.msk [tilespmem:v20+s17+$0x0], $0xffff;
	v20 =	vor.u32 v21, v4;
	v21 =	vand.u32 $0x3F, v22;
	v22 =	vadd.s32 s1, v0  }
0x3c7: {  	s1 =	sadd.s32 $0xFFFFFFFC, s28;
	v7 =	vadd.f32 v9, v7;
	v9 =	vmul.f32 v13, v11;
	v11 =	vld.idx.msk [tilespmem:v18+s16+$0x0], $0xffff;
	v13 =	vor.u32 v3, v21  }
0x3c8: {  	v18 =	vor.u32 v21, v4;
	v21 =	vand.u32 $0x3F, v22;
	v22 =	vadd.s32 s1, v0;
	v14 =	vld.idx.msk [tilespmem:v14+s17+$0x0], $0xffff  }
0x3c9: {  	s1 =	sadd.s32 $0xFFFFFFFD, s28;
	v8 =	vmul.f32 v10, v8;
	v10 =	vor.u32 v3, v21;
	v7 =	vadd.f32 v9, v7;
	v9 =	vld.idx.msk [tilespmem:v19+s16+$0x0], $0xffff  }
0x3ca: {  	v19 =	vor.u32 v21, v4;
	v21 =	vand.u32 $0x3F, v22;
	v22 =	vadd.s32 s1, v0;
	v15 =	vld.idx.msk [tilespmem:v15+s17+$0x0], $0xffff  }
0x3cb: {  	s1 =	sadd.s32 $0xFFFFFFFE, s28;
	v7 =	vadd.f32 v8, v7;
	v8 =	vmul.f32 v12, v17;
	v12 =	vld.idx.msk [tilespmem:v20+s16+$0x0], $0xffff;
	v17 =	vor.u32 v3, v21  }
0x3cc: {  	v20 =	vor.u32 v21, v4;
	v21 =	vand.u32 $0x3F, v22;
	v22 =	vadd.s32 s1, v0;
	v13 =	vld.idx.msk [tilespmem:v13+s17+$0x0], $0xffff  }
0x3cd: {  	s1 =	sadd.s32 $0xFFFFFFFF, s28;
	v7 =	vadd.f32 v8, v7;
	v8 =	vmul.f32 v11, v16;
	v11 =	vld.idx.msk [tilespmem:v18+s16+$0x0], $0xffff;
	v16 =	vor.u32 v3, v21  }
0x3ce: {  	v18 =	vand.u32 $0x3F, v22;
	v23 =	vld.idx.msk [tilespmem:v10+s17+$0x0], $0xffff;
	v10 =	vor.u32 v21, v4;
	v21 =	vadd.s32 s1, v0  }
0x3cf: {  	v9 =	vmul.f32 v9, v14;
	v8 =	vadd.f32 v8, v7;
	v22 =	vld.idx.msk [tilespmem:v19+s16+$0x0], $0xffff;
	v19 =	vor.u32 v3, v18  }
0x3d0: {  	v24 =	vor.u32 v18, v4;
	v14 =	vand.u32 $0x3F, v21;
	v18 =	vadd.s32 s28, v0;
	s28 =	smov.u32 s0;
	v7 =	vld.idx.msk [tilespmem:v17+s17+$0x0], $0xffff  }
.Ltmp7:
0x3d1: {  	v15 =	vmul.f32 v12, v15;
	v17 =	vor.u32 v3, v14;
	v9 =	vadd.f32 v9, v8;
	v12 =	vld.idx.msk [tilespmem:v20+s16+$0x0], $0xffff;
	(pc) =	sbr.rel @p1 .LBB2_18-.Ltmp7, $4  }
0x3d2: {  	v14 =	vor.u32 v14, v4;
	v18 =	vand.u32 $0x3F, v18;
	v8 =	vld.idx.msk [tilespmem:v16+s17+$0x0], $0xffff  }
0x3d3: {  	s3 =	sadd.s32 $0xFFFFFFF1, s0;
	v13 =	vmul.f32 v11, v13;
	v16 =	vor.u32 v3, v18;
	v20 =	vadd.f32 v15, v9;
	v11 =	vld.idx.msk [tilespmem:v10+s16+$0x0], $0xffff  }
0x3d4: {  	s1 =	sadd.s32 $0xFFFFFFF2, s0;
	v10 =	vor.u32 s3, v5;
	v15 =	vor.u32 v18, v4;
	v9 =	vld.idx.msk [tilespmem:v19+s17+$0x0], $0xffff  }
0x3d5: {  	s0 =	sadd.s32 $0x10, s0;
	v19 =	vadd.s32 s1, v0;
	s1 =	sadd.s32 $0xFFFFFFF3, s28;
	v18 =	vadd.f32 v13, v20;
	v20 =	vmul.f32 v22, v23;
	v13 =	vld.idx.msk [tilespmem:v24+s16+$0x0], $0xffff  }
0x3d6: {  	_ =	sdelay $0x2  }
0x3d7: {  	v6 =	vor.u32 s3, v6;
	v19 =	vand.u32 $0x3F, v19  }
0x3d8: {  	v17 =	vld.idx.msk [tilespmem:v17+s17+$0x0], $0xffff;
	v7 =	vmul.f32 v12, v7;
	v37 =	vadd.s32 s1, v0;
	v18 =	vadd.f32 v20, v18  }
0x3d9: {  	v14 =	vld.idx.msk [tilespmem:v14+s16+$0x0], $0xffff;
	s30 =	sadd.s32 $0xFFFFFFF6, s28;
	v38 =	vor.u32 v3, v19;
	v19 =	vor.u32 v19, v4;
	v12 =	vand.u32 $0x3F, v37  }
0x3da: {  	s0 =	sadd.s32 $0xFFFFFFF4, s28;
	v16 =	vld.idx.msk [tilespmem:v16+s17+$0x0], $0xffff;
	v41 =	vadd.s32 s30, v0;
	v8 =	vmul.f32 v11, v8;
	v7 =	vadd.f32 v7, v18  }
0x3db: {  	v15 =	vld.idx.msk [tilespmem:v15+s16+$0x0], $0xffff;
	v11 =	vadd.s32 s0, v0;
	v39 =	vor.u32 v3, v12;
	v12 =	vor.u32 v12, v4  }
0x3dc: {  	s29 =	sadd.s32 $0xFFFFFFF5, s28;
	v10 =	vld.idx.msk [tilespmem:v10+s17+$0x0], $0xffff;
	v11 =	vand.u32 $0x3F, v11;
	v7 =	vadd.f32 v8, v7;
	v8 =	vmul.f32 v13, v9  }
0x3dd: {  	v40 =	vor.u32 v3, v11;
	v11 =	vor.u32 v11, v4;
	v9 =	vadd.s32 s29, v0;
	v6 =	vld.idx.msk [tilespmem:v6+s16+$0x0], $0xffff  }
0x3de: {  	s31 =	sadd.s32 $0xFFFFFFF7, s28;
	v20 =	vld.idx.msk [tilespmem:v38+s17+$0x0], $0xffff;
	v9 =	vand.u32 $0x3F, v9;
	v7 =	vadd.f32 v8, v7;
	v8 =	vmul.f32 v14, v17  }
0x3df: {  	v44 =	vadd.s32 s31, v0;
	v42 =	vld.idx.msk [tilespmem:v19+s16+$0x0], $0xffff;
	v43 =	vor.u32 v3, v9;
	v9 =	vor.u32 v9, v4  }
0x3e0: {  	s3 =	sadd.s32 $0xFFFFFFF9, s28;
	v18 =	vld.idx.msk [tilespmem:v39+s17+$0x0], $0xffff;
	v14 =	vand.u32 $0x3F, v41;
	v7 =	vadd.f32 v8, v7;
	v8 =	vmul.f32 v15, v16  }
0x3e1: {  	v46 =	vadd.s32 s3, v0;
	v12 =	vld.idx.msk [tilespmem:v12+s16+$0x0], $0xffff;
	v45 =	vor.u32 v3, v14;
	v14 =	vor.u32 v14, v4  }
0x3e2: {  	s1 =	sadd.s32 $0xFFFFFFF8, s28;
	v13 =	vld.idx.msk [tilespmem:v40+s17+$0x0], $0xffff;
	v15 =	vand.u32 $0x3F, v44;
	v6 =	vmul.f32 v6, v10;
	v7 =	vadd.f32 v8, v7  }
0x3e3: {  	v10 =	vld.idx.msk [tilespmem:v11+s16+$0x0], $0xffff;
	v11 =	vor.u32 v3, v15;
	v15 =	vor.u32 v15, v4;
	v8 =	vadd.s32 s1, v0  }
0x3e4: {  	v19 =	vld.idx.msk [tilespmem:v43+s17+$0x0], $0xffff;
	v8 =	vand.u32 $0x3F, v8;
	v6 =	vadd.f32 v6, v7;
	v7 =	vmul.f32 v42, v20  }
0x3e5: {  	v58 =	vadd.s32 s28, v0;
	v17 =	vand.u32 $0x3F, v46;
	v9 =	vld.idx.msk [tilespmem:v9+s16+$0x0], $0xffff;
	v47 =	vor.u32 v3, v8  }
0x3e6: {  	s29 =	sadd.s32 $0xFFFFFFFA, s28;
	v8 =	vor.u32 v8, v4;
	v16 =	vld.idx.msk [tilespmem:v45+s17+$0x0], $0xffff;
	v6 =	vadd.f32 v7, v6;
	v7 =	vmul.f32 v12, v18  }
0x3e7: {  	v48 =	vadd.s32 s29, v0;
	v49 =	vor.u32 v3, v17;
	v17 =	vor.u32 v17, v4;
	v14 =	vld.idx.msk [tilespmem:v14+s16+$0x0], $0xffff  }
0x3e8: {  	s30 =	sadd.s32 $0xFFFFFFFB, s28;
	v11 =	vld.idx.msk [tilespmem:v11+s17+$0x0], $0xffff;
	v12 =	vand.u32 $0x3F, v48;
	v6 =	vadd.f32 v7, v6;
	v7 =	vmul.f32 v10, v13  }
0x3e9: {  	v50 =	vld.idx.msk [tilespmem:v15+s16+$0x0], $0xffff;
	v51 =	vor.u32 v3, v12;
	v12 =	vor.u32 v12, v4;
	v10 =	vadd.s32 s30, v0  }
0x3ea: {  	s31 =	sadd.s32 $0xFFFFFFFC, s28;
	v20 =	vld.idx.msk [tilespmem:v47+s17+$0x0], $0xffff;
	v10 =	vand.u32 $0x3F, v10;
	v6 =	vadd.f32 v7, v6;
	v7 =	vmul.f32 v9, v19  }
0x3eb: {  	v8 =	vld.idx.msk [tilespmem:v8+s16+$0x0], $0xffff;
	v9 =	vadd.s32 s31, v0;
	v52 =	vor.u32 v3, v10;
	v10 =	vor.u32 v10, v4  }
0x3ec: {  	s1 =	sadd.s32 $0xFFFFFFFD, s28;
	v54 =	vld.idx.msk [tilespmem:v17+s16+$0x0], $0xffff;
	v9 =	vand.u32 $0x3F, v9;
	v6 =	vadd.f32 v7, v6;
	v7 =	vmul.f32 v14, v16  }
0x3ed: {  	v53 =	vadd.s32 s1, v0;
	v18 =	vld.idx.msk [tilespmem:v49+s17+$0x0], $0xffff;
	v55 =	vor.u32 v3, v9;
	v9 =	vor.u32 v9, v4  }
0x3ee: {  	s3 =	sadd.s32 $0xFFFFFFFE, s28;
	v15 =	vld.idx.msk [tilespmem:v51+s17+$0x0], $0xffff;
	v14 =	vand.u32 $0x3F, v53;
	v6 =	vadd.f32 v7, v6;
	v7 =	vmul.f32 v50, v11  }
0x3ef: {  	v12 =	vld.idx.msk [tilespmem:v12+s16+$0x0], $0xffff;
	v56 =	vor.u32 v3, v14;
	v14 =	vor.u32 v14, v4;
	v11 =	vadd.s32 s3, v0  }
0x3f0: {  	s29 =	sadd.s32 $0xFFFFFFFF, s28;
	v19 =	vld.idx.msk [tilespmem:v52+s17+$0x0], $0xffff;
	v11 =	vand.u32 $0x3F, v11;
	v6 =	vadd.f32 v7, v6;
	v7 =	vmul.f32 v8, v20  }
0x3f1: {  	v10 =	vld.idx.msk [tilespmem:v10+s16+$0x0], $0xffff;
	v8 =	vadd.s32 s29, v0;
	v57 =	vor.u32 v3, v11;
	v11 =	vor.u32 v11, v4  }
0x3f2: {  	v17 =	vld.idx.msk [tilespmem:v55+s17+$0x0], $0xffff;
	v8 =	vand.u32 $0x3F, v8;
	v6 =	vadd.f32 v7, v6;
	v7 =	vmul.f32 v54, v18  }
0x3f3: {  	v16 =	vand.u32 $0x3F, v58;
	v9 =	vld.idx.msk [tilespmem:v9+s16+$0x0], $0xffff;
	v59 =	vor.u32 v3, v8  }
0x3f4: {  	v8 =	vor.u32 v8, v4;
	v13 =	vld.idx.msk [tilespmem:v56+s17+$0x0], $0xffff;
	v6 =	vadd.f32 v7, v6;
	v7 =	vmul.f32 v12, v15  }
0x3f5: {  	v61 =	vor.u32 v3, v16;
	v16 =	vor.u32 v16, v4;
	v60 =	vld.idx.msk [tilespmem:v14+s16+$0x0], $0xffff  }
0x3f6: {  	v62 =	vld.idx.msk [tilespmem:v57+s17+$0x0], $0xffff;
	v6 =	vadd.f32 v7, v6;
	v7 =	vmul.f32 v10, v19  }
0x3f7: {  	v10 =	vld.idx.msk [tilespmem:v11+s16+$0x0], $0xffff  }
0x3f8: {  	v11 =	vld.idx.msk [tilespmem:v59+s17+$0x0], $0xffff;
	v6 =	vadd.f32 v7, v6;
	v7 =	vmul.f32 v9, v17  }
0x3f9: {  	v8 =	vld.idx.msk [tilespmem:v8+s16+$0x0], $0xffff  }
0x3fa: {  	v63 =	vld.idx.msk [tilespmem:v16+s16+$0x0], $0xffff;
	v6 =	vadd.f32 v7, v6;
	v7 =	vmul.f32 v60, v13  }
0x3fb: {  	v9 =	vld.idx.msk [tilespmem:v61+s17+$0x0], $0xffff  }
0x3fc: {  	v6 =	vadd.f32 v7, v6;
	v7 =	vmul.f32 v10, v62;
	_ =	sdelay $0x1  }
0x3fd: {  	v6 =	vadd.f32 v7, v6;
	v7 =	vmul.f32 v8, v11;
	_ =	sdelay $0x1  }
0x3fe: {  	v6 =	vadd.f32 v7, v6;
	v7 =	vmul.f32 v63, v9;
	_ =	sdelay $0x1  }
0x3ff: {  	v6 =	vadd.f32 v7, v6;
	_ =	sdelay $0x1  }
0x400: {  	v6 =	vmul.f32 $1.442695020e+00, v6  }
0x401: {  	s30 =	simm.s32 $0x0  }
0x402: {  	v7 =	vor.u32 s30, v5;
	(erf) = vpow2.f32 v6;
	_ =	sdelay $0x3  }
0x403: {  	s31 =	simm.s32 $0x1  }
0x404: {  	v6 =	vadd.s32 s31, v0;
	v8 =	vld.idx.msk [tilespmem:v7+s16+$0x0], $0xffff  }
0x405: {  	v6 =	vand.u32 $0x3F, v6;
	_ =	sdelay $0x1  }
0x406: {  	v9 =	vor.u32 v3, v6  }
0x407: {  	v6 =	vpop (erf)  }
0x408: {  	v8 =	vmul.f32 v8, v6;
	_ =	sdelay $0x1  }
0x409: {  	[tilespmem:v7+s16+$0x0] =	vst.idx.msk $0xffff, v8  }
0x40a: {  	s1 =	simm.s32 $0x2;
	v7 =	vld.idx.msk [tilespmem:v9+s16+$0x0], $0xffff  }
0x40b: {  	v8 =	vadd.s32 s1, v0  }
0x40c: {  	v8 =	vand.u32 $0x3F, v8  }
0x40d: {  	v8 =	vor.u32 v3, v8;
	_ =	sdelay $0x1  }
0x40e: {  	v7 =	vmul.f32 v7, v6;
	_ =	sdelay $0x1  }
0x40f: {  	[tilespmem:v9+s16+$0x0] =	vst.idx.msk $0xffff, v7  }
0x410: {  	s3 =	simm.s32 $0x3;
	v7 =	vld.idx.msk [tilespmem:v8+s16+$0x0], $0xffff  }
0x411: {  	v9 =	vadd.s32 s3, v0  }
0x412: {  	v9 =	vand.u32 $0x3F, v9  }
0x413: {  	v9 =	vor.u32 v3, v9;
	_ =	sdelay $0x1  }
0x414: {  	v7 =	vmul.f32 v7, v6;
	_ =	sdelay $0x1  }
0x415: {  	[tilespmem:v8+s16+$0x0] =	vst.idx.msk $0xffff, v7  }
0x416: {  	s29 =	simm.s32 $0x4;
	v7 =	vld.idx.msk [tilespmem:v9+s16+$0x0], $0xffff  }
0x417: {  	v8 =	vadd.s32 s29, v0  }
0x418: {  	v8 =	vand.u32 $0x3F, v8  }
0x419: {  	v8 =	vor.u32 v3, v8;
	_ =	sdelay $0x1  }
0x41a: {  	v7 =	vmul.f32 v7, v6;
	_ =	sdelay $0x1  }
0x41b: {  	[tilespmem:v9+s16+$0x0] =	vst.idx.msk $0xffff, v7  }
0x41c: {  	s30 =	simm.s32 $0x5;
	v7 =	vld.idx.msk [tilespmem:v8+s16+$0x0], $0xffff  }
0x41d: {  	v9 =	vadd.s32 s30, v0  }
0x41e: {  	v9 =	vand.u32 $0x3F, v9  }
0x41f: {  	v9 =	vor.u32 v3, v9;
	_ =	sdelay $0x1  }
0x420: {  	v7 =	vmul.f32 v7, v6;
	_ =	sdelay $0x1  }
0x421: {  	[tilespmem:v8+s16+$0x0] =	vst.idx.msk $0xffff, v7  }
0x422: {  	s31 =	simm.s32 $0x6;
	v7 =	vld.idx.msk [tilespmem:v9+s16+$0x0], $0xffff  }
0x423: {  	v8 =	vadd.s32 s31, v0  }
0x424: {  	v8 =	vand.u32 $0x3F, v8  }
0x425: {  	v8 =	vor.u32 v3, v8;
	_ =	sdelay $0x1  }
0x426: {  	v7 =	vmul.f32 v7, v6;
	_ =	sdelay $0x1  }
0x427: {  	[tilespmem:v9+s16+$0x0] =	vst.idx.msk $0xffff, v7  }
0x428: {  	s1 =	simm.s32 $0x7;
	v7 =	vld.idx.msk [tilespmem:v8+s16+$0x0], $0xffff  }
0x429: {  	v9 =	vadd.s32 s1, v0  }
0x42a: {  	v9 =	vand.u32 $0x3F, v9  }
0x42b: {  	v9 =	vor.u32 v3, v9;
	_ =	sdelay $0x1  }
0x42c: {  	v7 =	vmul.f32 v7, v6;
	_ =	sdelay $0x1  }
0x42d: {  	[tilespmem:v8+s16+$0x0] =	vst.idx.msk $0xffff, v7  }
0x42e: {  	s3 =	simm.s32 $0x8;
	v7 =	vld.idx.msk [tilespmem:v9+s16+$0x0], $0xffff  }
0x42f: {  	v8 =	vadd.s32 s3, v0  }
0x430: {  	v8 =	vand.u32 $0x3F, v8  }
0x431: {  	v8 =	vor.u32 v3, v8;
	_ =	sdelay $0x1  }
0x432: {  	v7 =	vmul.f32 v7, v6;
	_ =	sdelay $0x1  }
0x433: {  	[tilespmem:v9+s16+$0x0] =	vst.idx.msk $0xffff, v7  }
0x434: {  	s29 =	simm.s32 $0x9;
	v7 =	vld.idx.msk [tilespmem:v8+s16+$0x0], $0xffff  }
0x435: {  	v9 =	vadd.s32 s29, v0  }
0x436: {  	v9 =	vand.u32 $0x3F, v9  }
0x437: {  	v9 =	vor.u32 v3, v9;
	_ =	sdelay $0x1  }
0x438: {  	v7 =	vmul.f32 v7, v6;
	_ =	sdelay $0x1  }
0x439: {  	[tilespmem:v8+s16+$0x0] =	vst.idx.msk $0xffff, v7  }
0x43a: {  	s30 =	simm.s32 $0xA;
	v7 =	vld.idx.msk [tilespmem:v9+s16+$0x0], $0xffff  }
0x43b: {  	v8 =	vadd.s32 s30, v0  }
0x43c: {  	v8 =	vand.u32 $0x3F, v8  }
0x43d: {  	v8 =	vor.u32 v3, v8;
	_ =	sdelay $0x1  }
0x43e: {  	v7 =	vmul.f32 v7, v6;
	_ =	sdelay $0x1  }
0x43f: {  	[tilespmem:v9+s16+$0x0] =	vst.idx.msk $0xffff, v7  }
0x440: {  	s31 =	simm.s32 $0xB;
	v7 =	vld.idx.msk [tilespmem:v8+s16+$0x0], $0xffff  }
0x441: {  	v9 =	vadd.s32 s31, v0  }
0x442: {  	v9 =	vand.u32 $0x3F, v9  }
0x443: {  	v9 =	vor.u32 v3, v9;
	_ =	sdelay $0x1  }
0x444: {  	v7 =	vmul.f32 v7, v6;
	_ =	sdelay $0x1  }
0x445: {  	[tilespmem:v8+s16+$0x0] =	vst.idx.msk $0xffff, v7  }
0x446: {  	s1 =	simm.s32 $0xC;
	v7 =	vld.idx.msk [tilespmem:v9+s16+$0x0], $0xffff  }
0x447: {  	v8 =	vadd.s32 s1, v0  }
0x448: {  	v8 =	vand.u32 $0x3F, v8  }
0x449: {  	v8 =	vor.u32 v3, v8;
	_ =	sdelay $0x1  }
0x44a: {  	v7 =	vmul.f32 v7, v6;
	_ =	sdelay $0x1  }
0x44b: {  	[tilespmem:v9+s16+$0x0] =	vst.idx.msk $0xffff, v7  }
0x44c: {  	s3 =	simm.s32 $0xD;
	v7 =	vld.idx.msk [tilespmem:v8+s16+$0x0], $0xffff  }
0x44d: {  	v9 =	vadd.s32 s3, v0  }
0x44e: {  	v9 =	vand.u32 $0x3F, v9  }
0x44f: {  	v9 =	vor.u32 v3, v9;
	_ =	sdelay $0x1  }
0x450: {  	v7 =	vmul.f32 v7, v6;
	_ =	sdelay $0x1  }
0x451: {  	[tilespmem:v8+s16+$0x0] =	vst.idx.msk $0xffff, v7  }
0x452: {  	s29 =	simm.s32 $0xE;
	v7 =	vld.idx.msk [tilespmem:v9+s16+$0x0], $0xffff  }
0x453: {  	v8 =	vadd.s32 s29, v0  }
0x454: {  	v8 =	vand.u32 $0x3F, v8  }
0x455: {  	v10 =	vor.u32 v3, v8;
	_ =	sdelay $0x1  }
0x456: {  	v7 =	vmul.f32 v7, v6;
	_ =	sdelay $0x1  }
0x457: {  	[tilespmem:v9+s16+$0x0] =	vst.idx.msk $0xffff, v7  }
0x458: {  	s30 =	simm.s32 $0xF;
	v7 =	vld.idx.msk [tilespmem:v10+s16+$0x0], $0xffff  }
0x459: {  	v8 =	vadd.s32 s30, v0  }
0x45a: {  	v8 =	vand.u32 $0x3F, v8  }
0x45b: {  	v8 =	vor.u32 v3, v8;
	_ =	sdelay $0x1  }
0x45c: {  	v7 =	vmul.f32 v7, v6;
	_ =	sdelay $0x1  }
0x45d: {  	[tilespmem:v10+s16+$0x0] =	vst.idx.msk $0xffff, v7  }
0x45e: {  	v9 =	vld.idx.msk [tilespmem:v8+s16+$0x0], $0xffff;
	_ =	sdelay $0x1  }
0x45f: {  	s31 =	simm.s32 $0x10  }
0x460: {  	v7 =	vor.u32 s31, v5;
	_ =	sdelay $0x1  }
0x461: {  	s0 =	simm.s32 $0x2F;
	s28 =	simm.s32 $0x1F;
	v9 =	vmul.f32 v9, v6  }
.LBB2_20:
0x462: {  	_ = 	snop  }
0x463: {  	p1 =	sne.s32 s0, $0x3F;
	s3 =	smov.u32 s0;
	s0 =	sadd.s32 $0x10, s0;
	[tilespmem:v8+s16+$0x0] =	vst.idx.msk $0xffff, v9  }
0x464: {  	v8 =	vld.idx.msk [tilespmem:v7+s16+$0x0], $0xffff  }
0x465: {  	s1 =	sadd.s32 $0xFFFFFFF2, s28  }
0x466: {  	v9 =	vadd.s32 s1, v0  }
0x467: {  	v9 =	vand.u32 $0x3F, v9  }
0x468: {  	v9 =	vor.u32 v3, v9;
	_ =	sdelay $0x1  }
0x469: {  	v8 =	vmul.f32 v8, v6;
	_ =	sdelay $0x1  }
0x46a: {  	[tilespmem:v7+s16+$0x0] =	vst.idx.msk $0xffff, v8  }
0x46b: {  	v7 =	vld.idx.msk [tilespmem:v9+s16+$0x0], $0xffff  }
0x46c: {  	s1 =	sadd.s32 $0xFFFFFFF3, s28  }
0x46d: {  	v8 =	vadd.s32 s1, v0  }
0x46e: {  	v8 =	vand.u32 $0x3F, v8  }
0x46f: {  	v8 =	vor.u32 v3, v8;
	_ =	sdelay $0x1  }
0x470: {  	v7 =	vmul.f32 v7, v6;
	_ =	sdelay $0x1  }
0x471: {  	[tilespmem:v9+s16+$0x0] =	vst.idx.msk $0xffff, v7  }
0x472: {  	v7 =	vld.idx.msk [tilespmem:v8+s16+$0x0], $0xffff  }
0x473: {  	s1 =	sadd.s32 $0xFFFFFFF4, s28  }
0x474: {  	v9 =	vadd.s32 s1, v0  }
0x475: {  	v9 =	vand.u32 $0x3F, v9  }
0x476: {  	v9 =	vor.u32 v3, v9;
	_ =	sdelay $0x1  }
0x477: {  	v7 =	vmul.f32 v7, v6;
	_ =	sdelay $0x1  }
0x478: {  	[tilespmem:v8+s16+$0x0] =	vst.idx.msk $0xffff, v7  }
0x479: {  	v7 =	vld.idx.msk [tilespmem:v9+s16+$0x0], $0xffff  }
0x47a: {  	s1 =	sadd.s32 $0xFFFFFFF5, s28  }
0x47b: {  	v8 =	vadd.s32 s1, v0  }
0x47c: {  	v8 =	vand.u32 $0x3F, v8  }
0x47d: {  	v8 =	vor.u32 v3, v8;
	_ =	sdelay $0x1  }
0x47e: {  	v7 =	vmul.f32 v7, v6;
	_ =	sdelay $0x1  }
0x47f: {  	[tilespmem:v9+s16+$0x0] =	vst.idx.msk $0xffff, v7  }
0x480: {  	v7 =	vld.idx.msk [tilespmem:v8+s16+$0x0], $0xffff  }
0x481: {  	s1 =	sadd.s32 $0xFFFFFFF6, s28  }
0x482: {  	v9 =	vadd.s32 s1, v0  }
0x483: {  	v9 =	vand.u32 $0x3F, v9  }
0x484: {  	v9 =	vor.u32 v3, v9;
	_ =	sdelay $0x1  }
0x485: {  	v7 =	vmul.f32 v7, v6;
	_ =	sdelay $0x1  }
0x486: {  	[tilespmem:v8+s16+$0x0] =	vst.idx.msk $0xffff, v7  }
0x487: {  	v7 =	vld.idx.msk [tilespmem:v9+s16+$0x0], $0xffff  }
0x488: {  	s1 =	sadd.s32 $0xFFFFFFF7, s28  }
0x489: {  	v8 =	vadd.s32 s1, v0  }
0x48a: {  	v8 =	vand.u32 $0x3F, v8  }
0x48b: {  	v8 =	vor.u32 v3, v8;
	_ =	sdelay $0x1  }
0x48c: {  	v7 =	vmul.f32 v7, v6;
	_ =	sdelay $0x1  }
0x48d: {  	[tilespmem:v9+s16+$0x0] =	vst.idx.msk $0xffff, v7  }
0x48e: {  	v7 =	vld.idx.msk [tilespmem:v8+s16+$0x0], $0xffff  }
0x48f: {  	s1 =	sadd.s32 $0xFFFFFFF8, s28  }
0x490: {  	v9 =	vadd.s32 s1, v0  }
0x491: {  	v9 =	vand.u32 $0x3F, v9  }
0x492: {  	v9 =	vor.u32 v3, v9;
	_ =	sdelay $0x1  }
0x493: {  	v7 =	vmul.f32 v7, v6;
	_ =	sdelay $0x1  }
0x494: {  	[tilespmem:v8+s16+$0x0] =	vst.idx.msk $0xffff, v7  }
0x495: {  	v7 =	vld.idx.msk [tilespmem:v9+s16+$0x0], $0xffff  }
0x496: {  	s1 =	sadd.s32 $0xFFFFFFF9, s28  }
0x497: {  	v8 =	vadd.s32 s1, v0  }
0x498: {  	v8 =	vand.u32 $0x3F, v8  }
0x499: {  	v8 =	vor.u32 v3, v8;
	_ =	sdelay $0x1  }
0x49a: {  	v7 =	vmul.f32 v7, v6;
	_ =	sdelay $0x1  }
0x49b: {  	[tilespmem:v9+s16+$0x0] =	vst.idx.msk $0xffff, v7  }
0x49c: {  	v7 =	vld.idx.msk [tilespmem:v8+s16+$0x0], $0xffff  }
0x49d: {  	s1 =	sadd.s32 $0xFFFFFFFA, s28  }
0x49e: {  	v9 =	vadd.s32 s1, v0  }
0x49f: {  	v9 =	vand.u32 $0x3F, v9  }
0x4a0: {  	v9 =	vor.u32 v3, v9;
	_ =	sdelay $0x1  }
0x4a1: {  	v7 =	vmul.f32 v7, v6;
	_ =	sdelay $0x1  }
0x4a2: {  	[tilespmem:v8+s16+$0x0] =	vst.idx.msk $0xffff, v7  }
0x4a3: {  	v7 =	vld.idx.msk [tilespmem:v9+s16+$0x0], $0xffff  }
0x4a4: {  	s1 =	sadd.s32 $0xFFFFFFFB, s28  }
0x4a5: {  	v8 =	vadd.s32 s1, v0  }
0x4a6: {  	v8 =	vand.u32 $0x3F, v8  }
0x4a7: {  	v8 =	vor.u32 v3, v8;
	_ =	sdelay $0x1  }
0x4a8: {  	v7 =	vmul.f32 v7, v6;
	_ =	sdelay $0x1  }
0x4a9: {  	[tilespmem:v9+s16+$0x0] =	vst.idx.msk $0xffff, v7  }
0x4aa: {  	v7 =	vld.idx.msk [tilespmem:v8+s16+$0x0], $0xffff  }
0x4ab: {  	s1 =	sadd.s32 $0xFFFFFFFC, s28  }
0x4ac: {  	v9 =	vadd.s32 s1, v0  }
0x4ad: {  	v9 =	vand.u32 $0x3F, v9  }
0x4ae: {  	v9 =	vor.u32 v3, v9;
	_ =	sdelay $0x1  }
0x4af: {  	v7 =	vmul.f32 v7, v6;
	_ =	sdelay $0x1  }
0x4b0: {  	[tilespmem:v8+s16+$0x0] =	vst.idx.msk $0xffff, v7  }
0x4b1: {  	v7 =	vld.idx.msk [tilespmem:v9+s16+$0x0], $0xffff  }
0x4b2: {  	s1 =	sadd.s32 $0xFFFFFFFD, s28  }
0x4b3: {  	v8 =	vadd.s32 s1, v0  }
0x4b4: {  	v8 =	vand.u32 $0x3F, v8  }
0x4b5: {  	v8 =	vor.u32 v3, v8;
	_ =	sdelay $0x1  }
0x4b6: {  	v7 =	vmul.f32 v7, v6;
	_ =	sdelay $0x1  }
0x4b7: {  	[tilespmem:v9+s16+$0x0] =	vst.idx.msk $0xffff, v7  }
0x4b8: {  	v7 =	vld.idx.msk [tilespmem:v8+s16+$0x0], $0xffff  }
0x4b9: {  	s1 =	sadd.s32 $0xFFFFFFFE, s28  }
0x4ba: {  	v9 =	vadd.s32 s1, v0  }
0x4bb: {  	v9 =	vand.u32 $0x3F, v9  }
0x4bc: {  	v9 =	vor.u32 v3, v9;
	_ =	sdelay $0x1  }
0x4bd: {  	v7 =	vmul.f32 v7, v6;
	_ =	sdelay $0x1  }
0x4be: {  	[tilespmem:v8+s16+$0x0] =	vst.idx.msk $0xffff, v7  }
0x4bf: {  	v7 =	vld.idx.msk [tilespmem:v9+s16+$0x0], $0xffff  }
0x4c0: {  	s1 =	sadd.s32 $0xFFFFFFFF, s28  }
0x4c1: {  	v8 =	vadd.s32 s1, v0  }
0x4c2: {  	v8 =	vand.u32 $0x3F, v8  }
0x4c3: {  	v10 =	vor.u32 v3, v8;
	_ =	sdelay $0x1  }
0x4c4: {  	v7 =	vmul.f32 v7, v6;
	_ =	sdelay $0x1  }
0x4c5: {  	[tilespmem:v9+s16+$0x0] =	vst.idx.msk $0xffff, v7  }
0x4c6: {  	v7 =	vld.idx.msk [tilespmem:v10+s16+$0x0], $0xffff;
	_ =	sdelay $0x1  }
0x4c7: {  	v8 =	vadd.s32 s28, v0;
	s28 =	smov.u32 s3  }
0x4c8: {  	v8 =	vand.u32 $0x3F, v8  }
0x4c9: {  	v8 =	vor.u32 v3, v8;
	_ =	sdelay $0x1  }
0x4ca: {  	v7 =	vmul.f32 v7, v6;
	_ =	sdelay $0x1  }
0x4cb: {  	[tilespmem:v10+s16+$0x0] =	vst.idx.msk $0xffff, v7  }
0x4cc: {  	v9 =	vld.idx.msk [tilespmem:v8+s16+$0x0], $0xffff;
	_ =	sdelay $0x1  }
.Ltmp8:
0x4cd: {  	(pc) =	sbr.rel @p1 .LBB2_20-.Ltmp8, $3  }
0x4ce: {  	s1 =	sadd.s32 $0xFFFFFFF1, s28  }
0x4cf: {  	v7 =	vor.u32 s1, v5;
	_ =	sdelay $0x1  }
0x4d0: {  	v9 =	vmul.f32 v9, v6  }
0x4d1: {  	_ =	sdelay $0x3  }
0x4d2: {  	[tilespmem:v8+s16+$0x0] =	vst.idx.msk $0xffff, v9  }
0x4d3: {  	s0 =	sadd.s32 $0xFFFFFFF2, s28;
	v5 =	vld.idx.msk [tilespmem:v7+s16+$0x0], $0xffff  }
0x4d4: {  	v49 =	vadd.s32 s0, v0  }
0x4d5: {  	v8 =	vand.u32 $0x3F, v49  }
0x4d6: {  	v8 =	vor.u32 v3, v8;
	_ =	sdelay $0x1  }
0x4d7: {  	v5 =	vmul.f32 v5, v6;
	_ =	sdelay $0x1  }
0x4d8: {  	[tilespmem:v7+s16+$0x0] =	vst.idx.msk $0xffff, v5  }
0x4d9: {  	s29 =	sadd.s32 $0xFFFFFFF3, s28;
	v5 =	vld.idx.msk [tilespmem:v8+s16+$0x0], $0xffff  }
0x4da: {  	v50 =	vadd.s32 s29, v0  }
0x4db: {  	v7 =	vand.u32 $0x3F, v50  }
0x4dc: {  	v7 =	vor.u32 v3, v7;
	_ =	sdelay $0x1  }
0x4dd: {  	v5 =	vmul.f32 v5, v6;
	_ =	sdelay $0x1  }
0x4de: {  	[tilespmem:v8+s16+$0x0] =	vst.idx.msk $0xffff, v5  }
0x4df: {  	s30 =	sadd.s32 $0xFFFFFFF4, s28;
	v5 =	vld.idx.msk [tilespmem:v7+s16+$0x0], $0xffff  }
0x4e0: {  	v51 =	vadd.s32 s30, v0  }
0x4e1: {  	v8 =	vand.u32 $0x3F, v51  }
0x4e2: {  	v8 =	vor.u32 v3, v8;
	_ =	sdelay $0x1  }
0x4e3: {  	v5 =	vmul.f32 v5, v6;
	_ =	sdelay $0x1  }
0x4e4: {  	[tilespmem:v7+s16+$0x0] =	vst.idx.msk $0xffff, v5  }
0x4e5: {  	s31 =	sadd.s32 $0xFFFFFFF5, s28;
	v5 =	vld.idx.msk [tilespmem:v8+s16+$0x0], $0xffff  }
0x4e6: {  	v52 =	vadd.s32 s31, v0  }
0x4e7: {  	v7 =	vand.u32 $0x3F, v52  }
0x4e8: {  	v7 =	vor.u32 v3, v7;
	_ =	sdelay $0x1  }
0x4e9: {  	v5 =	vmul.f32 v5, v6;
	_ =	sdelay $0x1  }
0x4ea: {  	[tilespmem:v8+s16+$0x0] =	vst.idx.msk $0xffff, v5  }
0x4eb: {  	s1 =	sadd.s32 $0xFFFFFFF6, s28;
	v5 =	vld.idx.msk [tilespmem:v7+s16+$0x0], $0xffff  }
0x4ec: {  	v53 =	vadd.s32 s1, v0  }
0x4ed: {  	v8 =	vand.u32 $0x3F, v53  }
0x4ee: {  	v8 =	vor.u32 v3, v8;
	_ =	sdelay $0x1  }
0x4ef: {  	v5 =	vmul.f32 v5, v6;
	_ =	sdelay $0x1  }
0x4f0: {  	[tilespmem:v7+s16+$0x0] =	vst.idx.msk $0xffff, v5  }
0x4f1: {  	s3 =	sadd.s32 $0xFFFFFFF7, s28;
	v5 =	vld.idx.msk [tilespmem:v8+s16+$0x0], $0xffff  }
0x4f2: {  	v54 =	vadd.s32 s3, v0  }
0x4f3: {  	v7 =	vand.u32 $0x3F, v54  }
0x4f4: {  	v7 =	vor.u32 v3, v7;
	_ =	sdelay $0x1  }
0x4f5: {  	v5 =	vmul.f32 v5, v6;
	_ =	sdelay $0x1  }
0x4f6: {  	[tilespmem:v8+s16+$0x0] =	vst.idx.msk $0xffff, v5  }
0x4f7: {  	s29 =	sadd.s32 $0xFFFFFFF8, s28;
	v5 =	vld.idx.msk [tilespmem:v7+s16+$0x0], $0xffff  }
0x4f8: {  	v55 =	vadd.s32 s29, v0  }
0x4f9: {  	v8 =	vand.u32 $0x3F, v55  }
0x4fa: {  	v8 =	vor.u32 v3, v8;
	_ =	sdelay $0x1  }
0x4fb: {  	v5 =	vmul.f32 v5, v6;
	_ =	sdelay $0x1  }
0x4fc: {  	[tilespmem:v7+s16+$0x0] =	vst.idx.msk $0xffff, v5  }
0x4fd: {  	s30 =	sadd.s32 $0xFFFFFFF9, s28;
	v5 =	vld.idx.msk [tilespmem:v8+s16+$0x0], $0xffff  }
0x4fe: {  	v56 =	vadd.s32 s30, v0  }
0x4ff: {  	v7 =	vand.u32 $0x3F, v56  }
0x500: {  	v7 =	vor.u32 v3, v7;
	_ =	sdelay $0x1  }
0x501: {  	v5 =	vmul.f32 v5, v6;
	_ =	sdelay $0x1  }
0x502: {  	[tilespmem:v8+s16+$0x0] =	vst.idx.msk $0xffff, v5  }
0x503: {  	s31 =	sadd.s32 $0xFFFFFFFA, s28;
	v5 =	vld.idx.msk [tilespmem:v7+s16+$0x0], $0xffff  }
0x504: {  	v57 =	vadd.s32 s31, v0  }
0x505: {  	v8 =	vand.u32 $0x3F, v57  }
0x506: {  	v8 =	vor.u32 v3, v8;
	_ =	sdelay $0x1  }
0x507: {  	v5 =	vmul.f32 v5, v6;
	_ =	sdelay $0x1  }
0x508: {  	[tilespmem:v7+s16+$0x0] =	vst.idx.msk $0xffff, v5  }
0x509: {  	s1 =	sadd.s32 $0xFFFFFFFB, s28;
	v5 =	vld.idx.msk [tilespmem:v8+s16+$0x0], $0xffff  }
0x50a: {  	v58 =	vadd.s32 s1, v0  }
0x50b: {  	v7 =	vand.u32 $0x3F, v58  }
0x50c: {  	v7 =	vor.u32 v3, v7;
	_ =	sdelay $0x1  }
0x50d: {  	v5 =	vmul.f32 v5, v6;
	_ =	sdelay $0x1  }
0x50e: {  	[tilespmem:v8+s16+$0x0] =	vst.idx.msk $0xffff, v5  }
0x50f: {  	s3 =	sadd.s32 $0xFFFFFFFC, s28;
	v5 =	vld.idx.msk [tilespmem:v7+s16+$0x0], $0xffff  }
0x510: {  	v59 =	vadd.s32 s3, v0  }
0x511: {  	v8 =	vand.u32 $0x3F, v59  }
0x512: {  	v8 =	vor.u32 v3, v8;
	_ =	sdelay $0x1  }
0x513: {  	v5 =	vmul.f32 v5, v6;
	_ =	sdelay $0x1  }
0x514: {  	[tilespmem:v7+s16+$0x0] =	vst.idx.msk $0xffff, v5  }
0x515: {  	s29 =	sadd.s32 $0xFFFFFFFD, s28;
	v5 =	vld.idx.msk [tilespmem:v8+s16+$0x0], $0xffff  }
0x516: {  	v60 =	vadd.s32 s29, v0  }
0x517: {  	v7 =	vand.u32 $0x3F, v60  }
0x518: {  	v7 =	vor.u32 v3, v7;
	_ =	sdelay $0x1  }
0x519: {  	v5 =	vmul.f32 v5, v6;
	_ =	sdelay $0x1  }
0x51a: {  	[tilespmem:v8+s16+$0x0] =	vst.idx.msk $0xffff, v5  }
0x51b: {  	s30 =	sadd.s32 $0xFFFFFFFE, s28;
	v5 =	vld.idx.msk [tilespmem:v7+s16+$0x0], $0xffff  }
0x51c: {  	v61 =	vadd.s32 s30, v0  }
0x51d: {  	v8 =	vand.u32 $0x3F, v61  }
0x51e: {  	v8 =	vor.u32 v3, v8;
	_ =	sdelay $0x1  }
0x51f: {  	v5 =	vmul.f32 v5, v6;
	_ =	sdelay $0x1  }
0x520: {  	[tilespmem:v7+s16+$0x0] =	vst.idx.msk $0xffff, v5  }
0x521: {  	s31 =	sadd.s32 $0xFFFFFFFF, s28;
	v5 =	vld.idx.msk [tilespmem:v8+s16+$0x0], $0xffff  }
0x522: {  	v62 =	vadd.s32 s31, v0  }
0x523: {  	v7 =	vand.u32 $0x3F, v62  }
0x524: {  	v7 =	vor.u32 v3, v7;
	_ =	sdelay $0x1  }
0x525: {  	v5 =	vmul.f32 v5, v6;
	_ =	sdelay $0x1  }
0x526: {  	[tilespmem:v8+s16+$0x0] =	vst.idx.msk $0xffff, v5  }
0x527: {  	v5 =	vld.idx.msk [tilespmem:v7+s16+$0x0], $0xffff  }
0x528: {  	v63 =	vadd.s32 s28, v0  }
0x529: {  	v8 =	vand.u32 $0x3F, v63  }
0x52a: {  	v3 =	vor.u32 v3, v8;
	_ =	sdelay $0x1  }
0x52b: {  	v5 =	vmul.f32 v5, v6;
	_ =	sdelay $0x1  }
0x52c: {  	[tilespmem:v7+s16+$0x0] =	vst.idx.msk $0xffff, v5  }
0x52d: {  	v5 =	vld.idx.msk [tilespmem:v3+s16+$0x0], $0xffff;
	_ =	sdelay $0x1  }
0x52e: {  	s26 =	sadd.s32 $0x1, s26  }
0x52f: {  	p1 =	sne.s32 s26, $0x5  }
.Ltmp9:
0x530: {  	_ = 	snop;
	(pc) =	sbr.rel @p1 .LBB2_17-.Ltmp9, $3  }
0x531: {  	v5 =	vmul.f32 v5, v6;
	_ =	sdelay $0x1  }
0x532: {  	[tilespmem:v3+s16+$0x0] =	vst.idx.msk $0xffff, v5  }
0x533: {  	[tilespmem:v4+s16+$0x0] =	vst.idx.msk $0xffff, v6  }
0x534: {  	s25 =	sadd.s32 $0x1, s25  }
0x535: {  	p1 =	sne.s32 s25, $0x5  }
.Ltmp10:
0x536: {  	_ = 	snop;
	(pc) =	sbr.rel @p1 .LBB2_2-.Ltmp10, $4  }
0x537: {  	[spmem:s2] =	stream.indirect.scatter.add.f32 [tilespmem:s16], [sflag:$0x5], $0x80, s24, s15, $0xb8;
	[tilespmem:$0x1F880] =	vst v63  }
0x538: {  	_ =	swait.ge [sflag:s13], $0x2800  }
0x539: {  	[sflag:s13] =	ssyncset.done $0x0  }
0x53a: {  	[sflag:s13] =	ssyncadd.s32 $0xFFFFD800  }
0x53b: {  	s4 =	sadd.s32 $0x1, s4  }
0x53c: {  	p1 =	sne.s32 s4, s10  }
.Ltmp11:
0x53d: {  	[bflag:$0x0] =	sbarrier.arrive $0xFFFF;
	s0 =	simm.s32 @!p0 $0x5;
	(pc) =	sbr.rel @p1 .LBB2_1-.Ltmp11, $4  }
0x53e: {  	[hbm:s9], [sflag:s11] =	dma.local @!p0 [spmem:s12], $0x3E80  }
0x53f: {  	_ =	swait.ge @!p0 [sflag:s0], $0x3E80  }
0x540: {  	[sflag:s0] =	ssyncset.done @!p0 $0x0  }
0x541: {  	[sflag:s0] =	ssyncadd.s32 @!p0 $0xFFFFC180  }
0x542: {  	_ =	sfence.sel $0x180000  }
0x543: {  	[bflag:$0x0] =	sbarrier.arrive $0xFFFF  }
0x544: {  	_ =	strace $0x90000047  }
0x545: {  	s0 =	stileid.u32;
	[bflag:$0x2] =	sbarrier.arrive $0xFFFF  }
0x546: {  	p0 =	sne.s32 s0, $0x0;
	s0 =	rddreg [dreg:$0x3]  }
0x547: {  	s0 =	sadd.s32 @!p0 $0x100000, s0  }
0x548: {  	[sflag:s0] =	ssyncadd.tile.s32 @!p0 $0x1;
	_ =	shalt  }
.Lfunc_end2:
_tile_overlayer_lowered:
.L_overlay_start_2:
0x549: {  	(tag) =	ssettag $0x2  }
0x54a: {  	s0 =	rddreg [dreg:$0x0];
	s2 =	stileid.u32  }
0x54b: {  	s1 =	rddreg [dreg:$0x1];
	p0 =	sne.s32 s2, $0x0  }
0x54c: {  	s3 =	rddreg [dreg:$0x2];
	[bflag:$0x3] =	sbarrier.arrive $0xFFFF;
	s2 =	simm.s32 @!p0 $0x1C05  }
0x54d: {  	[timem:s3], [sflag:s2] =	dma.local @!p0 [hbm:s0], s1  }
0x54e: {  	s0 =	simm.s32 @!p0 $0x5  }
0x54f: {  	_ =	swait.ge @!p0 [sflag:s0], s1  }
0x550: {  	s1 =	ssub.s32 @!p0 $0x0, s1;
	[sflag:s0] =	ssyncset.done @!p0 $0x0  }
0x551: {  	[sflag:s0] =	ssyncadd.s32 @!p0 s1  }
0x552: {  	[bflag:$0x3] =	sbarrier.arrive $0xFFFF  }
0x553: {  	_ =	shalt  }

</sc_bundles>
